<compile_context>
chip_gen: v7x
topology: tpu7x:2x2x1
jax: 0.10.2.dev20260603
libtpu: 0.0.44.dev20260713+nightly
codegen_flags: <defaults>
</compile_context>

<pallas_src>
import functools

import jax
import jax.numpy as jnp
from jax import lax
from jax.experimental import pallas as pl
from jax.experimental.pallas import tpu as pltpu
from jax.experimental.pallas import tpu_sc as plsc

BP = 128
CH = 80
NW = 32


SLAB = 5
SLAB_ROWS = SLAB * CH


def _seg_sum_sc(x, batch2, n_nodes, d):
    nchunks = n_nodes // CH
    nslabs = nchunks // SLAB
    full_rounds = nslabs // NW
    tail = nslabs - full_rounds * NW
    zs = jnp.zeros((BP, d), jnp.float32)
    ones = jnp.ones((CH, d), jnp.float32)
    mesh = plsc.VectorSubcoreMesh(core_axis_name="c", subcore_axis_name="s")

    @functools.partial(
        pl.kernel, mesh=mesh,
        out_type=[
            jax.ShapeDtypeStruct((2, BP, d), jnp.float32),
            jax.ShapeDtypeStruct((2, BP, d), jnp.float32),
        ],
        scratch_types=(
            [pltpu.VMEM((SLAB_ROWS, d), jnp.float32)] * 2
            + [pltpu.VMEM((CH,), jnp.int32)] * (2 * SLAB)
            + [
                pltpu.VMEM((CH, d), jnp.float32),
                pltpu.VMEM_SHARED((BP, d), jnp.float32),
                pltpu.VMEM_SHARED((BP, d), jnp.float32),
                pltpu.SemaphoreType.DMA,
                pltpu.SemaphoreType.DMA,
            ]
        ),
    )
    def seg_kernel(x_hbm, b_hbm, zs_hbm, ones_hbm,
                   sums_out, counts_out, *rest):
        xv0, xv1 = rest[0], rest[1]
        ivs0 = rest[2:2 + SLAB]
        ivs1 = rest[2 + SLAB:2 + 2 * SLAB]
        onesv, sums_sh, counts_sh, sem0, sem1 = rest[2 + 2 * SLAB:]
        cid = lax.axis_index("c")
        sid = lax.axis_index("s")
        wid = sid * 2 + cid

        pltpu.sync_copy(ones_hbm, onesv)

        @pl.when(sid == 0)
        def _zero():
            pltpu.sync_copy(zs_hbm, sums_sh)
            pltpu.sync_copy(zs_hbm, counts_sh)
        plsc.subcore_barrier()

        bufs = ((xv0, ivs0, sem0), (xv1, ivs1, sem1))

        def start_slab(j, buf):
            xb, ivl, sem = buf
            handles = [pltpu.make_async_copy(
                x_hbm.at[pl.ds(j * SLAB_ROWS, SLAB_ROWS)], xb, sem)]
            for k in range(SLAB):
                handles.append(pltpu.make_async_copy(
                    b_hbm.at[pl.ds(j * SLAB_ROWS + k * CH, CH)], ivl[k], sem))
            for h in handles:
                h.start()
            return handles

        def drain_and_scatter(handles, buf):
            xb, ivl, _ = buf
            for h in handles:
                h.wait()
            for k in range(SLAB):
                pltpu.sync_copy(xb.at[pl.ds(k * CH, CH)],
                                sums_sh.at[ivl[k]], add=True)
                pltpu.sync_copy(onesv, counts_sh.at[ivl[k]], add=True)

        handles = start_slab(wid, bufs[0])
        for t in range(full_rounds):
            cur = bufs[t % 2]
            if t + 1 < full_rounds:
                nxt_handles = start_slab((t + 1) * NW + wid, bufs[(t + 1) % 2])
            drain_and_scatter(handles, cur)
            if t + 1 < full_rounds:
                handles = nxt_handles

        @pl.when(wid < tail)
        def _tail():
            j = full_rounds * NW + wid
            pltpu.sync_copy(x_hbm.at[pl.ds(j * SLAB_ROWS, SLAB_ROWS)], xv0)
            for k in range(SLAB):
                pltpu.sync_copy(
                    b_hbm.at[pl.ds(j * SLAB_ROWS + k * CH, CH)], ivs0[k])
            for k in range(SLAB):
                pltpu.sync_copy(xv0.at[pl.ds(k * CH, CH)],
                                sums_sh.at[ivs0[k]], add=True)
                pltpu.sync_copy(onesv, counts_sh.at[ivs0[k]], add=True)

        plsc.subcore_barrier()

        @pl.when(sid == 0)
        def _writeout():
            pltpu.sync_copy(sums_sh, sums_out.at[cid])
            pltpu.sync_copy(counts_sh, counts_out.at[cid])

    return seg_kernel(x, batch2, zs, ones)


def _mlp_body(x_ref, mask_ref, W1_ref, b1_ref, W2_ref, b2_ref, w3_ref, b3_ref,
              z_ref):
    xb = x_ref[...]
    h = jnp.maximum(
        lax.dot_general(xb, W1_ref[...], (((1,), (1,)), ((), ())),
                        preferred_element_type=jnp.float32) + b1_ref[...], 0.0)
    h = jnp.maximum(
        lax.dot_general(h, W2_ref[...], (((1,), (1,)), ((), ())),
                        preferred_element_type=jnp.float32) + b2_ref[...], 0.0)
    z = jnp.sum(h * w3_ref[...], axis=1, keepdims=True) + b3_ref[...]
    z_ref[...] = jnp.where(mask_ref[...] != 0, z, -jnp.inf)


def _vf_body(sums_ref, counts_ref, vW1_ref, vb1_ref, vW2_ref, vb2_ref,
             vw3_ref, vb3_ref, v_ref):
    sums = sums_ref[0] + sums_ref[1]
    counts = counts_ref[0, :, 0:1] + counts_ref[1, :, 0:1]
    mean = sums / jnp.maximum(counts, 1.0)
    hv = jnp.maximum(
        lax.dot_general(mean, vW1_ref[...], (((1,), (1,)), ((), ())),
                        preferred_element_type=jnp.float32) + vb1_ref[...], 0.0)
    hv = jnp.maximum(
        lax.dot_general(hv, vW2_ref[...], (((1,), (1,)), ((), ())),
                        preferred_element_type=jnp.float32) + vb2_ref[...], 0.0)
    v_ref[...] = jnp.sum(hv * vw3_ref[...], axis=1, keepdims=True) + vb3_ref[...]


def kernel(x, node_type, action_mask, node_indices, batch, N,
           mlp_W1, mlp_b1, mlp_W2, mlp_b2, mlp_W3, mlp_b3,
           vf_W1, vf_b1, vf_W2, vf_b2, vf_W3, vf_b3):
    n_nodes, d = x.shape
    b = N.shape[0]
    blk = 10000
    nb = n_nodes // blk

    maskcol = action_mask.astype(jnp.int32).reshape(n_nodes, 1)
    b1r = mlp_b1.reshape(1, -1)
    b2r = mlp_b2.reshape(1, -1)
    w3r = mlp_W3.reshape(1, -1)
    b3r = mlp_b3.reshape(1, 1)
    vb1r = vf_b1.reshape(1, -1)
    vb2r = vf_b2.reshape(1, -1)
    vw3r = vf_W3.reshape(1, -1)
    vb3r = vf_b3.reshape(1, 1)

    sums_p, counts_p = _seg_sum_sc(x, batch.astype(jnp.int32), n_nodes, d)

    full = lambda shape: pl.BlockSpec(shape, lambda i: (0,) * len(shape))
    z = pl.pallas_call(
        _mlp_body,
        grid=(nb,),
        in_specs=[
            pl.BlockSpec((blk, d), lambda i: (i, 0)),
            pl.BlockSpec((blk, 1), lambda i: (i, 0)),
            full(mlp_W1.shape), full(b1r.shape),
            full(mlp_W2.shape), full(b2r.shape),
            full(w3r.shape), full(b3r.shape),
        ],
        out_specs=pl.BlockSpec((blk, 1), lambda i: (i, 0)),
        out_shape=jax.ShapeDtypeStruct((n_nodes, 1), jnp.float32),
        compiler_params=pltpu.CompilerParams(
            dimension_semantics=("arbitrary",)),
    )(x, maskcol, mlp_W1, b1r, mlp_W2, b2r, w3r, b3r)

    v_full = pl.pallas_call(
        _vf_body,
        out_shape=jax.ShapeDtypeStruct((BP, 1), jnp.float32),
    )(sums_p, counts_p, vf_W1, vb1r, vf_W2, vb2r, vw3r, vb3r)

    return (z, v_full[:b])

# --- scband reference (transcript-rebuilt; emitter-appended) ---
"""Pipeline reference for scband-actor-critic-read-out-352187319108 (READ-ONLY COPY).

The authoritative reference and input builder live on the scoring server;
editing this copy changes nothing except your own understanding.
"""

import jax, jax.numpy as jnp
import numpy as np

N_NODES, D, H1, H2, B = 100000, 128, 128, 128, 100

def _mlp(x, W1, b1, W2, b2, W3, b3):
    h = jax.nn.relu(x @ W1.T + b1)
    h = jax.nn.relu(h @ W2.T + b2)
    return h @ W3.T + b3

def setup_inputs(seed: int = 0):
    key = jax.random.key(seed)
    ks = jax.random.split(key, 16)
    inp = {}
    inp["x"] = jax.random.normal(ks[0], (N_NODES, D), jnp.float32)
    inp["node_type"] = jax.random.randint(ks[1], (N_NODES,), 0, 8)
    inp["action_mask"] = jax.random.randint(ks[2], (N_NODES,), 0, 2)
    inp["node_indices"] = jnp.zeros((N_NODES,), jnp.int32)
    inp["batch"] = jnp.sort(jax.random.randint(ks[3], (N_NODES,), 0, B))
    inp["N"] = jnp.ones((B,), jnp.int32)
    s = 0.02
    inp["mlp_W1"] = jax.random.normal(ks[4], (H1, D), jnp.float32) * s
    inp["mlp_b1"] = jnp.zeros((H1,), jnp.float32)
    inp["mlp_W2"] = jax.random.normal(ks[5], (H2, H1), jnp.float32) * s
    inp["mlp_b2"] = jnp.zeros((H2,), jnp.float32)
    inp["mlp_W3"] = jax.random.normal(ks[6], (1, H2), jnp.float32) * s
    inp["mlp_b3"] = jnp.zeros((1,), jnp.float32)
    inp["vf_W1"] = jax.random.normal(ks[7], (H1, D), jnp.float32) * s
    inp["vf_b1"] = jnp.zeros((H1,), jnp.float32)
    inp["vf_W2"] = jax.random.normal(ks[8], (H2, H1), jnp.float32) * s
    inp["vf_b2"] = jnp.zeros((H2,), jnp.float32)
    inp["vf_W3"] = jax.random.normal(ks[9], (1, H2), jnp.float32) * s
    inp["vf_b3"] = jnp.zeros((1,), jnp.float32)
    return inp

def reference(x, node_type, action_mask, node_indices, batch, N, mlp_W1, mlp_b1, mlp_W2, mlp_b2, mlp_W3, mlp_b3, vf_W1, vf_b1, vf_W2, vf_b2, vf_W3, vf_b3):
    num_graphs = N.shape[0]
    # global_mean_pool: segment mean over batch ids
    sums = jax.ops.segment_sum(x, batch, num_segments=num_graphs)
    counts = jax.ops.segment_sum(jnp.ones((x.shape[0],), x.dtype), batch, num_segments=num_graphs)
    h_mean = sums / jnp.maximum(counts, 1.0)[:, None]
    z_full = _mlp(x, mlp_W1, mlp_b1, mlp_W2, mlp_b2, mlp_W3, mlp_b3).squeeze()
    z_all = jnp.where(action_mask != 0, z_full, jnp.full((x.shape[0],), -jnp.inf, dtype=x.dtype))
    # multi_length=False path: view(-1, N[0]); N is always jnp.ones((B,), int32)
    z = z_all.reshape(-1, 1) + (N[0] - N[0]).astype(x.dtype)
    v = _mlp(h_mean, vf_W1, vf_b1, vf_W2, vf_b2, vf_W3, vf_b3)
    return (z, v)

if __name__ == "__main__":
    import jax
    _d = setup_inputs()
    print(jax.jit(kernel)(*tuple(_d.values())))

</pallas_src>

<mosaic_0001>
#map = affine_map<(d0, d1) -> (0, 0)>
#map1 = affine_map<(d0, d1) -> (0)>
#map2 = affine_map<(d0, d1) -> (0, 0, 0)>
module attributes {stable_mosaic.version = 14 : i64} {
  func.func @seg_kernel(%arg0: i32, %arg1: i32, %arg2: memref<100000x128xf32, #tpu.memory_space<hbm>>, %arg3: memref<100000xi32, #tpu.memory_space<hbm>>, %arg4: memref<128x128xf32, #tpu.memory_space<hbm>>, %arg5: memref<80x128xf32, #tpu.memory_space<hbm>>, %arg6: memref<2x128x128xf32, #tpu.memory_space<hbm>>, %arg7: memref<2x128x128xf32, #tpu.memory_space<hbm>>, %arg8: memref<400x128xf32, #tpu.memory_space<vmem>>, %arg9: memref<400x128xf32, #tpu.memory_space<vmem>>, %arg10: memref<80xi32, #tpu.memory_space<vmem>>, %arg11: memref<80xi32, #tpu.memory_space<vmem>>, %arg12: memref<80xi32, #tpu.memory_space<vmem>>, %arg13: memref<80xi32, #tpu.memory_space<vmem>>, %arg14: memref<80xi32, #tpu.memory_space<vmem>>, %arg15: memref<80xi32, #tpu.memory_space<vmem>>, %arg16: memref<80xi32, #tpu.memory_space<vmem>>, %arg17: memref<80xi32, #tpu.memory_space<vmem>>, %arg18: memref<80xi32, #tpu.memory_space<vmem>>, %arg19: memref<80xi32, #tpu.memory_space<vmem>>, %arg20: memref<80x128xf32, #tpu.memory_space<vmem>>, %arg21: memref<128x128xf32, #tpu.memory_space<vmem_shared>>, %arg22: memref<128x128xf32, #tpu.memory_space<vmem_shared>>, %arg23: memref<!tpu.dma_semaphore, #tpu.memory_space<semaphore_mem>>, %arg24: memref<!tpu.dma_semaphore, #tpu.memory_space<semaphore_mem>>) attributes {dimension_semantics = [#tpu.dimension_semantics<core_parallel>, #tpu.dimension_semantics<subcore_parallel>], iteration_bounds = array<i64: 2, 16>, scalar_prefetch = 0 : i64, scratch_operands = 17 : i64, tpu.core_type = #tpu.core_type<sc_vector_subcore>, window_params = [{transform_indices = #map}, {transform_indices = #map1}, {transform_indices = #map}, {transform_indices = #map}, {transform_indices = #map2}, {transform_indices = #map2}]} {
    %mul3A = arith.constant 2 : i32
    %mul3A_0 = arith.muli %arg1, %mul3A : i32
    %add3A = arith.addi %mul3A_0, %arg0 : i32
    "tpu.region"() ({
      %run_scoped3A = tpu.sem_alloc : memref<!tpu.dma_semaphore, #tpu.memory_space<semaphore_mem>>
      tpu.enqueue_dma source(%arg5 : memref<80x128xf32, #tpu.memory_space<hbm>>) target(%arg20 : memref<80x128xf32, #tpu.memory_space<vmem>>) target_semaphore(%run_scoped3A : memref<!tpu.dma_semaphore, #tpu.memory_space<semaphore_mem>>)
      tpu.wait_dma2 semaphore(%run_scoped3A : memref<!tpu.dma_semaphore, #tpu.memory_space<semaphore_mem>>) src(%arg5 : memref<80x128xf32, #tpu.memory_space<hbm>>) dst(%arg20 : memref<80x128xf32, #tpu.memory_space<vmem>>)
      tpu.yield
    }) : () -> ()
    %eq3A = arith.constant 0 : i32
    %eq3A_1 = arith.cmpi eq, %arg1, %eq3A : i32
    %convert_element_type3A = arith.extui %eq3A_1 : i1 to i32
    %cond3A = arith.constant 0 : i32
    %cond3A_2 = arith.cmpi ne, %convert_element_type3A, %cond3A : i32
    scf.if %cond3A_2 {
      "tpu.region"() ({
        %run_scoped3A = tpu.sem_alloc : memref<!tpu.dma_semaphore, #tpu.memory_space<semaphore_mem>>
        tpu.enqueue_dma source(%arg4 : memref<128x128xf32, #tpu.memory_space<hbm>>) target(%arg21 : memref<128x128xf32, #tpu.memory_space<vmem_shared>>) target_semaphore(%run_scoped3A : memref<!tpu.dma_semaphore, #tpu.memory_space<semaphore_mem>>)
        tpu.wait_dma2 semaphore(%run_scoped3A : memref<!tpu.dma_semaphore, #tpu.memory_space<semaphore_mem>>) src(%arg4 : memref<128x128xf32, #tpu.memory_space<hbm>>) dst(%arg21 : memref<128x128xf32, #tpu.memory_space<vmem_shared>>)
        tpu.yield
      }) : () -> ()
      "tpu.region"() ({
        %run_scoped3A = tpu.sem_alloc : memref<!tpu.dma_semaphore, #tpu.memory_space<semaphore_mem>>
        tpu.enqueue_dma source(%arg4 : memref<128x128xf32, #tpu.memory_space<hbm>>) target(%arg22 : memref<128x128xf32, #tpu.memory_space<vmem_shared>>) target_semaphore(%run_scoped3A : memref<!tpu.dma_semaphore, #tpu.memory_space<semaphore_mem>>)
        tpu.wait_dma2 semaphore(%run_scoped3A : memref<!tpu.dma_semaphore, #tpu.memory_space<semaphore_mem>>) src(%arg4 : memref<128x128xf32, #tpu.memory_space<hbm>>) dst(%arg22 : memref<128x128xf32, #tpu.memory_space<vmem_shared>>)
        tpu.yield
      }) : () -> ()
    } else {
    }
    %barrier3A = arith.constant 0 : index
    tpu.barrier barrier_id(%barrier3A)
    %mul3A_3 = arith.constant 400 : i32
    %mul3A_4 = arith.muli %add3A, %mul3A_3 : i32
    %mul3A_5 = arith.constant 400 : i32
    %mul3A_6 = arith.muli %add3A, %mul3A_5 : i32
    %add3A_7 = arith.constant 0 : i32
    %add3A_8 = arith.addi %mul3A_6, %add3A_7 : i32
    %mul3A_9 = arith.constant 400 : i32
    %mul3A_10 = arith.muli %add3A, %mul3A_9 : i32
    %add3A_11 = arith.constant 80 : i32
    %add3A_12 = arith.addi %mul3A_10, %add3A_11 : i32
    %mul3A_13 = arith.constant 400 : i32
    %mul3A_14 = arith.muli %add3A, %mul3A_13 : i32
    %add3A_15 = arith.constant 160 : i32
    %add3A_16 = arith.addi %mul3A_14, %add3A_15 : i32
    %mul3A_17 = arith.constant 400 : i32
    %mul3A_18 = arith.muli %add3A, %mul3A_17 : i32
    %add3A_19 = arith.constant 240 : i32
    %add3A_20 = arith.addi %mul3A_18, %add3A_19 : i32
    %mul3A_21 = arith.constant 400 : i32
    %mul3A_22 = arith.muli %add3A, %mul3A_21 : i32
    %add3A_23 = arith.constant 320 : i32
    %add3A_24 = arith.addi %mul3A_22, %add3A_23 : i32
    %dma_start3A = arith.constant 0 : i32
    %dma_start3A_25 = tpu.memref_slice %arg2[%mul3A_4, %dma_start3A] : memref<100000x128xf32, #tpu.memory_space<hbm>> -> memref<400x128xf32, #tpu.memory_space<hbm>>
    %dma_start3A_26 = arith.constant 0 : i32
    %dma_start3A_27 = tpu.memref_slice %arg2[%mul3A_4, %dma_start3A_26] : memref<100000x128xf32, #tpu.memory_space<hbm>> -> memref<400x128xf32, #tpu.memory_space<hbm>>
    tpu.enqueue_dma source(%dma_start3A_27 : memref<400x128xf32, #tpu.memory_space<hbm>>) target(%arg8 : memref<400x128xf32, #tpu.memory_space<vmem>>) target_semaphore(%arg23 : memref<!tpu.dma_semaphore, #tpu.memory_space<semaphore_mem>>)
    %dma_start3A_28 = tpu.memref_slice %arg3[%add3A_8] : memref<100000xi32, #tpu.memory_space<hbm>> -> memref<80xi32, #tpu.memory_space<hbm>>
    %dma_start3A_29 = tpu.memref_slice %arg3[%add3A_8] : memref<100000xi32, #tpu.memory_space<hbm>> -> memref<80xi32, #tpu.memory_space<hbm>>
    tpu.enqueue_dma source(%dma_start3A_29 : memref<80xi32, #tpu.memory_space<hbm>>) target(%arg10 : memref<80xi32, #tpu.memory_space<vmem>>) target_semaphore(%arg23 : memref<!tpu.dma_semaphore, #tpu.memory_space<semaphore_mem>>)
    %dma_start3A_30 = tpu.memref_slice %arg3[%add3A_12] : memref<100000xi32, #tpu.memory_space<hbm>> -> memref<80xi32, #tpu.memory_space<hbm>>
    %dma_start3A_31 = tpu.memref_slice %arg3[%add3A_12] : memref<100000xi32, #tpu.memory_space<hbm>> -> memref<80xi32, #tpu.memory_space<hbm>>
    tpu.enqueue_dma source(%dma_start3A_31 : memref<80xi32, #tpu.memory_space<hbm>>) target(%arg11 : memref<80xi32, #tpu.memory_space<vmem>>) target_semaphore(%arg23 : memref<!tpu.dma_semaphore, #tpu.memory_space<semaphore_mem>>)
    %dma_start3A_32 = tpu.memref_slice %arg3[%add3A_16] : memref<100000xi32, #tpu.memory_space<hbm>> -> memref<80xi32, #tpu.memory_space<hbm>>
    %dma_start3A_33 = tpu.memref_slice %arg3[%add3A_16] : memref<100000xi32, #tpu.memory_space<hbm>> -> memref<80xi32, #tpu.memory_space<hbm>>
    tpu.enqueue_dma source(%dma_start3A_33 : memref<80xi32, #tpu.memory_space<hbm>>) target(%arg12 : memref<80xi32, #tpu.memory_space<vmem>>) target_semaphore(%arg23 : memref<!tpu.dma_semaphore, #tpu.memory_space<semaphore_mem>>)
    %dma_start3A_34 = tpu.memref_slice %arg3[%add3A_20] : memref<100000xi32, #tpu.memory_space<hbm>> -> memref<80xi32, #tpu.memory_space<hbm>>
    %dma_start3A_35 = tpu.memref_slice %arg3[%add3A_20] : memref<100000xi32, #tpu.memory_space<hbm>> -> memref<80xi32, #tpu.memory_space<hbm>>
    tpu.enqueue_dma source(%dma_start3A_35 : memref<80xi32, #tpu.memory_space<hbm>>) target(%arg13 : memref<80xi32, #tpu.memory_space<vmem>>) target_semaphore(%arg23 : memref<!tpu.dma_semaphore, #tpu.memory_space<semaphore_mem>>)
    %dma_start3A_36 = tpu.memref_slice %arg3[%add3A_24] : memref<100000xi32, #tpu.memory_space<hbm>> -> memref<80xi32, #tpu.memory_space<hbm>>
    %dma_start3A_37 = tpu.memref_slice %arg3[%add3A_24] : memref<100000xi32, #tpu.memory_space<hbm>> -> memref<80xi32, #tpu.memory_space<hbm>>
    tpu.enqueue_dma source(%dma_start3A_37 : memref<80xi32, #tpu.memory_space<hbm>>) target(%arg14 : memref<80xi32, #tpu.memory_space<vmem>>) target_semaphore(%arg23 : memref<!tpu.dma_semaphore, #tpu.memory_space<semaphore_mem>>)
    %add3A_38 = arith.constant 32 : i32
    %add3A_39 = arith.addi %add3A_38, %add3A : i32
    %mul3A_40 = arith.constant 400 : i32
    %mul3A_41 = arith.muli %add3A_39, %mul3A_40 : i32
    %mul3A_42 = arith.constant 400 : i32
    %mul3A_43 = arith.muli %add3A_39, %mul3A_42 : i32
    %add3A_44 = arith.constant 0 : i32
    %add3A_45 = arith.addi %mul3A_43, %add3A_44 : i32
    %mul3A_46 = arith.constant 400 : i32
    %mul3A_47 = arith.muli %add3A_39, %mul3A_46 : i32
    %add3A_48 = arith.constant 80 : i32
    %add3A_49 = arith.addi %mul3A_47, %add3A_48 : i32
    %mul3A_50 = arith.constant 400 : i32
    %mul3A_51 = arith.muli %add3A_39, %mul3A_50 : i32
    %add3A_52 = arith.constant 160 : i32
    %add3A_53 = arith.addi %mul3A_51, %add3A_52 : i32
    %mul3A_54 = arith.constant 400 : i32
    %mul3A_55 = arith.muli %add3A_39, %mul3A_54 : i32
    %add3A_56 = arith.constant 240 : i32
    %add3A_57 = arith.addi %mul3A_55, %add3A_56 : i32
    %mul3A_58 = arith.constant 400 : i32
    %mul3A_59 = arith.muli %add3A_39, %mul3A_58 : i32
    %add3A_60 = arith.constant 320 : i32
    %add3A_61 = arith.addi %mul3A_59, %add3A_60 : i32
    %dma_start3A_62 = arith.constant 0 : i32
    %dma_start3A_63 = tpu.memref_slice %arg2[%mul3A_41, %dma_start3A_62] : memref<100000x128xf32, #tpu.memory_space<hbm>> -> memref<400x128xf32, #tpu.memory_space<hbm>>
    %dma_start3A_64 = arith.constant 0 : i32
    %dma_start3A_65 = tpu.memref_slice %arg2[%mul3A_41, %dma_start3A_64] : memref<100000x128xf32, #tpu.memory_space<hbm>> -> memref<400x128xf32, #tpu.memory_space<hbm>>
    tpu.enqueue_dma source(%dma_start3A_65 : memref<400x128xf32, #tpu.memory_space<hbm>>) target(%arg9 : memref<400x128xf32, #tpu.memory_space<vmem>>) target_semaphore(%arg24 : memref<!tpu.dma_semaphore, #tpu.memory_space<semaphore_mem>>)
    %dma_start3A_66 = tpu.memref_slice %arg3[%add3A_45] : memref<100000xi32, #tpu.memory_space<hbm>> -> memref<80xi32, #tpu.memory_space<hbm>>
    %dma_start3A_67 = tpu.memref_slice %arg3[%add3A_45] : memref<100000xi32, #tpu.memory_space<hbm>> -> memref<80xi32, #tpu.memory_space<hbm>>
    tpu.enqueue_dma source(%dma_start3A_67 : memref<80xi32, #tpu.memory_space<hbm>>) target(%arg15 : memref<80xi32, #tpu.memory_space<vmem>>) target_semaphore(%arg24 : memref<!tpu.dma_semaphore, #tpu.memory_space<semaphore_mem>>)
    %dma_start3A_68 = tpu.memref_slice %arg3[%add3A_49] : memref<100000xi32, #tpu.memory_space<hbm>> -> memref<80xi32, #tpu.memory_space<hbm>>
    %dma_start3A_69 = tpu.memref_slice %arg3[%add3A_49] : memref<100000xi32, #tpu.memory_space<hbm>> -> memref<80xi32, #tpu.memory_space<hbm>>
    tpu.enqueue_dma source(%dma_start3A_69 : memref<80xi32, #tpu.memory_space<hbm>>) target(%arg16 : memref<80xi32, #tpu.memory_space<vmem>>) target_semaphore(%arg24 : memref<!tpu.dma_semaphore, #tpu.memory_space<semaphore_mem>>)
    %dma_start3A_70 = tpu.memref_slice %arg3[%add3A_53] : memref<100000xi32, #tpu.memory_space<hbm>> -> memref<80xi32, #tpu.memory_space<hbm>>
    %dma_start3A_71 = tpu.memref_slice %arg3[%add3A_53] : memref<100000xi32, #tpu.memory_space<hbm>> -> memref<80xi32, #tpu.memory_space<hbm>>
    tpu.enqueue_dma source(%dma_start3A_71 : memref<80xi32, #tpu.memory_space<hbm>>) target(%arg17 : memref<80xi32, #tpu.memory_space<vmem>>) target_semaphore(%arg24 : memref<!tpu.dma_semaphore, #tpu.memory_space<semaphore_mem>>)
    %dma_start3A_72 = tpu.memref_slice %arg3[%add3A_57] : memref<100000xi32, #tpu.memory_space<hbm>> -> memref<80xi32, #tpu.memory_space<hbm>>
    %dma_start3A_73 = tpu.memref_slice %arg3[%add3A_57] : memref<100000xi32, #tpu.memory_space<hbm>> -> memref<80xi32, #tpu.memory_space<hbm>>
    tpu.enqueue_dma source(%dma_start3A_73 : memref<80xi32, #tpu.memory_space<hbm>>) target(%arg18 : memref<80xi32, #tpu.memory_space<vmem>>) target_semaphore(%arg24 : memref<!tpu.dma_semaphore, #tpu.memory_space<semaphore_mem>>)
    %dma_start3A_74 = tpu.memref_slice %arg3[%add3A_61] : memref<100000xi32, #tpu.memory_space<hbm>> -> memref<80xi32, #tpu.memory_space<hbm>>
    %dma_start3A_75 = tpu.memref_slice %arg3[%add3A_61] : memref<100000xi32, #tpu.memory_space<hbm>> -> memref<80xi32, #tpu.memory_space<hbm>>
    tpu.enqueue_dma source(%dma_start3A_75 : memref<80xi32, #tpu.memory_space<hbm>>) target(%arg19 : memref<80xi32, #tpu.memory_space<vmem>>) target_semaphore(%arg24 : memref<!tpu.dma_semaphore, #tpu.memory_space<semaphore_mem>>)
    %dma_wait3A = arith.constant 0 : i32
    %dma_wait3A_76 = tpu.memref_slice %arg2[%mul3A_4, %dma_wait3A] : memref<100000x128xf32, #tpu.memory_space<hbm>> -> memref<400x128xf32, #tpu.memory_space<hbm>>
    %dma_wait3A_77 = arith.constant 0 : i32
    %dma_wait3A_78 = tpu.memref_slice %arg2[%mul3A_4, %dma_wait3A_77] : memref<100000x128xf32, #tpu.memory_space<hbm>> -> memref<400x128xf32, #tpu.memory_space<hbm>>
    tpu.wait_dma2 semaphore(%arg23 : memref<!tpu.dma_semaphore, #tpu.memory_space<semaphore_mem>>) src(%dma_wait3A_78 : memref<400x128xf32, #tpu.memory_space<hbm>>) dst(%arg8 : memref<400x128xf32, #tpu.memory_space<vmem>>)
    %dma_wait3A_79 = tpu.memref_slice %arg3[%add3A_8] : memref<100000xi32, #tpu.memory_space<hbm>> -> memref<80xi32, #tpu.memory_space<hbm>>
    %dma_wait3A_80 = tpu.memref_slice %arg3[%add3A_8] : memref<100000xi32, #tpu.memory_space<hbm>> -> memref<80xi32, #tpu.memory_space<hbm>>
    tpu.wait_dma2 semaphore(%arg23 : memref<!tpu.dma_semaphore, #tpu.memory_space<semaphore_mem>>) src(%dma_wait3A_80 : memref<80xi32, #tpu.memory_space<hbm>>) dst(%arg10 : memref<80xi32, #tpu.memory_space<vmem>>)
    %dma_wait3A_81 = tpu.memref_slice %arg3[%add3A_12] : memref<100000xi32, #tpu.memory_space<hbm>> -> memref<80xi32, #tpu.memory_space<hbm>>
    %dma_wait3A_82 = tpu.memref_slice %arg3[%add3A_12] : memref<100000xi32, #tpu.memory_space<hbm>> -> memref<80xi32, #tpu.memory_space<hbm>>
    tpu.wait_dma2 semaphore(%arg23 : memref<!tpu.dma_semaphore, #tpu.memory_space<semaphore_mem>>) src(%dma_wait3A_82 : memref<80xi32, #tpu.memory_space<hbm>>) dst(%arg11 : memref<80xi32, #tpu.memory_space<vmem>>)
    %dma_wait3A_83 = tpu.memref_slice %arg3[%add3A_16] : memref<100000xi32, #tpu.memory_space<hbm>> -> memref<80xi32, #tpu.memory_space<hbm>>
    %dma_wait3A_84 = tpu.memref_slice %arg3[%add3A_16] : memref<100000xi32, #tpu.memory_space<hbm>> -> memref<80xi32, #tpu.memory_space<hbm>>
    tpu.wait_dma2 semaphore(%arg23 : memref<!tpu.dma_semaphore, #tpu.memory_space<semaphore_mem>>) src(%dma_wait3A_84 : memref<80xi32, #tpu.memory_space<hbm>>) dst(%arg12 : memref<80xi32, #tpu.memory_space<vmem>>)
    %dma_wait3A_85 = tpu.memref_slice %arg3[%add3A_20] : memref<100000xi32, #tpu.memory_space<hbm>> -> memref<80xi32, #tpu.memory_space<hbm>>
    %dma_wait3A_86 = tpu.memref_slice %arg3[%add3A_20] : memref<100000xi32, #tpu.memory_space<hbm>> -> memref<80xi32, #tpu.memory_space<hbm>>
    tpu.wait_dma2 semaphore(%arg23 : memref<!tpu.dma_semaphore, #tpu.memory_space<semaphore_mem>>) src(%dma_wait3A_86 : memref<80xi32, #tpu.memory_space<hbm>>) dst(%arg13 : memref<80xi32, #tpu.memory_space<vmem>>)
    %dma_wait3A_87 = tpu.memref_slice %arg3[%add3A_24] : memref<100000xi32, #tpu.memory_space<hbm>> -> memref<80xi32, #tpu.memory_space<hbm>>
    %dma_wait3A_88 = tpu.memref_slice %arg3[%add3A_24] : memref<100000xi32, #tpu.memory_space<hbm>> -> memref<80xi32, #tpu.memory_space<hbm>>
    tpu.wait_dma2 semaphore(%arg23 : memref<!tpu.dma_semaphore, #tpu.memory_space<semaphore_mem>>) src(%dma_wait3A_88 : memref<80xi32, #tpu.memory_space<hbm>>) dst(%arg14 : memref<80xi32, #tpu.memory_space<vmem>>)
    "tpu.region"() ({
      %run_scoped3A = tpu.sem_alloc : memref<!tpu.dma_semaphore, #tpu.memory_space<semaphore_mem>>
      %dma_start3A_373 = arith.constant 0 : i32
      %dma_start3A_374 = arith.constant 0 : i32
      %dma_start3A_375 = tpu.memref_slice %arg8[%dma_start3A_373, %dma_start3A_374] : memref<400x128xf32, #tpu.memory_space<vmem>> -> memref<80x128xf32, #tpu.memory_space<vmem>>
      %dma_start3A_376 = arith.constant 0 : i32
      %dma_start3A_377 = arith.constant 0 : i32
      %dma_start3A_378 = tpu.memref_slice %arg21[%dma_start3A_376, %dma_start3A_377] : memref<128x128xf32, #tpu.memory_space<vmem_shared>> -> memref<128x128xf32, #tpu.memory_space<vmem_shared>>
      tpu.enqueue_indirect_dma source(%dma_start3A_375 : memref<80x128xf32, #tpu.memory_space<vmem>>) target(%dma_start3A_378 : memref<128x128xf32, #tpu.memory_space<vmem_shared>>) offsets(%arg10 : memref<80xi32, #tpu.memory_space<vmem>>) semaphore(%run_scoped3A : memref<!tpu.dma_semaphore, #tpu.memory_space<semaphore_mem>>) {add = true}
      %dma_wait3A_379 = arith.constant 0 : i32
      %dma_wait3A_380 = arith.constant 0 : i32
      %dma_wait3A_381 = tpu.memref_slice %arg8[%dma_wait3A_379, %dma_wait3A_380] : memref<400x128xf32, #tpu.memory_space<vmem>> -> memref<80x128xf32, #tpu.memory_space<vmem>>
      %dma_wait3A_382 = arith.constant 0 : i32
      %dma_wait3A_383 = arith.constant 0 : i32
      %dma_wait3A_384 = tpu.memref_slice %arg21[%dma_wait3A_382, %dma_wait3A_383] : memref<128x128xf32, #tpu.memory_space<vmem_shared>> -> memref<128x128xf32, #tpu.memory_space<vmem_shared>>
      tpu.wait_indirect_dma semaphore(%run_scoped3A : memref<!tpu.dma_semaphore, #tpu.memory_space<semaphore_mem>>) src(%dma_wait3A_381 : memref<80x128xf32, #tpu.memory_space<vmem>>) dst(%dma_wait3A_384 : memref<128x128xf32, #tpu.memory_space<vmem_shared>>)
      tpu.yield
    }) : () -> ()
    "tpu.region"() ({
      %run_scoped3A = tpu.sem_alloc : memref<!tpu.dma_semaphore, #tpu.memory_space<semaphore_mem>>
      %dma_start3A_373 = arith.constant 0 : i32
      %dma_start3A_374 = arith.constant 0 : i32
      %dma_start3A_375 = tpu.memref_slice %arg22[%dma_start3A_373, %dma_start3A_374] : memref<128x128xf32, #tpu.memory_space<vmem_shared>> -> memref<128x128xf32, #tpu.memory_space<vmem_shared>>
      tpu.enqueue_indirect_dma source(%arg20 : memref<80x128xf32, #tpu.memory_space<vmem>>) target(%dma_start3A_375 : memref<128x128xf32, #tpu.memory_space<vmem_shared>>) offsets(%arg10 : memref<80xi32, #tpu.memory_space<vmem>>) semaphore(%run_scoped3A : memref<!tpu.dma_semaphore, #tpu.memory_space<semaphore_mem>>) {add = true}
      %dma_wait3A_376 = arith.constant 0 : i32
      %dma_wait3A_377 = arith.constant 0 : i32
      %dma_wait3A_378 = tpu.memref_slice %arg22[%dma_wait3A_376, %dma_wait3A_377] : memref<128x128xf32, #tpu.memory_space<vmem_shared>> -> memref<128x128xf32, #tpu.memory_space<vmem_shared>>
      tpu.wait_indirect_dma semaphore(%run_scoped3A : memref<!tpu.dma_semaphore, #tpu.memory_space<semaphore_mem>>) src(%arg20 : memref<80x128xf32, #tpu.memory_space<vmem>>) dst(%dma_wait3A_378 : memref<128x128xf32, #tpu.memory_space<vmem_shared>>)
      tpu.yield
    }) : () -> ()
    "tpu.region"() ({
      %run_scoped3A = tpu.sem_alloc : memref<!tpu.dma_semaphore, #tpu.memory_space<semaphore_mem>>
      %dma_start3A_373 = arith.constant 80 : i32
      %dma_start3A_374 = arith.constant 0 : i32
      %dma_start3A_375 = tpu.memref_slice %arg8[%dma_start3A_373, %dma_start3A_374] : memref<400x128xf32, #tpu.memory_space<vmem>> -> memref<80x128xf32, #tpu.memory_space<vmem>>
      %dma_start3A_376 = arith.constant 0 : i32
      %dma_start3A_377 = arith.constant 0 : i32
      %dma_start3A_378 = tpu.memref_slice %arg21[%dma_start3A_376, %dma_start3A_377] : memref<128x128xf32, #tpu.memory_space<vmem_shared>> -> memref<128x128xf32, #tpu.memory_space<vmem_shared>>
      tpu.enqueue_indirect_dma source(%dma_start3A_375 : memref<80x128xf32, #tpu.memory_space<vmem>>) target(%dma_start3A_378 : memref<128x128xf32, #tpu.memory_space<vmem_shared>>) offsets(%arg11 : memref<80xi32, #tpu.memory_space<vmem>>) semaphore(%run_scoped3A : memref<!tpu.dma_semaphore, #tpu.memory_space<semaphore_mem>>) {add = true}
      %dma_wait3A_379 = arith.constant 80 : i32
      %dma_wait3A_380 = arith.constant 0 : i32
      %dma_wait3A_381 = tpu.memref_slice %arg8[%dma_wait3A_379, %dma_wait3A_380] : memref<400x128xf32, #tpu.memory_space<vmem>> -> memref<80x128xf32, #tpu.memory_space<vmem>>
      %dma_wait3A_382 = arith.constant 0 : i32
      %dma_wait3A_383 = arith.constant 0 : i32
      %dma_wait3A_384 = tpu.memref_slice %arg21[%dma_wait3A_382, %dma_wait3A_383] : memref<128x128xf32, #tpu.memory_space<vmem_shared>> -> memref<128x128xf32, #tpu.memory_space<vmem_shared>>
      tpu.wait_indirect_dma semaphore(%run_scoped3A : memref<!tpu.dma_semaphore, #tpu.memory_space<semaphore_mem>>) src(%dma_wait3A_381 : memref<80x128xf32, #tpu.memory_space<vmem>>) dst(%dma_wait3A_384 : memref<128x128xf32, #tpu.memory_space<vmem_shared>>)
      tpu.yield
    }) : () -> ()
    "tpu.region"() ({
      %run_scoped3A = tpu.sem_alloc : memref<!tpu.dma_semaphore, #tpu.memory_space<semaphore_mem>>
      %dma_start3A_373 = arith.constant 0 : i32
      %dma_start3A_374 = arith.constant 0 : i32
      %dma_start3A_375 = tpu.memref_slice %arg22[%dma_start3A_373, %dma_start3A_374] : memref<128x128xf32, #tpu.memory_space<vmem_shared>> -> memref<128x128xf32, #tpu.memory_space<vmem_shared>>
      tpu.enqueue_indirect_dma source(%arg20 : memref<80x128xf32, #tpu.memory_space<vmem>>) target(%dma_start3A_375 : memref<128x128xf32, #tpu.memory_space<vmem_shared>>) offsets(%arg11 : memref<80xi32, #tpu.memory_space<vmem>>) semaphore(%run_scoped3A : memref<!tpu.dma_semaphore, #tpu.memory_space<semaphore_mem>>) {add = true}
      %dma_wait3A_376 = arith.constant 0 : i32
      %dma_wait3A_377 = arith.constant 0 : i32
      %dma_wait3A_378 = tpu.memref_slice %arg22[%dma_wait3A_376, %dma_wait3A_377] : memref<128x128xf32, #tpu.memory_space<vmem_shared>> -> memref<128x128xf32, #tpu.memory_space<vmem_shared>>
      tpu.wait_indirect_dma semaphore(%run_scoped3A : memref<!tpu.dma_semaphore, #tpu.memory_space<semaphore_mem>>) src(%arg20 : memref<80x128xf32, #tpu.memory_space<vmem>>) dst(%dma_wait3A_378 : memref<128x128xf32, #tpu.memory_space<vmem_shared>>)
      tpu.yield
    }) : () -> ()
    "tpu.region"() ({
      %run_scoped3A = tpu.sem_alloc : memref<!tpu.dma_semaphore, #tpu.memory_space<semaphore_mem>>
      %dma_start3A_373 = arith.constant 160 : i32
      %dma_start3A_374 = arith.constant 0 : i32
      %dma_start3A_375 = tpu.memref_slice %arg8[%dma_start3A_373, %dma_start3A_374] : memref<400x128xf32, #tpu.memory_space<vmem>> -> memref<80x128xf32, #tpu.memory_space<vmem>>
      %dma_start3A_376 = arith.constant 0 : i32
      %dma_start3A_377 = arith.constant 0 : i32
      %dma_start3A_378 = tpu.memref_slice %arg21[%dma_start3A_376, %dma_start3A_377] : memref<128x128xf32, #tpu.memory_space<vmem_shared>> -> memref<128x128xf32, #tpu.memory_space<vmem_shared>>
      tpu.enqueue_indirect_dma source(%dma_start3A_375 : memref<80x128xf32, #tpu.memory_space<vmem>>) target(%dma_start3A_378 : memref<128x128xf32, #tpu.memory_space<vmem_shared>>) offsets(%arg12 : memref<80xi32, #tpu.memory_space<vmem>>) semaphore(%run_scoped3A : memref<!tpu.dma_semaphore, #tpu.memory_space<semaphore_mem>>) {add = true}
      %dma_wait3A_379 = arith.constant 160 : i32
      %dma_wait3A_380 = arith.constant 0 : i32
      %dma_wait3A_381 = tpu.memref_slice %arg8[%dma_wait3A_379, %dma_wait3A_380] : memref<400x128xf32, #tpu.memory_space<vmem>> -> memref<80x128xf32, #tpu.memory_space<vmem>>
      %dma_wait3A_382 = arith.constant 0 : i32
      %dma_wait3A_383 = arith.constant 0 : i32
      %dma_wait3A_384 = tpu.memref_slice %arg21[%dma_wait3A_382, %dma_wait3A_383] : memref<128x128xf32, #tpu.memory_space<vmem_shared>> -> memref<128x128xf32, #tpu.memory_space<vmem_shared>>
      tpu.wait_indirect_dma semaphore(%run_scoped3A : memref<!tpu.dma_semaphore, #tpu.memory_space<semaphore_mem>>) src(%dma_wait3A_381 : memref<80x128xf32, #tpu.memory_space<vmem>>) dst(%dma_wait3A_384 : memref<128x128xf32, #tpu.memory_space<vmem_shared>>)
      tpu.yield
    }) : () -> ()
    "tpu.region"() ({
      %run_scoped3A = tpu.sem_alloc : memref<!tpu.dma_semaphore, #tpu.memory_space<semaphore_mem>>
      %dma_start3A_373 = arith.constant 0 : i32
      %dma_start3A_374 = arith.constant 0 : i32
      %dma_start3A_375 = tpu.memref_slice %arg22[%dma_start3A_373, %dma_start3A_374] : memref<128x128xf32, #tpu.memory_space<vmem_shared>> -> memref<128x128xf32, #tpu.memory_space<vmem_shared>>
      tpu.enqueue_indirect_dma source(%arg20 : memref<80x128xf32, #tpu.memory_space<vmem>>) target(%dma_start3A_375 : memref<128x128xf32, #tpu.memory_space<vmem_shared>>) offsets(%arg12 : memref<80xi32, #tpu.memory_space<vmem>>) semaphore(%run_scoped3A : memref<!tpu.dma_semaphore, #tpu.memory_space<semaphore_mem>>) {add = true}
      %dma_wait3A_376 = arith.constant 0 : i32
      %dma_wait3A_377 = arith.constant 0 : i32
      %dma_wait3A_378 = tpu.memref_slice %arg22[%dma_wait3A_376, %dma_wait3A_377] : memref<128x128xf32, #tpu.memory_space<vmem_shared>> -> memref<128x128xf32, #tpu.memory_space<vmem_shared>>
      tpu.wait_indirect_dma semaphore(%run_scoped3A : memref<!tpu.dma_semaphore, #tpu.memory_space<semaphore_mem>>) src(%arg20 : memref<80x128xf32, #tpu.memory_space<vmem>>) dst(%dma_wait3A_378 : memref<128x128xf32, #tpu.memory_space<vmem_shared>>)
      tpu.yield
    }) : () -> ()
    "tpu.region"() ({
      %run_scoped3A = tpu.sem_alloc : memref<!tpu.dma_semaphore, #tpu.memory_space<semaphore_mem>>
      %dma_start3A_373 = arith.constant 240 : i32
      %dma_start3A_374 = arith.constant 0 : i32
      %dma_start3A_375 = tpu.memref_slice %arg8[%dma_start3A_373, %dma_start3A_374] : memref<400x128xf32, #tpu.memory_space<vmem>> -> memref<80x128xf32, #tpu.memory_space<vmem>>
      %dma_start3A_376 = arith.constant 0 : i32
      %dma_start3A_377 = arith.constant 0 : i32
      %dma_start3A_378 = tpu.memref_slice %arg21[%dma_start3A_376, %dma_start3A_377] : memref<128x128xf32, #tpu.memory_space<vmem_shared>> -> memref<128x128xf32, #tpu.memory_space<vmem_shared>>
      tpu.enqueue_indirect_dma source(%dma_start3A_375 : memref<80x128xf32, #tpu.memory_space<vmem>>) target(%dma_start3A_378 : memref<128x128xf32, #tpu.memory_space<vmem_shared>>) offsets(%arg13 : memref<80xi32, #tpu.memory_space<vmem>>) semaphore(%run_scoped3A : memref<!tpu.dma_semaphore, #tpu.memory_space<semaphore_mem>>) {add = true}
      %dma_wait3A_379 = arith.constant 240 : i32
      %dma_wait3A_380 = arith.constant 0 : i32
      %dma_wait3A_381 = tpu.memref_slice %arg8[%dma_wait3A_379, %dma_wait3A_380] : memref<400x128xf32, #tpu.memory_space<vmem>> -> memref<80x128xf32, #tpu.memory_space<vmem>>
      %dma_wait3A_382 = arith.constant 0 : i32
      %dma_wait3A_383 = arith.constant 0 : i32
      %dma_wait3A_384 = tpu.memref_slice %arg21[%dma_wait3A_382, %dma_wait3A_383] : memref<128x128xf32, #tpu.memory_space<vmem_shared>> -> memref<128x128xf32, #tpu.memory_space<vmem_shared>>
      tpu.wait_indirect_dma semaphore(%run_scoped3A : memref<!tpu.dma_semaphore, #tpu.memory_space<semaphore_mem>>) src(%dma_wait3A_381 : memref<80x128xf32, #tpu.memory_space<vmem>>) dst(%dma_wait3A_384 : memref<128x128xf32, #tpu.memory_space<vmem_shared>>)
      tpu.yield
    }) : () -> ()
    "tpu.region"() ({
      %run_scoped3A = tpu.sem_alloc : memref<!tpu.dma_semaphore, #tpu.memory_space<semaphore_mem>>
      %dma_start3A_373 = arith.constant 0 : i32
      %dma_start3A_374 = arith.constant 0 : i32
      %dma_start3A_375 = tpu.memref_slice %arg22[%dma_start3A_373, %dma_start3A_374] : memref<128x128xf32, #tpu.memory_space<vmem_shared>> -> memref<128x128xf32, #tpu.memory_space<vmem_shared>>
      tpu.enqueue_indirect_dma source(%arg20 : memref<80x128xf32, #tpu.memory_space<vmem>>) target(%dma_start3A_375 : memref<128x128xf32, #tpu.memory_space<vmem_shared>>) offsets(%arg13 : memref<80xi32, #tpu.memory_space<vmem>>) semaphore(%run_scoped3A : memref<!tpu.dma_semaphore, #tpu.memory_space<semaphore_mem>>) {add = true}
      %dma_wait3A_376 = arith.constant 0 : i32
      %dma_wait3A_377 = arith.constant 0 : i32
      %dma_wait3A_378 = tpu.memref_slice %arg22[%dma_wait3A_376, %dma_wait3A_377] : memref<128x128xf32, #tpu.memory_space<vmem_shared>> -> memref<128x128xf32, #tpu.memory_space<vmem_shared>>
      tpu.wait_indirect_dma semaphore(%run_scoped3A : memref<!tpu.dma_semaphore, #tpu.memory_space<semaphore_mem>>) src(%arg20 : memref<80x128xf32, #tpu.memory_space<vmem>>) dst(%dma_wait3A_378 : memref<128x128xf32, #tpu.memory_space<vmem_shared>>)
      tpu.yield
    }) : () -> ()
    "tpu.region"() ({
      %run_scoped3A = tpu.sem_alloc : memref<!tpu.dma_semaphore, #tpu.memory_space<semaphore_mem>>
      %dma_start3A_373 = arith.constant 320 : i32
      %dma_start3A_374 = arith.constant 0 : i32
      %dma_start3A_375 = tpu.memref_slice %arg8[%dma_start3A_373, %dma_start3A_374] : memref<400x128xf32, #tpu.memory_space<vmem>> -> memref<80x128xf32, #tpu.memory_space<vmem>>
      %dma_start3A_376 = arith.constant 0 : i32
      %dma_start3A_377 = arith.constant 0 : i32
      %dma_start3A_378 = tpu.memref_slice %arg21[%dma_start3A_376, %dma_start3A_377] : memref<128x128xf32, #tpu.memory_space<vmem_shared>> -> memref<128x128xf32, #tpu.memory_space<vmem_shared>>
      tpu.enqueue_indirect_dma source(%dma_start3A_375 : memref<80x128xf32, #tpu.memory_space<vmem>>) target(%dma_start3A_378 : memref<128x128xf32, #tpu.memory_space<vmem_shared>>) offsets(%arg14 : memref<80xi32, #tpu.memory_space<vmem>>) semaphore(%run_scoped3A : memref<!tpu.dma_semaphore, #tpu.memory_space<semaphore_mem>>) {add = true}
      %dma_wait3A_379 = arith.constant 320 : i32
      %dma_wait3A_380 = arith.constant 0 : i32
      %dma_wait3A_381 = tpu.memref_slice %arg8[%dma_wait3A_379, %dma_wait3A_380] : memref<400x128xf32, #tpu.memory_space<vmem>> -> memref<80x128xf32, #tpu.memory_space<vmem>>
      %dma_wait3A_382 = arith.constant 0 : i32
      %dma_wait3A_383 = arith.constant 0 : i32
      %dma_wait3A_384 = tpu.memref_slice %arg21[%dma_wait3A_382, %dma_wait3A_383] : memref<128x128xf32, #tpu.memory_space<vmem_shared>> -> memref<128x128xf32, #tpu.memory_space<vmem_shared>>
      tpu.wait_indirect_dma semaphore(%run_scoped3A : memref<!tpu.dma_semaphore, #tpu.memory_space<semaphore_mem>>) src(%dma_wait3A_381 : memref<80x128xf32, #tpu.memory_space<vmem>>) dst(%dma_wait3A_384 : memref<128x128xf32, #tpu.memory_space<vmem_shared>>)
      tpu.yield
    }) : () -> ()
    "tpu.region"() ({
      %run_scoped3A = tpu.sem_alloc : memref<!tpu.dma_semaphore, #tpu.memory_space<semaphore_mem>>
      %dma_start3A_373 = arith.constant 0 : i32
      %dma_start3A_374 = arith.constant 0 : i32
      %dma_start3A_375 = tpu.memref_slice %arg22[%dma_start3A_373, %dma_start3A_374] : memref<128x128xf32, #tpu.memory_space<vmem_shared>> -> memref<128x128xf32, #tpu.memory_space<vmem_shared>>
      tpu.enqueue_indirect_dma source(%arg20 : memref<80x128xf32, #tpu.memory_space<vmem>>) target(%dma_start3A_375 : memref<128x128xf32, #tpu.memory_space<vmem_shared>>) offsets(%arg14 : memref<80xi32, #tpu.memory_space<vmem>>) semaphore(%run_scoped3A : memref<!tpu.dma_semaphore, #tpu.memory_space<semaphore_mem>>) {add = true}
      %dma_wait3A_376 = arith.constant 0 : i32
      %dma_wait3A_377 = arith.constant 0 : i32
      %dma_wait3A_378 = tpu.memref_slice %arg22[%dma_wait3A_376, %dma_wait3A_377] : memref<128x128xf32, #tpu.memory_space<vmem_shared>> -> memref<128x128xf32, #tpu.memory_space<vmem_shared>>
      tpu.wait_indirect_dma semaphore(%run_scoped3A : memref<!tpu.dma_semaphore, #tpu.memory_space<semaphore_mem>>) src(%arg20 : memref<80x128xf32, #tpu.memory_space<vmem>>) dst(%dma_wait3A_378 : memref<128x128xf32, #tpu.memory_space<vmem_shared>>)
      tpu.yield
    }) : () -> ()
    %add3A_89 = arith.constant 64 : i32
    %add3A_90 = arith.addi %add3A_89, %add3A : i32
    %mul3A_91 = arith.constant 400 : i32
    %mul3A_92 = arith.muli %add3A_90, %mul3A_91 : i32
    %mul3A_93 = arith.constant 400 : i32
    %mul3A_94 = arith.muli %add3A_90, %mul3A_93 : i32
    %add3A_95 = arith.constant 0 : i32
    %add3A_96 = arith.addi %mul3A_94, %add3A_95 : i32
    %mul3A_97 = arith.constant 400 : i32
    %mul3A_98 = arith.muli %add3A_90, %mul3A_97 : i32
    %add3A_99 = arith.constant 80 : i32
    %add3A_100 = arith.addi %mul3A_98, %add3A_99 : i32
    %mul3A_101 = arith.constant 400 : i32
    %mul3A_102 = arith.muli %add3A_90, %mul3A_101 : i32
    %add3A_103 = arith.constant 160 : i32
    %add3A_104 = arith.addi %mul3A_102, %add3A_103 : i32
    %mul3A_105 = arith.constant 400 : i32
    %mul3A_106 = arith.muli %add3A_90, %mul3A_105 : i32
    %add3A_107 = arith.constant 240 : i32
    %add3A_108 = arith.addi %mul3A_106, %add3A_107 : i32
    %mul3A_109 = arith.constant 400 : i32
    %mul3A_110 = arith.muli %add3A_90, %mul3A_109 : i32
    %add3A_111 = arith.constant 320 : i32
    %add3A_112 = arith.addi %mul3A_110, %add3A_111 : i32
    %dma_start3A_113 = arith.constant 0 : i32
    %dma_start3A_114 = tpu.memref_slice %arg2[%mul3A_92, %dma_start3A_113] : memref<100000x128xf32, #tpu.memory_space<hbm>> -> memref<400x128xf32, #tpu.memory_space<hbm>>
    %dma_start3A_115 = arith.constant 0 : i32
    %dma_start3A_116 = tpu.memref_slice %arg2[%mul3A_92, %dma_start3A_115] : memref<100000x128xf32, #tpu.memory_space<hbm>> -> memref<400x128xf32, #tpu.memory_space<hbm>>
    tpu.enqueue_dma source(%dma_start3A_116 : memref<400x128xf32, #tpu.memory_space<hbm>>) target(%arg8 : memref<400x128xf32, #tpu.memory_space<vmem>>) target_semaphore(%arg23 : memref<!tpu.dma_semaphore, #tpu.memory_space<semaphore_mem>>)
    %dma_start3A_117 = tpu.memref_slice %arg3[%add3A_96] : memref<100000xi32, #tpu.memory_space<hbm>> -> memref<80xi32, #tpu.memory_space<hbm>>
    %dma_start3A_118 = tpu.memref_slice %arg3[%add3A_96] : memref<100000xi32, #tpu.memory_space<hbm>> -> memref<80xi32, #tpu.memory_space<hbm>>
    tpu.enqueue_dma source(%dma_start3A_118 : memref<80xi32, #tpu.memory_space<hbm>>) target(%arg10 : memref<80xi32, #tpu.memory_space<vmem>>) target_semaphore(%arg23 : memref<!tpu.dma_semaphore, #tpu.memory_space<semaphore_mem>>)
    %dma_start3A_119 = tpu.memref_slice %arg3[%add3A_100] : memref<100000xi32, #tpu.memory_space<hbm>> -> memref<80xi32, #tpu.memory_space<hbm>>
    %dma_start3A_120 = tpu.memref_slice %arg3[%add3A_100] : memref<100000xi32, #tpu.memory_space<hbm>> -> memref<80xi32, #tpu.memory_space<hbm>>
    tpu.enqueue_dma source(%dma_start3A_120 : memref<80xi32, #tpu.memory_space<hbm>>) target(%arg11 : memref<80xi32, #tpu.memory_space<vmem>>) target_semaphore(%arg23 : memref<!tpu.dma_semaphore, #tpu.memory_space<semaphore_mem>>)
    %dma_start3A_121 = tpu.memref_slice %arg3[%add3A_104] : memref<100000xi32, #tpu.memory_space<hbm>> -> memref<80xi32, #tpu.memory_space<hbm>>
    %dma_start3A_122 = tpu.memref_slice %arg3[%add3A_104] : memref<100000xi32, #tpu.memory_space<hbm>> -> memref<80xi32, #tpu.memory_space<hbm>>
    tpu.enqueue_dma source(%dma_start3A_122 : memref<80xi32, #tpu.memory_space<hbm>>) target(%arg12 : memref<80xi32, #tpu.memory_space<vmem>>) target_semaphore(%arg23 : memref<!tpu.dma_semaphore, #tpu.memory_space<semaphore_mem>>)
    %dma_start3A_123 = tpu.memref_slice %arg3[%add3A_108] : memref<100000xi32, #tpu.memory_space<hbm>> -> memref<80xi32, #tpu.memory_space<hbm>>
    %dma_start3A_124 = tpu.memref_slice %arg3[%add3A_108] : memref<100000xi32, #tpu.memory_space<hbm>> -> memref<80xi32, #tpu.memory_space<hbm>>
    tpu.enqueue_dma source(%dma_start3A_124 : memref<80xi32, #tpu.memory_space<hbm>>) target(%arg13 : memref<80xi32, #tpu.memory_space<vmem>>) target_semaphore(%arg23 : memref<!tpu.dma_semaphore, #tpu.memory_space<semaphore_mem>>)
    %dma_start3A_125 = tpu.memref_slice %arg3[%add3A_112] : memref<100000xi32, #tpu.memory_space<hbm>> -> memref<80xi32, #tpu.memory_space<hbm>>
    %dma_start3A_126 = tpu.memref_slice %arg3[%add3A_112] : memref<100000xi32, #tpu.memory_space<hbm>> -> memref<80xi32, #tpu.memory_space<hbm>>
    tpu.enqueue_dma source(%dma_start3A_126 : memref<80xi32, #tpu.memory_space<hbm>>) target(%arg14 : memref<80xi32, #tpu.memory_space<vmem>>) target_semaphore(%arg23 : memref<!tpu.dma_semaphore, #tpu.memory_space<semaphore_mem>>)
    %dma_wait3A_127 = arith.constant 0 : i32
    %dma_wait3A_128 = tpu.memref_slice %arg2[%mul3A_41, %dma_wait3A_127] : memref<100000x128xf32, #tpu.memory_space<hbm>> -> memref<400x128xf32, #tpu.memory_space<hbm>>
    %dma_wait3A_129 = arith.constant 0 : i32
    %dma_wait3A_130 = tpu.memref_slice %arg2[%mul3A_41, %dma_wait3A_129] : memref<100000x128xf32, #tpu.memory_space<hbm>> -> memref<400x128xf32, #tpu.memory_space<hbm>>
    tpu.wait_dma2 semaphore(%arg24 : memref<!tpu.dma_semaphore, #tpu.memory_space<semaphore_mem>>) src(%dma_wait3A_130 : memref<400x128xf32, #tpu.memory_space<hbm>>) dst(%arg9 : memref<400x128xf32, #tpu.memory_space<vmem>>)
    %dma_wait3A_131 = tpu.memref_slice %arg3[%add3A_45] : memref<100000xi32, #tpu.memory_space<hbm>> -> memref<80xi32, #tpu.memory_space<hbm>>
    %dma_wait3A_132 = tpu.memref_slice %arg3[%add3A_45] : memref<100000xi32, #tpu.memory_space<hbm>> -> memref<80xi32, #tpu.memory_space<hbm>>
    tpu.wait_dma2 semaphore(%arg24 : memref<!tpu.dma_semaphore, #tpu.memory_space<semaphore_mem>>) src(%dma_wait3A_132 : memref<80xi32, #tpu.memory_space<hbm>>) dst(%arg15 : memref<80xi32, #tpu.memory_space<vmem>>)
    %dma_wait3A_133 = tpu.memref_slice %arg3[%add3A_49] : memref<100000xi32, #tpu.memory_space<hbm>> -> memref<80xi32, #tpu.memory_space<hbm>>
    %dma_wait3A_134 = tpu.memref_slice %arg3[%add3A_49] : memref<100000xi32, #tpu.memory_space<hbm>> -> memref<80xi32, #tpu.memory_space<hbm>>
    tpu.wait_dma2 semaphore(%arg24 : memref<!tpu.dma_semaphore, #tpu.memory_space<semaphore_mem>>) src(%dma_wait3A_134 : memref<80xi32, #tpu.memory_space<hbm>>) dst(%arg16 : memref<80xi32, #tpu.memory_space<vmem>>)
    %dma_wait3A_135 = tpu.memref_slice %arg3[%add3A_53] : memref<100000xi32, #tpu.memory_space<hbm>> -> memref<80xi32, #tpu.memory_space<hbm>>
    %dma_wait3A_136 = tpu.memref_slice %arg3[%add3A_53] : memref<100000xi32, #tpu.memory_space<hbm>> -> memref<80xi32, #tpu.memory_space<hbm>>
    tpu.wait_dma2 semaphore(%arg24 : memref<!tpu.dma_semaphore, #tpu.memory_space<semaphore_mem>>) src(%dma_wait3A_136 : memref<80xi32, #tpu.memory_space<hbm>>) dst(%arg17 : memref<80xi32, #tpu.memory_space<vmem>>)
    %dma_wait3A_137 = tpu.memref_slice %arg3[%add3A_57] : memref<100000xi32, #tpu.memory_space<hbm>> -> memref<80xi32, #tpu.memory_space<hbm>>
    %dma_wait3A_138 = tpu.memref_slice %arg3[%add3A_57] : memref<100000xi32, #tpu.memory_space<hbm>> -> memref<80xi32, #tpu.memory_space<hbm>>
    tpu.wait_dma2 semaphore(%arg24 : memref<!tpu.dma_semaphore, #tpu.memory_space<semaphore_mem>>) src(%dma_wait3A_138 : memref<80xi32, #tpu.memory_space<hbm>>) dst(%arg18 : memref<80xi32, #tpu.memory_space<vmem>>)
    %dma_wait3A_139 = tpu.memref_slice %arg3[%add3A_61] : memref<100000xi32, #tpu.memory_space<hbm>> -> memref<80xi32, #tpu.memory_space<hbm>>
    %dma_wait3A_140 = tpu.memref_slice %arg3[%add3A_61] : memref<100000xi32, #tpu.memory_space<hbm>> -> memref<80xi32, #tpu.memory_space<hbm>>
    tpu.wait_dma2 semaphore(%arg24 : memref<!tpu.dma_semaphore, #tpu.memory_space<semaphore_mem>>) src(%dma_wait3A_140 : memref<80xi32, #tpu.memory_space<hbm>>) dst(%arg19 : memref<80xi32, #tpu.memory_space<vmem>>)
    "tpu.region"() ({
      %run_scoped3A = tpu.sem_alloc : memref<!tpu.dma_semaphore, #tpu.memory_space<semaphore_mem>>
      %dma_start3A_373 = arith.constant 0 : i32
      %dma_start3A_374 = arith.constant 0 : i32
      %dma_start3A_375 = tpu.memref_slice %arg9[%dma_start3A_373, %dma_start3A_374] : memref<400x128xf32, #tpu.memory_space<vmem>> -> memref<80x128xf32, #tpu.memory_space<vmem>>
      %dma_start3A_376 = arith.constant 0 : i32
      %dma_start3A_377 = arith.constant 0 : i32
      %dma_start3A_378 = tpu.memref_slice %arg21[%dma_start3A_376, %dma_start3A_377] : memref<128x128xf32, #tpu.memory_space<vmem_shared>> -> memref<128x128xf32, #tpu.memory_space<vmem_shared>>
      tpu.enqueue_indirect_dma source(%dma_start3A_375 : memref<80x128xf32, #tpu.memory_space<vmem>>) target(%dma_start3A_378 : memref<128x128xf32, #tpu.memory_space<vmem_shared>>) offsets(%arg15 : memref<80xi32, #tpu.memory_space<vmem>>) semaphore(%run_scoped3A : memref<!tpu.dma_semaphore, #tpu.memory_space<semaphore_mem>>) {add = true}
      %dma_wait3A_379 = arith.constant 0 : i32
      %dma_wait3A_380 = arith.constant 0 : i32
      %dma_wait3A_381 = tpu.memref_slice %arg9[%dma_wait3A_379, %dma_wait3A_380] : memref<400x128xf32, #tpu.memory_space<vmem>> -> memref<80x128xf32, #tpu.memory_space<vmem>>
      %dma_wait3A_382 = arith.constant 0 : i32
      %dma_wait3A_383 = arith.constant 0 : i32
      %dma_wait3A_384 = tpu.memref_slice %arg21[%dma_wait3A_382, %dma_wait3A_383] : memref<128x128xf32, #tpu.memory_space<vmem_shared>> -> memref<128x128xf32, #tpu.memory_space<vmem_shared>>
      tpu.wait_indirect_dma semaphore(%run_scoped3A : memref<!tpu.dma_semaphore, #tpu.memory_space<semaphore_mem>>) src(%dma_wait3A_381 : memref<80x128xf32, #tpu.memory_space<vmem>>) dst(%dma_wait3A_384 : memref<128x128xf32, #tpu.memory_space<vmem_shared>>)
      tpu.yield
    }) : () -> ()
    "tpu.region"() ({
      %run_scoped3A = tpu.sem_alloc : memref<!tpu.dma_semaphore, #tpu.memory_space<semaphore_mem>>
      %dma_start3A_373 = arith.constant 0 : i32
      %dma_start3A_374 = arith.constant 0 : i32
      %dma_start3A_375 = tpu.memref_slice %arg22[%dma_start3A_373, %dma_start3A_374] : memref<128x128xf32, #tpu.memory_space<vmem_shared>> -> memref<128x128xf32, #tpu.memory_space<vmem_shared>>
      tpu.enqueue_indirect_dma source(%arg20 : memref<80x128xf32, #tpu.memory_space<vmem>>) target(%dma_start3A_375 : memref<128x128xf32, #tpu.memory_space<vmem_shared>>) offsets(%arg15 : memref<80xi32, #tpu.memory_space<vmem>>) semaphore(%run_scoped3A : memref<!tpu.dma_semaphore, #tpu.memory_space<semaphore_mem>>) {add = true}
      %dma_wait3A_376 = arith.constant 0 : i32
      %dma_wait3A_377 = arith.constant 0 : i32
      %dma_wait3A_378 = tpu.memref_slice %arg22[%dma_wait3A_376, %dma_wait3A_377] : memref<128x128xf32, #tpu.memory_space<vmem_shared>> -> memref<128x128xf32, #tpu.memory_space<vmem_shared>>
      tpu.wait_indirect_dma semaphore(%run_scoped3A : memref<!tpu.dma_semaphore, #tpu.memory_space<semaphore_mem>>) src(%arg20 : memref<80x128xf32, #tpu.memory_space<vmem>>) dst(%dma_wait3A_378 : memref<128x128xf32, #tpu.memory_space<vmem_shared>>)
      tpu.yield
    }) : () -> ()
    "tpu.region"() ({
      %run_scoped3A = tpu.sem_alloc : memref<!tpu.dma_semaphore, #tpu.memory_space<semaphore_mem>>
      %dma_start3A_373 = arith.constant 80 : i32
      %dma_start3A_374 = arith.constant 0 : i32
      %dma_start3A_375 = tpu.memref_slice %arg9[%dma_start3A_373, %dma_start3A_374] : memref<400x128xf32, #tpu.memory_space<vmem>> -> memref<80x128xf32, #tpu.memory_space<vmem>>
      %dma_start3A_376 = arith.constant 0 : i32
      %dma_start3A_377 = arith.constant 0 : i32
      %dma_start3A_378 = tpu.memref_slice %arg21[%dma_start3A_376, %dma_start3A_377] : memref<128x128xf32, #tpu.memory_space<vmem_shared>> -> memref<128x128xf32, #tpu.memory_space<vmem_shared>>
      tpu.enqueue_indirect_dma source(%dma_start3A_375 : memref<80x128xf32, #tpu.memory_space<vmem>>) target(%dma_start3A_378 : memref<128x128xf32, #tpu.memory_space<vmem_shared>>) offsets(%arg16 : memref<80xi32, #tpu.memory_space<vmem>>) semaphore(%run_scoped3A : memref<!tpu.dma_semaphore, #tpu.memory_space<semaphore_mem>>) {add = true}
      %dma_wait3A_379 = arith.constant 80 : i32
      %dma_wait3A_380 = arith.constant 0 : i32
      %dma_wait3A_381 = tpu.memref_slice %arg9[%dma_wait3A_379, %dma_wait3A_380] : memref<400x128xf32, #tpu.memory_space<vmem>> -> memref<80x128xf32, #tpu.memory_space<vmem>>
      %dma_wait3A_382 = arith.constant 0 : i32
      %dma_wait3A_383 = arith.constant 0 : i32
      %dma_wait3A_384 = tpu.memref_slice %arg21[%dma_wait3A_382, %dma_wait3A_383] : memref<128x128xf32, #tpu.memory_space<vmem_shared>> -> memref<128x128xf32, #tpu.memory_space<vmem_shared>>
      tpu.wait_indirect_dma semaphore(%run_scoped3A : memref<!tpu.dma_semaphore, #tpu.memory_space<semaphore_mem>>) src(%dma_wait3A_381 : memref<80x128xf32, #tpu.memory_space<vmem>>) dst(%dma_wait3A_384 : memref<128x128xf32, #tpu.memory_space<vmem_shared>>)
      tpu.yield
    }) : () -> ()
    "tpu.region"() ({
      %run_scoped3A = tpu.sem_alloc : memref<!tpu.dma_semaphore, #tpu.memory_space<semaphore_mem>>
      %dma_start3A_373 = arith.constant 0 : i32
      %dma_start3A_374 = arith.constant 0 : i32
      %dma_start3A_375 = tpu.memref_slice %arg22[%dma_start3A_373, %dma_start3A_374] : memref<128x128xf32, #tpu.memory_space<vmem_shared>> -> memref<128x128xf32, #tpu.memory_space<vmem_shared>>
      tpu.enqueue_indirect_dma source(%arg20 : memref<80x128xf32, #tpu.memory_space<vmem>>) target(%dma_start3A_375 : memref<128x128xf32, #tpu.memory_space<vmem_shared>>) offsets(%arg16 : memref<80xi32, #tpu.memory_space<vmem>>) semaphore(%run_scoped3A : memref<!tpu.dma_semaphore, #tpu.memory_space<semaphore_mem>>) {add = true}
      %dma_wait3A_376 = arith.constant 0 : i32
      %dma_wait3A_377 = arith.constant 0 : i32
      %dma_wait3A_378 = tpu.memref_slice %arg22[%dma_wait3A_376, %dma_wait3A_377] : memref<128x128xf32, #tpu.memory_space<vmem_shared>> -> memref<128x128xf32, #tpu.memory_space<vmem_shared>>
      tpu.wait_indirect_dma semaphore(%run_scoped3A : memref<!tpu.dma_semaphore, #tpu.memory_space<semaphore_mem>>) src(%arg20 : memref<80x128xf32, #tpu.memory_space<vmem>>) dst(%dma_wait3A_378 : memref<128x128xf32, #tpu.memory_space<vmem_shared>>)
      tpu.yield
    }) : () -> ()
    "tpu.region"() ({
      %run_scoped3A = tpu.sem_alloc : memref<!tpu.dma_semaphore, #tpu.memory_space<semaphore_mem>>
      %dma_start3A_373 = arith.constant 160 : i32
      %dma_start3A_374 = arith.constant 0 : i32
      %dma_start3A_375 = tpu.memref_slice %arg9[%dma_start3A_373, %dma_start3A_374] : memref<400x128xf32, #tpu.memory_space<vmem>> -> memref<80x128xf32, #tpu.memory_space<vmem>>
      %dma_start3A_376 = arith.constant 0 : i32
      %dma_start3A_377 = arith.constant 0 : i32
      %dma_start3A_378 = tpu.memref_slice %arg21[%dma_start3A_376, %dma_start3A_377] : memref<128x128xf32, #tpu.memory_space<vmem_shared>> -> memref<128x128xf32, #tpu.memory_space<vmem_shared>>
      tpu.enqueue_indirect_dma source(%dma_start3A_375 : memref<80x128xf32, #tpu.memory_space<vmem>>) target(%dma_start3A_378 : memref<128x128xf32, #tpu.memory_space<vmem_shared>>) offsets(%arg17 : memref<80xi32, #tpu.memory_space<vmem>>) semaphore(%run_scoped3A : memref<!tpu.dma_semaphore, #tpu.memory_space<semaphore_mem>>) {add = true}
      %dma_wait3A_379 = arith.constant 160 : i32
      %dma_wait3A_380 = arith.constant 0 : i32
      %dma_wait3A_381 = tpu.memref_slice %arg9[%dma_wait3A_379, %dma_wait3A_380] : memref<400x128xf32, #tpu.memory_space<vmem>> -> memref<80x128xf32, #tpu.memory_space<vmem>>
      %dma_wait3A_382 = arith.constant 0 : i32
      %dma_wait3A_383 = arith.constant 0 : i32
      %dma_wait3A_384 = tpu.memref_slice %arg21[%dma_wait3A_382, %dma_wait3A_383] : memref<128x128xf32, #tpu.memory_space<vmem_shared>> -> memref<128x128xf32, #tpu.memory_space<vmem_shared>>
      tpu.wait_indirect_dma semaphore(%run_scoped3A : memref<!tpu.dma_semaphore, #tpu.memory_space<semaphore_mem>>) src(%dma_wait3A_381 : memref<80x128xf32, #tpu.memory_space<vmem>>) dst(%dma_wait3A_384 : memref<128x128xf32, #tpu.memory_space<vmem_shared>>)
      tpu.yield
    }) : () -> ()
    "tpu.region"() ({
      %run_scoped3A = tpu.sem_alloc : memref<!tpu.dma_semaphore, #tpu.memory_space<semaphore_mem>>
      %dma_start3A_373 = arith.constant 0 : i32
      %dma_start3A_374 = arith.constant 0 : i32
      %dma_start3A_375 = tpu.memref_slice %arg22[%dma_start3A_373, %dma_start3A_374] : memref<128x128xf32, #tpu.memory_space<vmem_shared>> -> memref<128x128xf32, #tpu.memory_space<vmem_shared>>
      tpu.enqueue_indirect_dma source(%arg20 : memref<80x128xf32, #tpu.memory_space<vmem>>) target(%dma_start3A_375 : memref<128x128xf32, #tpu.memory_space<vmem_shared>>) offsets(%arg17 : memref<80xi32, #tpu.memory_space<vmem>>) semaphore(%run_scoped3A : memref<!tpu.dma_semaphore, #tpu.memory_space<semaphore_mem>>) {add = true}
      %dma_wait3A_376 = arith.constant 0 : i32
      %dma_wait3A_377 = arith.constant 0 : i32
      %dma_wait3A_378 = tpu.memref_slice %arg22[%dma_wait3A_376, %dma_wait3A_377] : memref<128x128xf32, #tpu.memory_space<vmem_shared>> -> memref<128x128xf32, #tpu.memory_space<vmem_shared>>
      tpu.wait_indirect_dma semaphore(%run_scoped3A : memref<!tpu.dma_semaphore, #tpu.memory_space<semaphore_mem>>) src(%arg20 : memref<80x128xf32, #tpu.memory_space<vmem>>) dst(%dma_wait3A_378 : memref<128x128xf32, #tpu.memory_space<vmem_shared>>)
      tpu.yield
    }) : () -> ()
    "tpu.region"() ({
      %run_scoped3A = tpu.sem_alloc : memref<!tpu.dma_semaphore, #tpu.memory_space<semaphore_mem>>
      %dma_start3A_373 = arith.constant 240 : i32
      %dma_start3A_374 = arith.constant 0 : i32
      %dma_start3A_375 = tpu.memref_slice %arg9[%dma_start3A_373, %dma_start3A_374] : memref<400x128xf32, #tpu.memory_space<vmem>> -> memref<80x128xf32, #tpu.memory_space<vmem>>
      %dma_start3A_376 = arith.constant 0 : i32
      %dma_start3A_377 = arith.constant 0 : i32
      %dma_start3A_378 = tpu.memref_slice %arg21[%dma_start3A_376, %dma_start3A_377] : memref<128x128xf32, #tpu.memory_space<vmem_shared>> -> memref<128x128xf32, #tpu.memory_space<vmem_shared>>
      tpu.enqueue_indirect_dma source(%dma_start3A_375 : memref<80x128xf32, #tpu.memory_space<vmem>>) target(%dma_start3A_378 : memref<128x128xf32, #tpu.memory_space<vmem_shared>>) offsets(%arg18 : memref<80xi32, #tpu.memory_space<vmem>>) semaphore(%run_scoped3A : memref<!tpu.dma_semaphore, #tpu.memory_space<semaphore_mem>>) {add = true}
      %dma_wait3A_379 = arith.constant 240 : i32
      %dma_wait3A_380 = arith.constant 0 : i32
      %dma_wait3A_381 = tpu.memref_slice %arg9[%dma_wait3A_379, %dma_wait3A_380] : memref<400x128xf32, #tpu.memory_space<vmem>> -> memref<80x128xf32, #tpu.memory_space<vmem>>
      %dma_wait3A_382 = arith.constant 0 : i32
      %dma_wait3A_383 = arith.constant 0 : i32
      %dma_wait3A_384 = tpu.memref_slice %arg21[%dma_wait3A_382, %dma_wait3A_383] : memref<128x128xf32, #tpu.memory_space<vmem_shared>> -> memref<128x128xf32, #tpu.memory_space<vmem_shared>>
      tpu.wait_indirect_dma semaphore(%run_scoped3A : memref<!tpu.dma_semaphore, #tpu.memory_space<semaphore_mem>>) src(%dma_wait3A_381 : memref<80x128xf32, #tpu.memory_space<vmem>>) dst(%dma_wait3A_384 : memref<128x128xf32, #tpu.memory_space<vmem_shared>>)
      tpu.yield
    }) : () -> ()
    "tpu.region"() ({
      %run_scoped3A = tpu.sem_alloc : memref<!tpu.dma_semaphore, #tpu.memory_space<semaphore_mem>>
      %dma_start3A_373 = arith.constant 0 : i32
      %dma_start3A_374 = arith.constant 0 : i32
      %dma_start3A_375 = tpu.memref_slice %arg22[%dma_start3A_373, %dma_start3A_374] : memref<128x128xf32, #tpu.memory_space<vmem_shared>> -> memref<128x128xf32, #tpu.memory_space<vmem_shared>>
      tpu.enqueue_indirect_dma source(%arg20 : memref<80x128xf32, #tpu.memory_space<vmem>>) target(%dma_start3A_375 : memref<128x128xf32, #tpu.memory_space<vmem_shared>>) offsets(%arg18 : memref<80xi32, #tpu.memory_space<vmem>>) semaphore(%run_scoped3A : memref<!tpu.dma_semaphore, #tpu.memory_space<semaphore_mem>>) {add = true}
      %dma_wait3A_376 = arith.constant 0 : i32
      %dma_wait3A_377 = arith.constant 0 : i32
      %dma_wait3A_378 = tpu.memref_slice %arg22[%dma_wait3A_376, %dma_wait3A_377] : memref<128x128xf32, #tpu.memory_space<vmem_shared>> -> memref<128x128xf32, #tpu.memory_space<vmem_shared>>
      tpu.wait_indirect_dma semaphore(%run_scoped3A : memref<!tpu.dma_semaphore, #tpu.memory_space<semaphore_mem>>) src(%arg20 : memref<80x128xf32, #tpu.memory_space<vmem>>) dst(%dma_wait3A_378 : memref<128x128xf32, #tpu.memory_space<vmem_shared>>)
      tpu.yield
    }) : () -> ()
    "tpu.region"() ({
      %run_scoped3A = tpu.sem_alloc : memref<!tpu.dma_semaphore, #tpu.memory_space<semaphore_mem>>
      %dma_start3A_373 = arith.constant 320 : i32
      %dma_start3A_374 = arith.constant 0 : i32
      %dma_start3A_375 = tpu.memref_slice %arg9[%dma_start3A_373, %dma_start3A_374] : memref<400x128xf32, #tpu.memory_space<vmem>> -> memref<80x128xf32, #tpu.memory_space<vmem>>
      %dma_start3A_376 = arith.constant 0 : i32
      %dma_start3A_377 = arith.constant 0 : i32
      %dma_start3A_378 = tpu.memref_slice %arg21[%dma_start3A_376, %dma_start3A_377] : memref<128x128xf32, #tpu.memory_space<vmem_shared>> -> memref<128x128xf32, #tpu.memory_space<vmem_shared>>
      tpu.enqueue_indirect_dma source(%dma_start3A_375 : memref<80x128xf32, #tpu.memory_space<vmem>>) target(%dma_start3A_378 : memref<128x128xf32, #tpu.memory_space<vmem_shared>>) offsets(%arg19 : memref<80xi32, #tpu.memory_space<vmem>>) semaphore(%run_scoped3A : memref<!tpu.dma_semaphore, #tpu.memory_space<semaphore_mem>>) {add = true}
      %dma_wait3A_379 = arith.constant 320 : i32
      %dma_wait3A_380 = arith.constant 0 : i32
      %dma_wait3A_381 = tpu.memref_slice %arg9[%dma_wait3A_379, %dma_wait3A_380] : memref<400x128xf32, #tpu.memory_space<vmem>> -> memref<80x128xf32, #tpu.memory_space<vmem>>
      %dma_wait3A_382 = arith.constant 0 : i32
      %dma_wait3A_383 = arith.constant 0 : i32
      %dma_wait3A_384 = tpu.memref_slice %arg21[%dma_wait3A_382, %dma_wait3A_383] : memref<128x128xf32, #tpu.memory_space<vmem_shared>> -> memref<128x128xf32, #tpu.memory_space<vmem_shared>>
      tpu.wait_indirect_dma semaphore(%run_scoped3A : memref<!tpu.dma_semaphore, #tpu.memory_space<semaphore_mem>>) src(%dma_wait3A_381 : memref<80x128xf32, #tpu.memory_space<vmem>>) dst(%dma_wait3A_384 : memref<128x128xf32, #tpu.memory_space<vmem_shared>>)
      tpu.yield
    }) : () -> ()
    "tpu.region"() ({
      %run_scoped3A = tpu.sem_alloc : memref<!tpu.dma_semaphore, #tpu.memory_space<semaphore_mem>>
      %dma_start3A_373 = arith.constant 0 : i32
      %dma_start3A_374 = arith.constant 0 : i32
      %dma_start3A_375 = tpu.memref_slice %arg22[%dma_start3A_373, %dma_start3A_374] : memref<128x128xf32, #tpu.memory_space<vmem_shared>> -> memref<128x128xf32, #tpu.memory_space<vmem_shared>>
      tpu.enqueue_indirect_dma source(%arg20 : memref<80x128xf32, #tpu.memory_space<vmem>>) target(%dma_start3A_375 : memref<128x128xf32, #tpu.memory_space<vmem_shared>>) offsets(%arg19 : memref<80xi32, #tpu.memory_space<vmem>>) semaphore(%run_scoped3A : memref<!tpu.dma_semaphore, #tpu.memory_space<semaphore_mem>>) {add = true}
      %dma_wait3A_376 = arith.constant 0 : i32
      %dma_wait3A_377 = arith.constant 0 : i32
      %dma_wait3A_378 = tpu.memref_slice %arg22[%dma_wait3A_376, %dma_wait3A_377] : memref<128x128xf32, #tpu.memory_space<vmem_shared>> -> memref<128x128xf32, #tpu.memory_space<vmem_shared>>
      tpu.wait_indirect_dma semaphore(%run_scoped3A : memref<!tpu.dma_semaphore, #tpu.memory_space<semaphore_mem>>) src(%arg20 : memref<80x128xf32, #tpu.memory_space<vmem>>) dst(%dma_wait3A_378 : memref<128x128xf32, #tpu.memory_space<vmem_shared>>)
      tpu.yield
    }) : () -> ()
    %add3A_141 = arith.constant 96 : i32
    %add3A_142 = arith.addi %add3A_141, %add3A : i32
    %mul3A_143 = arith.constant 400 : i32
    %mul3A_144 = arith.muli %add3A_142, %mul3A_143 : i32
    %mul3A_145 = arith.constant 400 : i32
    %mul3A_146 = arith.muli %add3A_142, %mul3A_145 : i32
    %add3A_147 = arith.constant 0 : i32
    %add3A_148 = arith.addi %mul3A_146, %add3A_147 : i32
    %mul3A_149 = arith.constant 400 : i32
    %mul3A_150 = arith.muli %add3A_142, %mul3A_149 : i32
    %add3A_151 = arith.constant 80 : i32
    %add3A_152 = arith.addi %mul3A_150, %add3A_151 : i32
    %mul3A_153 = arith.constant 400 : i32
    %mul3A_154 = arith.muli %add3A_142, %mul3A_153 : i32
    %add3A_155 = arith.constant 160 : i32
    %add3A_156 = arith.addi %mul3A_154, %add3A_155 : i32
    %mul3A_157 = arith.constant 400 : i32
    %mul3A_158 = arith.muli %add3A_142, %mul3A_157 : i32
    %add3A_159 = arith.constant 240 : i32
    %add3A_160 = arith.addi %mul3A_158, %add3A_159 : i32
    %mul3A_161 = arith.constant 400 : i32
    %mul3A_162 = arith.muli %add3A_142, %mul3A_161 : i32
    %add3A_163 = arith.constant 320 : i32
    %add3A_164 = arith.addi %mul3A_162, %add3A_163 : i32
    %dma_start3A_165 = arith.constant 0 : i32
    %dma_start3A_166 = tpu.memref_slice %arg2[%mul3A_144, %dma_start3A_165] : memref<100000x128xf32, #tpu.memory_space<hbm>> -> memref<400x128xf32, #tpu.memory_space<hbm>>
    %dma_start3A_167 = arith.constant 0 : i32
    %dma_start3A_168 = tpu.memref_slice %arg2[%mul3A_144, %dma_start3A_167] : memref<100000x128xf32, #tpu.memory_space<hbm>> -> memref<400x128xf32, #tpu.memory_space<hbm>>
    tpu.enqueue_dma source(%dma_start3A_168 : memref<400x128xf32, #tpu.memory_space<hbm>>) target(%arg9 : memref<400x128xf32, #tpu.memory_space<vmem>>) target_semaphore(%arg24 : memref<!tpu.dma_semaphore, #tpu.memory_space<semaphore_mem>>)
    %dma_start3A_169 = tpu.memref_slice %arg3[%add3A_148] : memref<100000xi32, #tpu.memory_space<hbm>> -> memref<80xi32, #tpu.memory_space<hbm>>
    %dma_start3A_170 = tpu.memref_slice %arg3[%add3A_148] : memref<100000xi32, #tpu.memory_space<hbm>> -> memref<80xi32, #tpu.memory_space<hbm>>
    tpu.enqueue_dma source(%dma_start3A_170 : memref<80xi32, #tpu.memory_space<hbm>>) target(%arg15 : memref<80xi32, #tpu.memory_space<vmem>>) target_semaphore(%arg24 : memref<!tpu.dma_semaphore, #tpu.memory_space<semaphore_mem>>)
    %dma_start3A_171 = tpu.memref_slice %arg3[%add3A_152] : memref<100000xi32, #tpu.memory_space<hbm>> -> memref<80xi32, #tpu.memory_space<hbm>>
    %dma_start3A_172 = tpu.memref_slice %arg3[%add3A_152] : memref<100000xi32, #tpu.memory_space<hbm>> -> memref<80xi32, #tpu.memory_space<hbm>>
    tpu.enqueue_dma source(%dma_start3A_172 : memref<80xi32, #tpu.memory_space<hbm>>) target(%arg16 : memref<80xi32, #tpu.memory_space<vmem>>) target_semaphore(%arg24 : memref<!tpu.dma_semaphore, #tpu.memory_space<semaphore_mem>>)
    %dma_start3A_173 = tpu.memref_slice %arg3[%add3A_156] : memref<100000xi32, #tpu.memory_space<hbm>> -> memref<80xi32, #tpu.memory_space<hbm>>
    %dma_start3A_174 = tpu.memref_slice %arg3[%add3A_156] : memref<100000xi32, #tpu.memory_space<hbm>> -> memref<80xi32, #tpu.memory_space<hbm>>
    tpu.enqueue_dma source(%dma_start3A_174 : memref<80xi32, #tpu.memory_space<hbm>>) target(%arg17 : memref<80xi32, #tpu.memory_space<vmem>>) target_semaphore(%arg24 : memref<!tpu.dma_semaphore, #tpu.memory_space<semaphore_mem>>)
    %dma_start3A_175 = tpu.memref_slice %arg3[%add3A_160] : memref<100000xi32, #tpu.memory_space<hbm>> -> memref<80xi32, #tpu.memory_space<hbm>>
    %dma_start3A_176 = tpu.memref_slice %arg3[%add3A_160] : memref<100000xi32, #tpu.memory_space<hbm>> -> memref<80xi32, #tpu.memory_space<hbm>>
    tpu.enqueue_dma source(%dma_start3A_176 : memref<80xi32, #tpu.memory_space<hbm>>) target(%arg18 : memref<80xi32, #tpu.memory_space<vmem>>) target_semaphore(%arg24 : memref<!tpu.dma_semaphore, #tpu.memory_space<semaphore_mem>>)
    %dma_start3A_177 = tpu.memref_slice %arg3[%add3A_164] : memref<100000xi32, #tpu.memory_space<hbm>> -> memref<80xi32, #tpu.memory_space<hbm>>
    %dma_start3A_178 = tpu.memref_slice %arg3[%add3A_164] : memref<100000xi32, #tpu.memory_space<hbm>> -> memref<80xi32, #tpu.memory_space<hbm>>
    tpu.enqueue_dma source(%dma_start3A_178 : memref<80xi32, #tpu.memory_space<hbm>>) target(%arg19 : memref<80xi32, #tpu.memory_space<vmem>>) target_semaphore(%arg24 : memref<!tpu.dma_semaphore, #tpu.memory_space<semaphore_mem>>)
    %dma_wait3A_179 = arith.constant 0 : i32
    %dma_wait3A_180 = tpu.memref_slice %arg2[%mul3A_92, %dma_wait3A_179] : memref<100000x128xf32, #tpu.memory_space<hbm>> -> memref<400x128xf32, #tpu.memory_space<hbm>>
    %dma_wait3A_181 = arith.constant 0 : i32
    %dma_wait3A_182 = tpu.memref_slice %arg2[%mul3A_92, %dma_wait3A_181] : memref<100000x128xf32, #tpu.memory_space<hbm>> -> memref<400x128xf32, #tpu.memory_space<hbm>>
    tpu.wait_dma2 semaphore(%arg23 : memref<!tpu.dma_semaphore, #tpu.memory_space<semaphore_mem>>) src(%dma_wait3A_182 : memref<400x128xf32, #tpu.memory_space<hbm>>) dst(%arg8 : memref<400x128xf32, #tpu.memory_space<vmem>>)
    %dma_wait3A_183 = tpu.memref_slice %arg3[%add3A_96] : memref<100000xi32, #tpu.memory_space<hbm>> -> memref<80xi32, #tpu.memory_space<hbm>>
    %dma_wait3A_184 = tpu.memref_slice %arg3[%add3A_96] : memref<100000xi32, #tpu.memory_space<hbm>> -> memref<80xi32, #tpu.memory_space<hbm>>
    tpu.wait_dma2 semaphore(%arg23 : memref<!tpu.dma_semaphore, #tpu.memory_space<semaphore_mem>>) src(%dma_wait3A_184 : memref<80xi32, #tpu.memory_space<hbm>>) dst(%arg10 : memref<80xi32, #tpu.memory_space<vmem>>)
    %dma_wait3A_185 = tpu.memref_slice %arg3[%add3A_100] : memref<100000xi32, #tpu.memory_space<hbm>> -> memref<80xi32, #tpu.memory_space<hbm>>
    %dma_wait3A_186 = tpu.memref_slice %arg3[%add3A_100] : memref<100000xi32, #tpu.memory_space<hbm>> -> memref<80xi32, #tpu.memory_space<hbm>>
    tpu.wait_dma2 semaphore(%arg23 : memref<!tpu.dma_semaphore, #tpu.memory_space<semaphore_mem>>) src(%dma_wait3A_186 : memref<80xi32, #tpu.memory_space<hbm>>) dst(%arg11 : memref<80xi32, #tpu.memory_space<vmem>>)
    %dma_wait3A_187 = tpu.memref_slice %arg3[%add3A_104] : memref<100000xi32, #tpu.memory_space<hbm>> -> memref<80xi32, #tpu.memory_space<hbm>>
    %dma_wait3A_188 = tpu.memref_slice %arg3[%add3A_104] : memref<100000xi32, #tpu.memory_space<hbm>> -> memref<80xi32, #tpu.memory_space<hbm>>
    tpu.wait_dma2 semaphore(%arg23 : memref<!tpu.dma_semaphore, #tpu.memory_space<semaphore_mem>>) src(%dma_wait3A_188 : memref<80xi32, #tpu.memory_space<hbm>>) dst(%arg12 : memref<80xi32, #tpu.memory_space<vmem>>)
    %dma_wait3A_189 = tpu.memref_slice %arg3[%add3A_108] : memref<100000xi32, #tpu.memory_space<hbm>> -> memref<80xi32, #tpu.memory_space<hbm>>
    %dma_wait3A_190 = tpu.memref_slice %arg3[%add3A_108] : memref<100000xi32, #tpu.memory_space<hbm>> -> memref<80xi32, #tpu.memory_space<hbm>>
    tpu.wait_dma2 semaphore(%arg23 : memref<!tpu.dma_semaphore, #tpu.memory_space<semaphore_mem>>) src(%dma_wait3A_190 : memref<80xi32, #tpu.memory_space<hbm>>) dst(%arg13 : memref<80xi32, #tpu.memory_space<vmem>>)
    %dma_wait3A_191 = tpu.memref_slice %arg3[%add3A_112] : memref<100000xi32, #tpu.memory_space<hbm>> -> memref<80xi32, #tpu.memory_space<hbm>>
    %dma_wait3A_192 = tpu.memref_slice %arg3[%add3A_112] : memref<100000xi32, #tpu.memory_space<hbm>> -> memref<80xi32, #tpu.memory_space<hbm>>
    tpu.wait_dma2 semaphore(%arg23 : memref<!tpu.dma_semaphore, #tpu.memory_space<semaphore_mem>>) src(%dma_wait3A_192 : memref<80xi32, #tpu.memory_space<hbm>>) dst(%arg14 : memref<80xi32, #tpu.memory_space<vmem>>)
    "tpu.region"() ({
      %run_scoped3A = tpu.sem_alloc : memref<!tpu.dma_semaphore, #tpu.memory_space<semaphore_mem>>
      %dma_start3A_373 = arith.constant 0 : i32
      %dma_start3A_374 = arith.constant 0 : i32
      %dma_start3A_375 = tpu.memref_slice %arg8[%dma_start3A_373, %dma_start3A_374] : memref<400x128xf32, #tpu.memory_space<vmem>> -> memref<80x128xf32, #tpu.memory_space<vmem>>
      %dma_start3A_376 = arith.constant 0 : i32
      %dma_start3A_377 = arith.constant 0 : i32
      %dma_start3A_378 = tpu.memref_slice %arg21[%dma_start3A_376, %dma_start3A_377] : memref<128x128xf32, #tpu.memory_space<vmem_shared>> -> memref<128x128xf32, #tpu.memory_space<vmem_shared>>
      tpu.enqueue_indirect_dma source(%dma_start3A_375 : memref<80x128xf32, #tpu.memory_space<vmem>>) target(%dma_start3A_378 : memref<128x128xf32, #tpu.memory_space<vmem_shared>>) offsets(%arg10 : memref<80xi32, #tpu.memory_space<vmem>>) semaphore(%run_scoped3A : memref<!tpu.dma_semaphore, #tpu.memory_space<semaphore_mem>>) {add = true}
      %dma_wait3A_379 = arith.constant 0 : i32
      %dma_wait3A_380 = arith.constant 0 : i32
      %dma_wait3A_381 = tpu.memref_slice %arg8[%dma_wait3A_379, %dma_wait3A_380] : memref<400x128xf32, #tpu.memory_space<vmem>> -> memref<80x128xf32, #tpu.memory_space<vmem>>
      %dma_wait3A_382 = arith.constant 0 : i32
      %dma_wait3A_383 = arith.constant 0 : i32
      %dma_wait3A_384 = tpu.memref_slice %arg21[%dma_wait3A_382, %dma_wait3A_383] : memref<128x128xf32, #tpu.memory_space<vmem_shared>> -> memref<128x128xf32, #tpu.memory_space<vmem_shared>>
      tpu.wait_indirect_dma semaphore(%run_scoped3A : memref<!tpu.dma_semaphore, #tpu.memory_space<semaphore_mem>>) src(%dma_wait3A_381 : memref<80x128xf32, #tpu.memory_space<vmem>>) dst(%dma_wait3A_384 : memref<128x128xf32, #tpu.memory_space<vmem_shared>>)
      tpu.yield
    }) : () -> ()
    "tpu.region"() ({
      %run_scoped3A = tpu.sem_alloc : memref<!tpu.dma_semaphore, #tpu.memory_space<semaphore_mem>>
      %dma_start3A_373 = arith.constant 0 : i32
      %dma_start3A_374 = arith.constant 0 : i32
      %dma_start3A_375 = tpu.memref_slice %arg22[%dma_start3A_373, %dma_start3A_374] : memref<128x128xf32, #tpu.memory_space<vmem_shared>> -> memref<128x128xf32, #tpu.memory_space<vmem_shared>>
      tpu.enqueue_indirect_dma source(%arg20 : memref<80x128xf32, #tpu.memory_space<vmem>>) target(%dma_start3A_375 : memref<128x128xf32, #tpu.memory_space<vmem_shared>>) offsets(%arg10 : memref<80xi32, #tpu.memory_space<vmem>>) semaphore(%run_scoped3A : memref<!tpu.dma_semaphore, #tpu.memory_space<semaphore_mem>>) {add = true}
      %dma_wait3A_376 = arith.constant 0 : i32
      %dma_wait3A_377 = arith.constant 0 : i32
      %dma_wait3A_378 = tpu.memref_slice %arg22[%dma_wait3A_376, %dma_wait3A_377] : memref<128x128xf32, #tpu.memory_space<vmem_shared>> -> memref<128x128xf32, #tpu.memory_space<vmem_shared>>
      tpu.wait_indirect_dma semaphore(%run_scoped3A : memref<!tpu.dma_semaphore, #tpu.memory_space<semaphore_mem>>) src(%arg20 : memref<80x128xf32, #tpu.memory_space<vmem>>) dst(%dma_wait3A_378 : memref<128x128xf32, #tpu.memory_space<vmem_shared>>)
      tpu.yield
    }) : () -> ()
    "tpu.region"() ({
      %run_scoped3A = tpu.sem_alloc : memref<!tpu.dma_semaphore, #tpu.memory_space<semaphore_mem>>
      %dma_start3A_373 = arith.constant 80 : i32
      %dma_start3A_374 = arith.constant 0 : i32
      %dma_start3A_375 = tpu.memref_slice %arg8[%dma_start3A_373, %dma_start3A_374] : memref<400x128xf32, #tpu.memory_space<vmem>> -> memref<80x128xf32, #tpu.memory_space<vmem>>
      %dma_start3A_376 = arith.constant 0 : i32
      %dma_start3A_377 = arith.constant 0 : i32
      %dma_start3A_378 = tpu.memref_slice %arg21[%dma_start3A_376, %dma_start3A_377] : memref<128x128xf32, #tpu.memory_space<vmem_shared>> -> memref<128x128xf32, #tpu.memory_space<vmem_shared>>
      tpu.enqueue_indirect_dma source(%dma_start3A_375 : memref<80x128xf32, #tpu.memory_space<vmem>>) target(%dma_start3A_378 : memref<128x128xf32, #tpu.memory_space<vmem_shared>>) offsets(%arg11 : memref<80xi32, #tpu.memory_space<vmem>>) semaphore(%run_scoped3A : memref<!tpu.dma_semaphore, #tpu.memory_space<semaphore_mem>>) {add = true}
      %dma_wait3A_379 = arith.constant 80 : i32
      %dma_wait3A_380 = arith.constant 0 : i32
      %dma_wait3A_381 = tpu.memref_slice %arg8[%dma_wait3A_379, %dma_wait3A_380] : memref<400x128xf32, #tpu.memory_space<vmem>> -> memref<80x128xf32, #tpu.memory_space<vmem>>
      %dma_wait3A_382 = arith.constant 0 : i32
      %dma_wait3A_383 = arith.constant 0 : i32
      %dma_wait3A_384 = tpu.memref_slice %arg21[%dma_wait3A_382, %dma_wait3A_383] : memref<128x128xf32, #tpu.memory_space<vmem_shared>> -> memref<128x128xf32, #tpu.memory_space<vmem_shared>>
      tpu.wait_indirect_dma semaphore(%run_scoped3A : memref<!tpu.dma_semaphore, #tpu.memory_space<semaphore_mem>>) src(%dma_wait3A_381 : memref<80x128xf32, #tpu.memory_space<vmem>>) dst(%dma_wait3A_384 : memref<128x128xf32, #tpu.memory_space<vmem_shared>>)
      tpu.yield
    }) : () -> ()
    "tpu.region"() ({
      %run_scoped3A = tpu.sem_alloc : memref<!tpu.dma_semaphore, #tpu.memory_space<semaphore_mem>>
      %dma_start3A_373 = arith.constant 0 : i32
      %dma_start3A_374 = arith.constant 0 : i32
      %dma_start3A_375 = tpu.memref_slice %arg22[%dma_start3A_373, %dma_start3A_374] : memref<128x128xf32, #tpu.memory_space<vmem_shared>> -> memref<128x128xf32, #tpu.memory_space<vmem_shared>>
      tpu.enqueue_indirect_dma source(%arg20 : memref<80x128xf32, #tpu.memory_space<vmem>>) target(%dma_start3A_375 : memref<128x128xf32, #tpu.memory_space<vmem_shared>>) offsets(%arg11 : memref<80xi32, #tpu.memory_space<vmem>>) semaphore(%run_scoped3A : memref<!tpu.dma_semaphore, #tpu.memory_space<semaphore_mem>>) {add = true}
      %dma_wait3A_376 = arith.constant 0 : i32
      %dma_wait3A_377 = arith.constant 0 : i32
      %dma_wait3A_378 = tpu.memref_slice %arg22[%dma_wait3A_376, %dma_wait3A_377] : memref<128x128xf32, #tpu.memory_space<vmem_shared>> -> memref<128x128xf32, #tpu.memory_space<vmem_shared>>
      tpu.wait_indirect_dma semaphore(%run_scoped3A : memref<!tpu.dma_semaphore, #tpu.memory_space<semaphore_mem>>) src(%arg20 : memref<80x128xf32, #tpu.memory_space<vmem>>) dst(%dma_wait3A_378 : memref<128x128xf32, #tpu.memory_space<vmem_shared>>)
      tpu.yield
    }) : () -> ()
    "tpu.region"() ({
      %run_scoped3A = tpu.sem_alloc : memref<!tpu.dma_semaphore, #tpu.memory_space<semaphore_mem>>
      %dma_start3A_373 = arith.constant 160 : i32
      %dma_start3A_374 = arith.constant 0 : i32
      %dma_start3A_375 = tpu.memref_slice %arg8[%dma_start3A_373, %dma_start3A_374] : memref<400x128xf32, #tpu.memory_space<vmem>> -> memref<80x128xf32, #tpu.memory_space<vmem>>
      %dma_start3A_376 = arith.constant 0 : i32
      %dma_start3A_377 = arith.constant 0 : i32
      %dma_start3A_378 = tpu.memref_slice %arg21[%dma_start3A_376, %dma_start3A_377] : memref<128x128xf32, #tpu.memory_space<vmem_shared>> -> memref<128x128xf32, #tpu.memory_space<vmem_shared>>
      tpu.enqueue_indirect_dma source(%dma_start3A_375 : memref<80x128xf32, #tpu.memory_space<vmem>>) target(%dma_start3A_378 : memref<128x128xf32, #tpu.memory_space<vmem_shared>>) offsets(%arg12 : memref<80xi32, #tpu.memory_space<vmem>>) semaphore(%run_scoped3A : memref<!tpu.dma_semaphore, #tpu.memory_space<semaphore_mem>>) {add = true}
      %dma_wait3A_379 = arith.constant 160 : i32
      %dma_wait3A_380 = arith.constant 0 : i32
      %dma_wait3A_381 = tpu.memref_slice %arg8[%dma_wait3A_379, %dma_wait3A_380] : memref<400x128xf32, #tpu.memory_space<vmem>> -> memref<80x128xf32, #tpu.memory_space<vmem>>
      %dma_wait3A_382 = arith.constant 0 : i32
      %dma_wait3A_383 = arith.constant 0 : i32
      %dma_wait3A_384 = tpu.memref_slice %arg21[%dma_wait3A_382, %dma_wait3A_383] : memref<128x128xf32, #tpu.memory_space<vmem_shared>> -> memref<128x128xf32, #tpu.memory_space<vmem_shared>>
      tpu.wait_indirect_dma semaphore(%run_scoped3A : memref<!tpu.dma_semaphore, #tpu.memory_space<semaphore_mem>>) src(%dma_wait3A_381 : memref<80x128xf32, #tpu.memory_space<vmem>>) dst(%dma_wait3A_384 : memref<128x128xf32, #tpu.memory_space<vmem_shared>>)
      tpu.yield
    }) : () -> ()
    "tpu.region"() ({
      %run_scoped3A = tpu.sem_alloc : memref<!tpu.dma_semaphore, #tpu.memory_space<semaphore_mem>>
      %dma_start3A_373 = arith.constant 0 : i32
      %dma_start3A_374 = arith.constant 0 : i32
      %dma_start3A_375 = tpu.memref_slice %arg22[%dma_start3A_373, %dma_start3A_374] : memref<128x128xf32, #tpu.memory_space<vmem_shared>> -> memref<128x128xf32, #tpu.memory_space<vmem_shared>>
      tpu.enqueue_indirect_dma source(%arg20 : memref<80x128xf32, #tpu.memory_space<vmem>>) target(%dma_start3A_375 : memref<128x128xf32, #tpu.memory_space<vmem_shared>>) offsets(%arg12 : memref<80xi32, #tpu.memory_space<vmem>>) semaphore(%run_scoped3A : memref<!tpu.dma_semaphore, #tpu.memory_space<semaphore_mem>>) {add = true}
      %dma_wait3A_376 = arith.constant 0 : i32
      %dma_wait3A_377 = arith.constant 0 : i32
      %dma_wait3A_378 = tpu.memref_slice %arg22[%dma_wait3A_376, %dma_wait3A_377] : memref<128x128xf32, #tpu.memory_space<vmem_shared>> -> memref<128x128xf32, #tpu.memory_space<vmem_shared>>
      tpu.wait_indirect_dma semaphore(%run_scoped3A : memref<!tpu.dma_semaphore, #tpu.memory_space<semaphore_mem>>) src(%arg20 : memref<80x128xf32, #tpu.memory_space<vmem>>) dst(%dma_wait3A_378 : memref<128x128xf32, #tpu.memory_space<vmem_shared>>)
      tpu.yield
    }) : () -> ()
    "tpu.region"() ({
      %run_scoped3A = tpu.sem_alloc : memref<!tpu.dma_semaphore, #tpu.memory_space<semaphore_mem>>
      %dma_start3A_373 = arith.constant 240 : i32
      %dma_start3A_374 = arith.constant 0 : i32
      %dma_start3A_375 = tpu.memref_slice %arg8[%dma_start3A_373, %dma_start3A_374] : memref<400x128xf32, #tpu.memory_space<vmem>> -> memref<80x128xf32, #tpu.memory_space<vmem>>
      %dma_start3A_376 = arith.constant 0 : i32
      %dma_start3A_377 = arith.constant 0 : i32
      %dma_start3A_378 = tpu.memref_slice %arg21[%dma_start3A_376, %dma_start3A_377] : memref<128x128xf32, #tpu.memory_space<vmem_shared>> -> memref<128x128xf32, #tpu.memory_space<vmem_shared>>
      tpu.enqueue_indirect_dma source(%dma_start3A_375 : memref<80x128xf32, #tpu.memory_space<vmem>>) target(%dma_start3A_378 : memref<128x128xf32, #tpu.memory_space<vmem_shared>>) offsets(%arg13 : memref<80xi32, #tpu.memory_space<vmem>>) semaphore(%run_scoped3A : memref<!tpu.dma_semaphore, #tpu.memory_space<semaphore_mem>>) {add = true}
      %dma_wait3A_379 = arith.constant 240 : i32
      %dma_wait3A_380 = arith.constant 0 : i32
      %dma_wait3A_381 = tpu.memref_slice %arg8[%dma_wait3A_379, %dma_wait3A_380] : memref<400x128xf32, #tpu.memory_space<vmem>> -> memref<80x128xf32, #tpu.memory_space<vmem>>
      %dma_wait3A_382 = arith.constant 0 : i32
      %dma_wait3A_383 = arith.constant 0 : i32
      %dma_wait3A_384 = tpu.memref_slice %arg21[%dma_wait3A_382, %dma_wait3A_383] : memref<128x128xf32, #tpu.memory_space<vmem_shared>> -> memref<128x128xf32, #tpu.memory_space<vmem_shared>>
      tpu.wait_indirect_dma semaphore(%run_scoped3A : memref<!tpu.dma_semaphore, #tpu.memory_space<semaphore_mem>>) src(%dma_wait3A_381 : memref<80x128xf32, #tpu.memory_space<vmem>>) dst(%dma_wait3A_384 : memref<128x128xf32, #tpu.memory_space<vmem_shared>>)
      tpu.yield
    }) : () -> ()
    "tpu.region"() ({
      %run_scoped3A = tpu.sem_alloc : memref<!tpu.dma_semaphore, #tpu.memory_space<semaphore_mem>>
      %dma_start3A_373 = arith.constant 0 : i32
      %dma_start3A_374 = arith.constant 0 : i32
      %dma_start3A_375 = tpu.memref_slice %arg22[%dma_start3A_373, %dma_start3A_374] : memref<128x128xf32, #tpu.memory_space<vmem_shared>> -> memref<128x128xf32, #tpu.memory_space<vmem_shared>>
      tpu.enqueue_indirect_dma source(%arg20 : memref<80x128xf32, #tpu.memory_space<vmem>>) target(%dma_start3A_375 : memref<128x128xf32, #tpu.memory_space<vmem_shared>>) offsets(%arg13 : memref<80xi32, #tpu.memory_space<vmem>>) semaphore(%run_scoped3A : memref<!tpu.dma_semaphore, #tpu.memory_space<semaphore_mem>>) {add = true}
      %dma_wait3A_376 = arith.constant 0 : i32
      %dma_wait3A_377 = arith.constant 0 : i32
      %dma_wait3A_378 = tpu.memref_slice %arg22[%dma_wait3A_376, %dma_wait3A_377] : memref<128x128xf32, #tpu.memory_space<vmem_shared>> -> memref<128x128xf32, #tpu.memory_space<vmem_shared>>
      tpu.wait_indirect_dma semaphore(%run_scoped3A : memref<!tpu.dma_semaphore, #tpu.memory_space<semaphore_mem>>) src(%arg20 : memref<80x128xf32, #tpu.memory_space<vmem>>) dst(%dma_wait3A_378 : memref<128x128xf32, #tpu.memory_space<vmem_shared>>)
      tpu.yield
    }) : () -> ()
    "tpu.region"() ({
      %run_scoped3A = tpu.sem_alloc : memref<!tpu.dma_semaphore, #tpu.memory_space<semaphore_mem>>
      %dma_start3A_373 = arith.constant 320 : i32
      %dma_start3A_374 = arith.constant 0 : i32
      %dma_start3A_375 = tpu.memref_slice %arg8[%dma_start3A_373, %dma_start3A_374] : memref<400x128xf32, #tpu.memory_space<vmem>> -> memref<80x128xf32, #tpu.memory_space<vmem>>
      %dma_start3A_376 = arith.constant 0 : i32
      %dma_start3A_377 = arith.constant 0 : i32
      %dma_start3A_378 = tpu.memref_slice %arg21[%dma_start3A_376, %dma_start3A_377] : memref<128x128xf32, #tpu.memory_space<vmem_shared>> -> memref<128x128xf32, #tpu.memory_space<vmem_shared>>
      tpu.enqueue_indirect_dma source(%dma_start3A_375 : memref<80x128xf32, #tpu.memory_space<vmem>>) target(%dma_start3A_378 : memref<128x128xf32, #tpu.memory_space<vmem_shared>>) offsets(%arg14 : memref<80xi32, #tpu.memory_space<vmem>>) semaphore(%run_scoped3A : memref<!tpu.dma_semaphore, #tpu.memory_space<semaphore_mem>>) {add = true}
      %dma_wait3A_379 = arith.constant 320 : i32
      %dma_wait3A_380 = arith.constant 0 : i32
      %dma_wait3A_381 = tpu.memref_slice %arg8[%dma_wait3A_379, %dma_wait3A_380] : memref<400x128xf32, #tpu.memory_space<vmem>> -> memref<80x128xf32, #tpu.memory_space<vmem>>
      %dma_wait3A_382 = arith.constant 0 : i32
      %dma_wait3A_383 = arith.constant 0 : i32
      %dma_wait3A_384 = tpu.memref_slice %arg21[%dma_wait3A_382, %dma_wait3A_383] : memref<128x128xf32, #tpu.memory_space<vmem_shared>> -> memref<128x128xf32, #tpu.memory_space<vmem_shared>>
      tpu.wait_indirect_dma semaphore(%run_scoped3A : memref<!tpu.dma_semaphore, #tpu.memory_space<semaphore_mem>>) src(%dma_wait3A_381 : memref<80x128xf32, #tpu.memory_space<vmem>>) dst(%dma_wait3A_384 : memref<128x128xf32, #tpu.memory_space<vmem_shared>>)
      tpu.yield
    }) : () -> ()
    "tpu.region"() ({
      %run_scoped3A = tpu.sem_alloc : memref<!tpu.dma_semaphore, #tpu.memory_space<semaphore_mem>>
      %dma_start3A_373 = arith.constant 0 : i32
      %dma_start3A_374 = arith.constant 0 : i32
      %dma_start3A_375 = tpu.memref_slice %arg22[%dma_start3A_373, %dma_start3A_374] : memref<128x128xf32, #tpu.memory_space<vmem_shared>> -> memref<128x128xf32, #tpu.memory_space<vmem_shared>>
      tpu.enqueue_indirect_dma source(%arg20 : memref<80x128xf32, #tpu.memory_space<vmem>>) target(%dma_start3A_375 : memref<128x128xf32, #tpu.memory_space<vmem_shared>>) offsets(%arg14 : memref<80xi32, #tpu.memory_space<vmem>>) semaphore(%run_scoped3A : memref<!tpu.dma_semaphore, #tpu.memory_space<semaphore_mem>>) {add = true}
      %dma_wait3A_376 = arith.constant 0 : i32
      %dma_wait3A_377 = arith.constant 0 : i32
      %dma_wait3A_378 = tpu.memref_slice %arg22[%dma_wait3A_376, %dma_wait3A_377] : memref<128x128xf32, #tpu.memory_space<vmem_shared>> -> memref<128x128xf32, #tpu.memory_space<vmem_shared>>
      tpu.wait_indirect_dma semaphore(%run_scoped3A : memref<!tpu.dma_semaphore, #tpu.memory_space<semaphore_mem>>) src(%arg20 : memref<80x128xf32, #tpu.memory_space<vmem>>) dst(%dma_wait3A_378 : memref<128x128xf32, #tpu.memory_space<vmem_shared>>)
      tpu.yield
    }) : () -> ()
    %add3A_193 = arith.constant 128 : i32
    %add3A_194 = arith.addi %add3A_193, %add3A : i32
    %mul3A_195 = arith.constant 400 : i32
    %mul3A_196 = arith.muli %add3A_194, %mul3A_195 : i32
    %mul3A_197 = arith.constant 400 : i32
    %mul3A_198 = arith.muli %add3A_194, %mul3A_197 : i32
    %add3A_199 = arith.constant 0 : i32
    %add3A_200 = arith.addi %mul3A_198, %add3A_199 : i32
    %mul3A_201 = arith.constant 400 : i32
    %mul3A_202 = arith.muli %add3A_194, %mul3A_201 : i32
    %add3A_203 = arith.constant 80 : i32
    %add3A_204 = arith.addi %mul3A_202, %add3A_203 : i32
    %mul3A_205 = arith.constant 400 : i32
    %mul3A_206 = arith.muli %add3A_194, %mul3A_205 : i32
    %add3A_207 = arith.constant 160 : i32
    %add3A_208 = arith.addi %mul3A_206, %add3A_207 : i32
    %mul3A_209 = arith.constant 400 : i32
    %mul3A_210 = arith.muli %add3A_194, %mul3A_209 : i32
    %add3A_211 = arith.constant 240 : i32
    %add3A_212 = arith.addi %mul3A_210, %add3A_211 : i32
    %mul3A_213 = arith.constant 400 : i32
    %mul3A_214 = arith.muli %add3A_194, %mul3A_213 : i32
    %add3A_215 = arith.constant 320 : i32
    %add3A_216 = arith.addi %mul3A_214, %add3A_215 : i32
    %dma_start3A_217 = arith.constant 0 : i32
    %dma_start3A_218 = tpu.memref_slice %arg2[%mul3A_196, %dma_start3A_217] : memref<100000x128xf32, #tpu.memory_space<hbm>> -> memref<400x128xf32, #tpu.memory_space<hbm>>
    %dma_start3A_219 = arith.constant 0 : i32
    %dma_start3A_220 = tpu.memref_slice %arg2[%mul3A_196, %dma_start3A_219] : memref<100000x128xf32, #tpu.memory_space<hbm>> -> memref<400x128xf32, #tpu.memory_space<hbm>>
    tpu.enqueue_dma source(%dma_start3A_220 : memref<400x128xf32, #tpu.memory_space<hbm>>) target(%arg8 : memref<400x128xf32, #tpu.memory_space<vmem>>) target_semaphore(%arg23 : memref<!tpu.dma_semaphore, #tpu.memory_space<semaphore_mem>>)
    %dma_start3A_221 = tpu.memref_slice %arg3[%add3A_200] : memref<100000xi32, #tpu.memory_space<hbm>> -> memref<80xi32, #tpu.memory_space<hbm>>
    %dma_start3A_222 = tpu.memref_slice %arg3[%add3A_200] : memref<100000xi32, #tpu.memory_space<hbm>> -> memref<80xi32, #tpu.memory_space<hbm>>
    tpu.enqueue_dma source(%dma_start3A_222 : memref<80xi32, #tpu.memory_space<hbm>>) target(%arg10 : memref<80xi32, #tpu.memory_space<vmem>>) target_semaphore(%arg23 : memref<!tpu.dma_semaphore, #tpu.memory_space<semaphore_mem>>)
    %dma_start3A_223 = tpu.memref_slice %arg3[%add3A_204] : memref<100000xi32, #tpu.memory_space<hbm>> -> memref<80xi32, #tpu.memory_space<hbm>>
    %dma_start3A_224 = tpu.memref_slice %arg3[%add3A_204] : memref<100000xi32, #tpu.memory_space<hbm>> -> memref<80xi32, #tpu.memory_space<hbm>>
    tpu.enqueue_dma source(%dma_start3A_224 : memref<80xi32, #tpu.memory_space<hbm>>) target(%arg11 : memref<80xi32, #tpu.memory_space<vmem>>) target_semaphore(%arg23 : memref<!tpu.dma_semaphore, #tpu.memory_space<semaphore_mem>>)
    %dma_start3A_225 = tpu.memref_slice %arg3[%add3A_208] : memref<100000xi32, #tpu.memory_space<hbm>> -> memref<80xi32, #tpu.memory_space<hbm>>
    %dma_start3A_226 = tpu.memref_slice %arg3[%add3A_208] : memref<100000xi32, #tpu.memory_space<hbm>> -> memref<80xi32, #tpu.memory_space<hbm>>
    tpu.enqueue_dma source(%dma_start3A_226 : memref<80xi32, #tpu.memory_space<hbm>>) target(%arg12 : memref<80xi32, #tpu.memory_space<vmem>>) target_semaphore(%arg23 : memref<!tpu.dma_semaphore, #tpu.memory_space<semaphore_mem>>)
    %dma_start3A_227 = tpu.memref_slice %arg3[%add3A_212] : memref<100000xi32, #tpu.memory_space<hbm>> -> memref<80xi32, #tpu.memory_space<hbm>>
    %dma_start3A_228 = tpu.memref_slice %arg3[%add3A_212] : memref<100000xi32, #tpu.memory_space<hbm>> -> memref<80xi32, #tpu.memory_space<hbm>>
    tpu.enqueue_dma source(%dma_start3A_228 : memref<80xi32, #tpu.memory_space<hbm>>) target(%arg13 : memref<80xi32, #tpu.memory_space<vmem>>) target_semaphore(%arg23 : memref<!tpu.dma_semaphore, #tpu.memory_space<semaphore_mem>>)
    %dma_start3A_229 = tpu.memref_slice %arg3[%add3A_216] : memref<100000xi32, #tpu.memory_space<hbm>> -> memref<80xi32, #tpu.memory_space<hbm>>
    %dma_start3A_230 = tpu.memref_slice %arg3[%add3A_216] : memref<100000xi32, #tpu.memory_space<hbm>> -> memref<80xi32, #tpu.memory_space<hbm>>
    tpu.enqueue_dma source(%dma_start3A_230 : memref<80xi32, #tpu.memory_space<hbm>>) target(%arg14 : memref<80xi32, #tpu.memory_space<vmem>>) target_semaphore(%arg23 : memref<!tpu.dma_semaphore, #tpu.memory_space<semaphore_mem>>)
    %dma_wait3A_231 = arith.constant 0 : i32
    %dma_wait3A_232 = tpu.memref_slice %arg2[%mul3A_144, %dma_wait3A_231] : memref<100000x128xf32, #tpu.memory_space<hbm>> -> memref<400x128xf32, #tpu.memory_space<hbm>>
    %dma_wait3A_233 = arith.constant 0 : i32
    %dma_wait3A_234 = tpu.memref_slice %arg2[%mul3A_144, %dma_wait3A_233] : memref<100000x128xf32, #tpu.memory_space<hbm>> -> memref<400x128xf32, #tpu.memory_space<hbm>>
    tpu.wait_dma2 semaphore(%arg24 : memref<!tpu.dma_semaphore, #tpu.memory_space<semaphore_mem>>) src(%dma_wait3A_234 : memref<400x128xf32, #tpu.memory_space<hbm>>) dst(%arg9 : memref<400x128xf32, #tpu.memory_space<vmem>>)
    %dma_wait3A_235 = tpu.memref_slice %arg3[%add3A_148] : memref<100000xi32, #tpu.memory_space<hbm>> -> memref<80xi32, #tpu.memory_space<hbm>>
    %dma_wait3A_236 = tpu.memref_slice %arg3[%add3A_148] : memref<100000xi32, #tpu.memory_space<hbm>> -> memref<80xi32, #tpu.memory_space<hbm>>
    tpu.wait_dma2 semaphore(%arg24 : memref<!tpu.dma_semaphore, #tpu.memory_space<semaphore_mem>>) src(%dma_wait3A_236 : memref<80xi32, #tpu.memory_space<hbm>>) dst(%arg15 : memref<80xi32, #tpu.memory_space<vmem>>)
    %dma_wait3A_237 = tpu.memref_slice %arg3[%add3A_152] : memref<100000xi32, #tpu.memory_space<hbm>> -> memref<80xi32, #tpu.memory_space<hbm>>
    %dma_wait3A_238 = tpu.memref_slice %arg3[%add3A_152] : memref<100000xi32, #tpu.memory_space<hbm>> -> memref<80xi32, #tpu.memory_space<hbm>>
    tpu.wait_dma2 semaphore(%arg24 : memref<!tpu.dma_semaphore, #tpu.memory_space<semaphore_mem>>) src(%dma_wait3A_238 : memref<80xi32, #tpu.memory_space<hbm>>) dst(%arg16 : memref<80xi32, #tpu.memory_space<vmem>>)
    %dma_wait3A_239 = tpu.memref_slice %arg3[%add3A_156] : memref<100000xi32, #tpu.memory_space<hbm>> -> memref<80xi32, #tpu.memory_space<hbm>>
    %dma_wait3A_240 = tpu.memref_slice %arg3[%add3A_156] : memref<100000xi32, #tpu.memory_space<hbm>> -> memref<80xi32, #tpu.memory_space<hbm>>
    tpu.wait_dma2 semaphore(%arg24 : memref<!tpu.dma_semaphore, #tpu.memory_space<semaphore_mem>>) src(%dma_wait3A_240 : memref<80xi32, #tpu.memory_space<hbm>>) dst(%arg17 : memref<80xi32, #tpu.memory_space<vmem>>)
    %dma_wait3A_241 = tpu.memref_slice %arg3[%add3A_160] : memref<100000xi32, #tpu.memory_space<hbm>> -> memref<80xi32, #tpu.memory_space<hbm>>
    %dma_wait3A_242 = tpu.memref_slice %arg3[%add3A_160] : memref<100000xi32, #tpu.memory_space<hbm>> -> memref<80xi32, #tpu.memory_space<hbm>>
    tpu.wait_dma2 semaphore(%arg24 : memref<!tpu.dma_semaphore, #tpu.memory_space<semaphore_mem>>) src(%dma_wait3A_242 : memref<80xi32, #tpu.memory_space<hbm>>) dst(%arg18 : memref<80xi32, #tpu.memory_space<vmem>>)
    %dma_wait3A_243 = tpu.memref_slice %arg3[%add3A_164] : memref<100000xi32, #tpu.memory_space<hbm>> -> memref<80xi32, #tpu.memory_space<hbm>>
    %dma_wait3A_244 = tpu.memref_slice %arg3[%add3A_164] : memref<100000xi32, #tpu.memory_space<hbm>> -> memref<80xi32, #tpu.memory_space<hbm>>
    tpu.wait_dma2 semaphore(%arg24 : memref<!tpu.dma_semaphore, #tpu.memory_space<semaphore_mem>>) src(%dma_wait3A_244 : memref<80xi32, #tpu.memory_space<hbm>>) dst(%arg19 : memref<80xi32, #tpu.memory_space<vmem>>)
    "tpu.region"() ({
      %run_scoped3A = tpu.sem_alloc : memref<!tpu.dma_semaphore, #tpu.memory_space<semaphore_mem>>
      %dma_start3A_373 = arith.constant 0 : i32
      %dma_start3A_374 = arith.constant 0 : i32
      %dma_start3A_375 = tpu.memref_slice %arg9[%dma_start3A_373, %dma_start3A_374] : memref<400x128xf32, #tpu.memory_space<vmem>> -> memref<80x128xf32, #tpu.memory_space<vmem>>
      %dma_start3A_376 = arith.constant 0 : i32
      %dma_start3A_377 = arith.constant 0 : i32
      %dma_start3A_378 = tpu.memref_slice %arg21[%dma_start3A_376, %dma_start3A_377] : memref<128x128xf32, #tpu.memory_space<vmem_shared>> -> memref<128x128xf32, #tpu.memory_space<vmem_shared>>
      tpu.enqueue_indirect_dma source(%dma_start3A_375 : memref<80x128xf32, #tpu.memory_space<vmem>>) target(%dma_start3A_378 : memref<128x128xf32, #tpu.memory_space<vmem_shared>>) offsets(%arg15 : memref<80xi32, #tpu.memory_space<vmem>>) semaphore(%run_scoped3A : memref<!tpu.dma_semaphore, #tpu.memory_space<semaphore_mem>>) {add = true}
      %dma_wait3A_379 = arith.constant 0 : i32
      %dma_wait3A_380 = arith.constant 0 : i32
      %dma_wait3A_381 = tpu.memref_slice %arg9[%dma_wait3A_379, %dma_wait3A_380] : memref<400x128xf32, #tpu.memory_space<vmem>> -> memref<80x128xf32, #tpu.memory_space<vmem>>
      %dma_wait3A_382 = arith.constant 0 : i32
      %dma_wait3A_383 = arith.constant 0 : i32
      %dma_wait3A_384 = tpu.memref_slice %arg21[%dma_wait3A_382, %dma_wait3A_383] : memref<128x128xf32, #tpu.memory_space<vmem_shared>> -> memref<128x128xf32, #tpu.memory_space<vmem_shared>>
      tpu.wait_indirect_dma semaphore(%run_scoped3A : memref<!tpu.dma_semaphore, #tpu.memory_space<semaphore_mem>>) src(%dma_wait3A_381 : memref<80x128xf32, #tpu.memory_space<vmem>>) dst(%dma_wait3A_384 : memref<128x128xf32, #tpu.memory_space<vmem_shared>>)
      tpu.yield
    }) : () -> ()
    "tpu.region"() ({
      %run_scoped3A = tpu.sem_alloc : memref<!tpu.dma_semaphore, #tpu.memory_space<semaphore_mem>>
      %dma_start3A_373 = arith.constant 0 : i32
      %dma_start3A_374 = arith.constant 0 : i32
      %dma_start3A_375 = tpu.memref_slice %arg22[%dma_start3A_373, %dma_start3A_374] : memref<128x128xf32, #tpu.memory_space<vmem_shared>> -> memref<128x128xf32, #tpu.memory_space<vmem_shared>>
      tpu.enqueue_indirect_dma source(%arg20 : memref<80x128xf32, #tpu.memory_space<vmem>>) target(%dma_start3A_375 : memref<128x128xf32, #tpu.memory_space<vmem_shared>>) offsets(%arg15 : memref<80xi32, #tpu.memory_space<vmem>>) semaphore(%run_scoped3A : memref<!tpu.dma_semaphore, #tpu.memory_space<semaphore_mem>>) {add = true}
      %dma_wait3A_376 = arith.constant 0 : i32
      %dma_wait3A_377 = arith.constant 0 : i32
      %dma_wait3A_378 = tpu.memref_slice %arg22[%dma_wait3A_376, %dma_wait3A_377] : memref<128x128xf32, #tpu.memory_space<vmem_shared>> -> memref<128x128xf32, #tpu.memory_space<vmem_shared>>
      tpu.wait_indirect_dma semaphore(%run_scoped3A : memref<!tpu.dma_semaphore, #tpu.memory_space<semaphore_mem>>) src(%arg20 : memref<80x128xf32, #tpu.memory_space<vmem>>) dst(%dma_wait3A_378 : memref<128x128xf32, #tpu.memory_space<vmem_shared>>)
      tpu.yield
    }) : () -> ()
    "tpu.region"() ({
      %run_scoped3A = tpu.sem_alloc : memref<!tpu.dma_semaphore, #tpu.memory_space<semaphore_mem>>
      %dma_start3A_373 = arith.constant 80 : i32
      %dma_start3A_374 = arith.constant 0 : i32
      %dma_start3A_375 = tpu.memref_slice %arg9[%dma_start3A_373, %dma_start3A_374] : memref<400x128xf32, #tpu.memory_space<vmem>> -> memref<80x128xf32, #tpu.memory_space<vmem>>
      %dma_start3A_376 = arith.constant 0 : i32
      %dma_start3A_377 = arith.constant 0 : i32
      %dma_start3A_378 = tpu.memref_slice %arg21[%dma_start3A_376, %dma_start3A_377] : memref<128x128xf32, #tpu.memory_space<vmem_shared>> -> memref<128x128xf32, #tpu.memory_space<vmem_shared>>
      tpu.enqueue_indirect_dma source(%dma_start3A_375 : memref<80x128xf32, #tpu.memory_space<vmem>>) target(%dma_start3A_378 : memref<128x128xf32, #tpu.memory_space<vmem_shared>>) offsets(%arg16 : memref<80xi32, #tpu.memory_space<vmem>>) semaphore(%run_scoped3A : memref<!tpu.dma_semaphore, #tpu.memory_space<semaphore_mem>>) {add = true}
      %dma_wait3A_379 = arith.constant 80 : i32
      %dma_wait3A_380 = arith.constant 0 : i32
      %dma_wait3A_381 = tpu.memref_slice %arg9[%dma_wait3A_379, %dma_wait3A_380] : memref<400x128xf32, #tpu.memory_space<vmem>> -> memref<80x128xf32, #tpu.memory_space<vmem>>
      %dma_wait3A_382 = arith.constant 0 : i32
      %dma_wait3A_383 = arith.constant 0 : i32
      %dma_wait3A_384 = tpu.memref_slice %arg21[%dma_wait3A_382, %dma_wait3A_383] : memref<128x128xf32, #tpu.memory_space<vmem_shared>> -> memref<128x128xf32, #tpu.memory_space<vmem_shared>>
      tpu.wait_indirect_dma semaphore(%run_scoped3A : memref<!tpu.dma_semaphore, #tpu.memory_space<semaphore_mem>>) src(%dma_wait3A_381 : memref<80x128xf32, #tpu.memory_space<vmem>>) dst(%dma_wait3A_384 : memref<128x128xf32, #tpu.memory_space<vmem_shared>>)
      tpu.yield
    }) : () -> ()
    "tpu.region"() ({
      %run_scoped3A = tpu.sem_alloc : memref<!tpu.dma_semaphore, #tpu.memory_space<semaphore_mem>>
      %dma_start3A_373 = arith.constant 0 : i32
      %dma_start3A_374 = arith.constant 0 : i32
      %dma_start3A_375 = tpu.memref_slice %arg22[%dma_start3A_373, %dma_start3A_374] : memref<128x128xf32, #tpu.memory_space<vmem_shared>> -> memref<128x128xf32, #tpu.memory_space<vmem_shared>>
      tpu.enqueue_indirect_dma source(%arg20 : memref<80x128xf32, #tpu.memory_space<vmem>>) target(%dma_start3A_375 : memref<128x128xf32, #tpu.memory_space<vmem_shared>>) offsets(%arg16 : memref<80xi32, #tpu.memory_space<vmem>>) semaphore(%run_scoped3A : memref<!tpu.dma_semaphore, #tpu.memory_space<semaphore_mem>>) {add = true}
      %dma_wait3A_376 = arith.constant 0 : i32
      %dma_wait3A_377 = arith.constant 0 : i32
      %dma_wait3A_378 = tpu.memref_slice %arg22[%dma_wait3A_376, %dma_wait3A_377] : memref<128x128xf32, #tpu.memory_space<vmem_shared>> -> memref<128x128xf32, #tpu.memory_space<vmem_shared>>
      tpu.wait_indirect_dma semaphore(%run_scoped3A : memref<!tpu.dma_semaphore, #tpu.memory_space<semaphore_mem>>) src(%arg20 : memref<80x128xf32, #tpu.memory_space<vmem>>) dst(%dma_wait3A_378 : memref<128x128xf32, #tpu.memory_space<vmem_shared>>)
      tpu.yield
    }) : () -> ()
    "tpu.region"() ({
      %run_scoped3A = tpu.sem_alloc : memref<!tpu.dma_semaphore, #tpu.memory_space<semaphore_mem>>
      %dma_start3A_373 = arith.constant 160 : i32
      %dma_start3A_374 = arith.constant 0 : i32
      %dma_start3A_375 = tpu.memref_slice %arg9[%dma_start3A_373, %dma_start3A_374] : memref<400x128xf32, #tpu.memory_space<vmem>> -> memref<80x128xf32, #tpu.memory_space<vmem>>
      %dma_start3A_376 = arith.constant 0 : i32
      %dma_start3A_377 = arith.constant 0 : i32
      %dma_start3A_378 = tpu.memref_slice %arg21[%dma_start3A_376, %dma_start3A_377] : memref<128x128xf32, #tpu.memory_space<vmem_shared>> -> memref<128x128xf32, #tpu.memory_space<vmem_shared>>
      tpu.enqueue_indirect_dma source(%dma_start3A_375 : memref<80x128xf32, #tpu.memory_space<vmem>>) target(%dma_start3A_378 : memref<128x128xf32, #tpu.memory_space<vmem_shared>>) offsets(%arg17 : memref<80xi32, #tpu.memory_space<vmem>>) semaphore(%run_scoped3A : memref<!tpu.dma_semaphore, #tpu.memory_space<semaphore_mem>>) {add = true}
      %dma_wait3A_379 = arith.constant 160 : i32
      %dma_wait3A_380 = arith.constant 0 : i32
      %dma_wait3A_381 = tpu.memref_slice %arg9[%dma_wait3A_379, %dma_wait3A_380] : memref<400x128xf32, #tpu.memory_space<vmem>> -> memref<80x128xf32, #tpu.memory_space<vmem>>
      %dma_wait3A_382 = arith.constant 0 : i32
      %dma_wait3A_383 = arith.constant 0 : i32
      %dma_wait3A_384 = tpu.memref_slice %arg21[%dma_wait3A_382, %dma_wait3A_383] : memref<128x128xf32, #tpu.memory_space<vmem_shared>> -> memref<128x128xf32, #tpu.memory_space<vmem_shared>>
      tpu.wait_indirect_dma semaphore(%run_scoped3A : memref<!tpu.dma_semaphore, #tpu.memory_space<semaphore_mem>>) src(%dma_wait3A_381 : memref<80x128xf32, #tpu.memory_space<vmem>>) dst(%dma_wait3A_384 : memref<128x128xf32, #tpu.memory_space<vmem_shared>>)
      tpu.yield
    }) : () -> ()
    "tpu.region"() ({
      %run_scoped3A = tpu.sem_alloc : memref<!tpu.dma_semaphore, #tpu.memory_space<semaphore_mem>>
      %dma_start3A_373 = arith.constant 0 : i32
      %dma_start3A_374 = arith.constant 0 : i32
      %dma_start3A_375 = tpu.memref_slice %arg22[%dma_start3A_373, %dma_start3A_374] : memref<128x128xf32, #tpu.memory_space<vmem_shared>> -> memref<128x128xf32, #tpu.memory_space<vmem_shared>>
      tpu.enqueue_indirect_dma source(%arg20 : memref<80x128xf32, #tpu.memory_space<vmem>>) target(%dma_start3A_375 : memref<128x128xf32, #tpu.memory_space<vmem_shared>>) offsets(%arg17 : memref<80xi32, #tpu.memory_space<vmem>>) semaphore(%run_scoped3A : memref<!tpu.dma_semaphore, #tpu.memory_space<semaphore_mem>>) {add = true}
      %dma_wait3A_376 = arith.constant 0 : i32
      %dma_wait3A_377 = arith.constant 0 : i32
      %dma_wait3A_378 = tpu.memref_slice %arg22[%dma_wait3A_376, %dma_wait3A_377] : memref<128x128xf32, #tpu.memory_space<vmem_shared>> -> memref<128x128xf32, #tpu.memory_space<vmem_shared>>
      tpu.wait_indirect_dma semaphore(%run_scoped3A : memref<!tpu.dma_semaphore, #tpu.memory_space<semaphore_mem>>) src(%arg20 : memref<80x128xf32, #tpu.memory_space<vmem>>) dst(%dma_wait3A_378 : memref<128x128xf32, #tpu.memory_space<vmem_shared>>)
      tpu.yield
    }) : () -> ()
    "tpu.region"() ({
      %run_scoped3A = tpu.sem_alloc : memref<!tpu.dma_semaphore, #tpu.memory_space<semaphore_mem>>
      %dma_start3A_373 = arith.constant 240 : i32
      %dma_start3A_374 = arith.constant 0 : i32
      %dma_start3A_375 = tpu.memref_slice %arg9[%dma_start3A_373, %dma_start3A_374] : memref<400x128xf32, #tpu.memory_space<vmem>> -> memref<80x128xf32, #tpu.memory_space<vmem>>
      %dma_start3A_376 = arith.constant 0 : i32
      %dma_start3A_377 = arith.constant 0 : i32
      %dma_start3A_378 = tpu.memref_slice %arg21[%dma_start3A_376, %dma_start3A_377] : memref<128x128xf32, #tpu.memory_space<vmem_shared>> -> memref<128x128xf32, #tpu.memory_space<vmem_shared>>
      tpu.enqueue_indirect_dma source(%dma_start3A_375 : memref<80x128xf32, #tpu.memory_space<vmem>>) target(%dma_start3A_378 : memref<128x128xf32, #tpu.memory_space<vmem_shared>>) offsets(%arg18 : memref<80xi32, #tpu.memory_space<vmem>>) semaphore(%run_scoped3A : memref<!tpu.dma_semaphore, #tpu.memory_space<semaphore_mem>>) {add = true}
      %dma_wait3A_379 = arith.constant 240 : i32
      %dma_wait3A_380 = arith.constant 0 : i32
      %dma_wait3A_381 = tpu.memref_slice %arg9[%dma_wait3A_379, %dma_wait3A_380] : memref<400x128xf32, #tpu.memory_space<vmem>> -> memref<80x128xf32, #tpu.memory_space<vmem>>
      %dma_wait3A_382 = arith.constant 0 : i32
      %dma_wait3A_383 = arith.constant 0 : i32
      %dma_wait3A_384 = tpu.memref_slice %arg21[%dma_wait3A_382, %dma_wait3A_383] : memref<128x128xf32, #tpu.memory_space<vmem_shared>> -> memref<128x128xf32, #tpu.memory_space<vmem_shared>>
      tpu.wait_indirect_dma semaphore(%run_scoped3A : memref<!tpu.dma_semaphore, #tpu.memory_space<semaphore_mem>>) src(%dma_wait3A_381 : memref<80x128xf32, #tpu.memory_space<vmem>>) dst(%dma_wait3A_384 : memref<128x128xf32, #tpu.memory_space<vmem_shared>>)
      tpu.yield
    }) : () -> ()
    "tpu.region"() ({
      %run_scoped3A = tpu.sem_alloc : memref<!tpu.dma_semaphore, #tpu.memory_space<semaphore_mem>>
      %dma_start3A_373 = arith.constant 0 : i32
      %dma_start3A_374 = arith.constant 0 : i32
      %dma_start3A_375 = tpu.memref_slice %arg22[%dma_start3A_373, %dma_start3A_374] : memref<128x128xf32, #tpu.memory_space<vmem_shared>> -> memref<128x128xf32, #tpu.memory_space<vmem_shared>>
      tpu.enqueue_indirect_dma source(%arg20 : memref<80x128xf32, #tpu.memory_space<vmem>>) target(%dma_start3A_375 : memref<128x128xf32, #tpu.memory_space<vmem_shared>>) offsets(%arg18 : memref<80xi32, #tpu.memory_space<vmem>>) semaphore(%run_scoped3A : memref<!tpu.dma_semaphore, #tpu.memory_space<semaphore_mem>>) {add = true}
      %dma_wait3A_376 = arith.constant 0 : i32
      %dma_wait3A_377 = arith.constant 0 : i32
      %dma_wait3A_378 = tpu.memref_slice %arg22[%dma_wait3A_376, %dma_wait3A_377] : memref<128x128xf32, #tpu.memory_space<vmem_shared>> -> memref<128x128xf32, #tpu.memory_space<vmem_shared>>
      tpu.wait_indirect_dma semaphore(%run_scoped3A : memref<!tpu.dma_semaphore, #tpu.memory_space<semaphore_mem>>) src(%arg20 : memref<80x128xf32, #tpu.memory_space<vmem>>) dst(%dma_wait3A_378 : memref<128x128xf32, #tpu.memory_space<vmem_shared>>)
      tpu.yield
    }) : () -> ()
    "tpu.region"() ({
      %run_scoped3A = tpu.sem_alloc : memref<!tpu.dma_semaphore, #tpu.memory_space<semaphore_mem>>
      %dma_start3A_373 = arith.constant 320 : i32
      %dma_start3A_374 = arith.constant 0 : i32
      %dma_start3A_375 = tpu.memref_slice %arg9[%dma_start3A_373, %dma_start3A_374] : memref<400x128xf32, #tpu.memory_space<vmem>> -> memref<80x128xf32, #tpu.memory_space<vmem>>
      %dma_start3A_376 = arith.constant 0 : i32
      %dma_start3A_377 = arith.constant 0 : i32
      %dma_start3A_378 = tpu.memref_slice %arg21[%dma_start3A_376, %dma_start3A_377] : memref<128x128xf32, #tpu.memory_space<vmem_shared>> -> memref<128x128xf32, #tpu.memory_space<vmem_shared>>
      tpu.enqueue_indirect_dma source(%dma_start3A_375 : memref<80x128xf32, #tpu.memory_space<vmem>>) target(%dma_start3A_378 : memref<128x128xf32, #tpu.memory_space<vmem_shared>>) offsets(%arg19 : memref<80xi32, #tpu.memory_space<vmem>>) semaphore(%run_scoped3A : memref<!tpu.dma_semaphore, #tpu.memory_space<semaphore_mem>>) {add = true}
      %dma_wait3A_379 = arith.constant 320 : i32
      %dma_wait3A_380 = arith.constant 0 : i32
      %dma_wait3A_381 = tpu.memref_slice %arg9[%dma_wait3A_379, %dma_wait3A_380] : memref<400x128xf32, #tpu.memory_space<vmem>> -> memref<80x128xf32, #tpu.memory_space<vmem>>
      %dma_wait3A_382 = arith.constant 0 : i32
      %dma_wait3A_383 = arith.constant 0 : i32
      %dma_wait3A_384 = tpu.memref_slice %arg21[%dma_wait3A_382, %dma_wait3A_383] : memref<128x128xf32, #tpu.memory_space<vmem_shared>> -> memref<128x128xf32, #tpu.memory_space<vmem_shared>>
      tpu.wait_indirect_dma semaphore(%run_scoped3A : memref<!tpu.dma_semaphore, #tpu.memory_space<semaphore_mem>>) src(%dma_wait3A_381 : memref<80x128xf32, #tpu.memory_space<vmem>>) dst(%dma_wait3A_384 : memref<128x128xf32, #tpu.memory_space<vmem_shared>>)
      tpu.yield
    }) : () -> ()
    "tpu.region"() ({
      %run_scoped3A = tpu.sem_alloc : memref<!tpu.dma_semaphore, #tpu.memory_space<semaphore_mem>>
      %dma_start3A_373 = arith.constant 0 : i32
      %dma_start3A_374 = arith.constant 0 : i32
      %dma_start3A_375 = tpu.memref_slice %arg22[%dma_start3A_373, %dma_start3A_374] : memref<128x128xf32, #tpu.memory_space<vmem_shared>> -> memref<128x128xf32, #tpu.memory_space<vmem_shared>>
      tpu.enqueue_indirect_dma source(%arg20 : memref<80x128xf32, #tpu.memory_space<vmem>>) target(%dma_start3A_375 : memref<128x128xf32, #tpu.memory_space<vmem_shared>>) offsets(%arg19 : memref<80xi32, #tpu.memory_space<vmem>>) semaphore(%run_scoped3A : memref<!tpu.dma_semaphore, #tpu.memory_space<semaphore_mem>>) {add = true}
      %dma_wait3A_376 = arith.constant 0 : i32
      %dma_wait3A_377 = arith.constant 0 : i32
      %dma_wait3A_378 = tpu.memref_slice %arg22[%dma_wait3A_376, %dma_wait3A_377] : memref<128x128xf32, #tpu.memory_space<vmem_shared>> -> memref<128x128xf32, #tpu.memory_space<vmem_shared>>
      tpu.wait_indirect_dma semaphore(%run_scoped3A : memref<!tpu.dma_semaphore, #tpu.memory_space<semaphore_mem>>) src(%arg20 : memref<80x128xf32, #tpu.memory_space<vmem>>) dst(%dma_wait3A_378 : memref<128x128xf32, #tpu.memory_space<vmem_shared>>)
      tpu.yield
    }) : () -> ()
    %add3A_245 = arith.constant 160 : i32
    %add3A_246 = arith.addi %add3A_245, %add3A : i32
    %mul3A_247 = arith.constant 400 : i32
    %mul3A_248 = arith.muli %add3A_246, %mul3A_247 : i32
    %mul3A_249 = arith.constant 400 : i32
    %mul3A_250 = arith.muli %add3A_246, %mul3A_249 : i32
    %add3A_251 = arith.constant 0 : i32
    %add3A_252 = arith.addi %mul3A_250, %add3A_251 : i32
    %mul3A_253 = arith.constant 400 : i32
    %mul3A_254 = arith.muli %add3A_246, %mul3A_253 : i32
    %add3A_255 = arith.constant 80 : i32
    %add3A_256 = arith.addi %mul3A_254, %add3A_255 : i32
    %mul3A_257 = arith.constant 400 : i32
    %mul3A_258 = arith.muli %add3A_246, %mul3A_257 : i32
    %add3A_259 = arith.constant 160 : i32
    %add3A_260 = arith.addi %mul3A_258, %add3A_259 : i32
    %mul3A_261 = arith.constant 400 : i32
    %mul3A_262 = arith.muli %add3A_246, %mul3A_261 : i32
    %add3A_263 = arith.constant 240 : i32
    %add3A_264 = arith.addi %mul3A_262, %add3A_263 : i32
    %mul3A_265 = arith.constant 400 : i32
    %mul3A_266 = arith.muli %add3A_246, %mul3A_265 : i32
    %add3A_267 = arith.constant 320 : i32
    %add3A_268 = arith.addi %mul3A_266, %add3A_267 : i32
    %dma_start3A_269 = arith.constant 0 : i32
    %dma_start3A_270 = tpu.memref_slice %arg2[%mul3A_248, %dma_start3A_269] : memref<100000x128xf32, #tpu.memory_space<hbm>> -> memref<400x128xf32, #tpu.memory_space<hbm>>
    %dma_start3A_271 = arith.constant 0 : i32
    %dma_start3A_272 = tpu.memref_slice %arg2[%mul3A_248, %dma_start3A_271] : memref<100000x128xf32, #tpu.memory_space<hbm>> -> memref<400x128xf32, #tpu.memory_space<hbm>>
    tpu.enqueue_dma source(%dma_start3A_272 : memref<400x128xf32, #tpu.memory_space<hbm>>) target(%arg9 : memref<400x128xf32, #tpu.memory_space<vmem>>) target_semaphore(%arg24 : memref<!tpu.dma_semaphore, #tpu.memory_space<semaphore_mem>>)
    %dma_start3A_273 = tpu.memref_slice %arg3[%add3A_252] : memref<100000xi32, #tpu.memory_space<hbm>> -> memref<80xi32, #tpu.memory_space<hbm>>
    %dma_start3A_274 = tpu.memref_slice %arg3[%add3A_252] : memref<100000xi32, #tpu.memory_space<hbm>> -> memref<80xi32, #tpu.memory_space<hbm>>
    tpu.enqueue_dma source(%dma_start3A_274 : memref<80xi32, #tpu.memory_space<hbm>>) target(%arg15 : memref<80xi32, #tpu.memory_space<vmem>>) target_semaphore(%arg24 : memref<!tpu.dma_semaphore, #tpu.memory_space<semaphore_mem>>)
    %dma_start3A_275 = tpu.memref_slice %arg3[%add3A_256] : memref<100000xi32, #tpu.memory_space<hbm>> -> memref<80xi32, #tpu.memory_space<hbm>>
    %dma_start3A_276 = tpu.memref_slice %arg3[%add3A_256] : memref<100000xi32, #tpu.memory_space<hbm>> -> memref<80xi32, #tpu.memory_space<hbm>>
    tpu.enqueue_dma source(%dma_start3A_276 : memref<80xi32, #tpu.memory_space<hbm>>) target(%arg16 : memref<80xi32, #tpu.memory_space<vmem>>) target_semaphore(%arg24 : memref<!tpu.dma_semaphore, #tpu.memory_space<semaphore_mem>>)
    %dma_start3A_277 = tpu.memref_slice %arg3[%add3A_260] : memref<100000xi32, #tpu.memory_space<hbm>> -> memref<80xi32, #tpu.memory_space<hbm>>
    %dma_start3A_278 = tpu.memref_slice %arg3[%add3A_260] : memref<100000xi32, #tpu.memory_space<hbm>> -> memref<80xi32, #tpu.memory_space<hbm>>
    tpu.enqueue_dma source(%dma_start3A_278 : memref<80xi32, #tpu.memory_space<hbm>>) target(%arg17 : memref<80xi32, #tpu.memory_space<vmem>>) target_semaphore(%arg24 : memref<!tpu.dma_semaphore, #tpu.memory_space<semaphore_mem>>)
    %dma_start3A_279 = tpu.memref_slice %arg3[%add3A_264] : memref<100000xi32, #tpu.memory_space<hbm>> -> memref<80xi32, #tpu.memory_space<hbm>>
    %dma_start3A_280 = tpu.memref_slice %arg3[%add3A_264] : memref<100000xi32, #tpu.memory_space<hbm>> -> memref<80xi32, #tpu.memory_space<hbm>>
    tpu.enqueue_dma source(%dma_start3A_280 : memref<80xi32, #tpu.memory_space<hbm>>) target(%arg18 : memref<80xi32, #tpu.memory_space<vmem>>) target_semaphore(%arg24 : memref<!tpu.dma_semaphore, #tpu.memory_space<semaphore_mem>>)
    %dma_start3A_281 = tpu.memref_slice %arg3[%add3A_268] : memref<100000xi32, #tpu.memory_space<hbm>> -> memref<80xi32, #tpu.memory_space<hbm>>
    %dma_start3A_282 = tpu.memref_slice %arg3[%add3A_268] : memref<100000xi32, #tpu.memory_space<hbm>> -> memref<80xi32, #tpu.memory_space<hbm>>
    tpu.enqueue_dma source(%dma_start3A_282 : memref<80xi32, #tpu.memory_space<hbm>>) target(%arg19 : memref<80xi32, #tpu.memory_space<vmem>>) target_semaphore(%arg24 : memref<!tpu.dma_semaphore, #tpu.memory_space<semaphore_mem>>)
    %dma_wait3A_283 = arith.constant 0 : i32
    %dma_wait3A_284 = tpu.memref_slice %arg2[%mul3A_196, %dma_wait3A_283] : memref<100000x128xf32, #tpu.memory_space<hbm>> -> memref<400x128xf32, #tpu.memory_space<hbm>>
    %dma_wait3A_285 = arith.constant 0 : i32
    %dma_wait3A_286 = tpu.memref_slice %arg2[%mul3A_196, %dma_wait3A_285] : memref<100000x128xf32, #tpu.memory_space<hbm>> -> memref<400x128xf32, #tpu.memory_space<hbm>>
    tpu.wait_dma2 semaphore(%arg23 : memref<!tpu.dma_semaphore, #tpu.memory_space<semaphore_mem>>) src(%dma_wait3A_286 : memref<400x128xf32, #tpu.memory_space<hbm>>) dst(%arg8 : memref<400x128xf32, #tpu.memory_space<vmem>>)
    %dma_wait3A_287 = tpu.memref_slice %arg3[%add3A_200] : memref<100000xi32, #tpu.memory_space<hbm>> -> memref<80xi32, #tpu.memory_space<hbm>>
    %dma_wait3A_288 = tpu.memref_slice %arg3[%add3A_200] : memref<100000xi32, #tpu.memory_space<hbm>> -> memref<80xi32, #tpu.memory_space<hbm>>
    tpu.wait_dma2 semaphore(%arg23 : memref<!tpu.dma_semaphore, #tpu.memory_space<semaphore_mem>>) src(%dma_wait3A_288 : memref<80xi32, #tpu.memory_space<hbm>>) dst(%arg10 : memref<80xi32, #tpu.memory_space<vmem>>)
    %dma_wait3A_289 = tpu.memref_slice %arg3[%add3A_204] : memref<100000xi32, #tpu.memory_space<hbm>> -> memref<80xi32, #tpu.memory_space<hbm>>
    %dma_wait3A_290 = tpu.memref_slice %arg3[%add3A_204] : memref<100000xi32, #tpu.memory_space<hbm>> -> memref<80xi32, #tpu.memory_space<hbm>>
    tpu.wait_dma2 semaphore(%arg23 : memref<!tpu.dma_semaphore, #tpu.memory_space<semaphore_mem>>) src(%dma_wait3A_290 : memref<80xi32, #tpu.memory_space<hbm>>) dst(%arg11 : memref<80xi32, #tpu.memory_space<vmem>>)
    %dma_wait3A_291 = tpu.memref_slice %arg3[%add3A_208] : memref<100000xi32, #tpu.memory_space<hbm>> -> memref<80xi32, #tpu.memory_space<hbm>>
    %dma_wait3A_292 = tpu.memref_slice %arg3[%add3A_208] : memref<100000xi32, #tpu.memory_space<hbm>> -> memref<80xi32, #tpu.memory_space<hbm>>
    tpu.wait_dma2 semaphore(%arg23 : memref<!tpu.dma_semaphore, #tpu.memory_space<semaphore_mem>>) src(%dma_wait3A_292 : memref<80xi32, #tpu.memory_space<hbm>>) dst(%arg12 : memref<80xi32, #tpu.memory_space<vmem>>)
    %dma_wait3A_293 = tpu.memref_slice %arg3[%add3A_212] : memref<100000xi32, #tpu.memory_space<hbm>> -> memref<80xi32, #tpu.memory_space<hbm>>
    %dma_wait3A_294 = tpu.memref_slice %arg3[%add3A_212] : memref<100000xi32, #tpu.memory_space<hbm>> -> memref<80xi32, #tpu.memory_space<hbm>>
    tpu.wait_dma2 semaphore(%arg23 : memref<!tpu.dma_semaphore, #tpu.memory_space<semaphore_mem>>) src(%dma_wait3A_294 : memref<80xi32, #tpu.memory_space<hbm>>) dst(%arg13 : memref<80xi32, #tpu.memory_space<vmem>>)
    %dma_wait3A_295 = tpu.memref_slice %arg3[%add3A_216] : memref<100000xi32, #tpu.memory_space<hbm>> -> memref<80xi32, #tpu.memory_space<hbm>>
    %dma_wait3A_296 = tpu.memref_slice %arg3[%add3A_216] : memref<100000xi32, #tpu.memory_space<hbm>> -> memref<80xi32, #tpu.memory_space<hbm>>
    tpu.wait_dma2 semaphore(%arg23 : memref<!tpu.dma_semaphore, #tpu.memory_space<semaphore_mem>>) src(%dma_wait3A_296 : memref<80xi32, #tpu.memory_space<hbm>>) dst(%arg14 : memref<80xi32, #tpu.memory_space<vmem>>)
    "tpu.region"() ({
      %run_scoped3A = tpu.sem_alloc : memref<!tpu.dma_semaphore, #tpu.memory_space<semaphore_mem>>
      %dma_start3A_373 = arith.constant 0 : i32
      %dma_start3A_374 = arith.constant 0 : i32
      %dma_start3A_375 = tpu.memref_slice %arg8[%dma_start3A_373, %dma_start3A_374] : memref<400x128xf32, #tpu.memory_space<vmem>> -> memref<80x128xf32, #tpu.memory_space<vmem>>
      %dma_start3A_376 = arith.constant 0 : i32
      %dma_start3A_377 = arith.constant 0 : i32
      %dma_start3A_378 = tpu.memref_slice %arg21[%dma_start3A_376, %dma_start3A_377] : memref<128x128xf32, #tpu.memory_space<vmem_shared>> -> memref<128x128xf32, #tpu.memory_space<vmem_shared>>
      tpu.enqueue_indirect_dma source(%dma_start3A_375 : memref<80x128xf32, #tpu.memory_space<vmem>>) target(%dma_start3A_378 : memref<128x128xf32, #tpu.memory_space<vmem_shared>>) offsets(%arg10 : memref<80xi32, #tpu.memory_space<vmem>>) semaphore(%run_scoped3A : memref<!tpu.dma_semaphore, #tpu.memory_space<semaphore_mem>>) {add = true}
      %dma_wait3A_379 = arith.constant 0 : i32
      %dma_wait3A_380 = arith.constant 0 : i32
      %dma_wait3A_381 = tpu.memref_slice %arg8[%dma_wait3A_379, %dma_wait3A_380] : memref<400x128xf32, #tpu.memory_space<vmem>> -> memref<80x128xf32, #tpu.memory_space<vmem>>
      %dma_wait3A_382 = arith.constant 0 : i32
      %dma_wait3A_383 = arith.constant 0 : i32
      %dma_wait3A_384 = tpu.memref_slice %arg21[%dma_wait3A_382, %dma_wait3A_383] : memref<128x128xf32, #tpu.memory_space<vmem_shared>> -> memref<128x128xf32, #tpu.memory_space<vmem_shared>>
      tpu.wait_indirect_dma semaphore(%run_scoped3A : memref<!tpu.dma_semaphore, #tpu.memory_space<semaphore_mem>>) src(%dma_wait3A_381 : memref<80x128xf32, #tpu.memory_space<vmem>>) dst(%dma_wait3A_384 : memref<128x128xf32, #tpu.memory_space<vmem_shared>>)
      tpu.yield
    }) : () -> ()
    "tpu.region"() ({
      %run_scoped3A = tpu.sem_alloc : memref<!tpu.dma_semaphore, #tpu.memory_space<semaphore_mem>>
      %dma_start3A_373 = arith.constant 0 : i32
      %dma_start3A_374 = arith.constant 0 : i32
      %dma_start3A_375 = tpu.memref_slice %arg22[%dma_start3A_373, %dma_start3A_374] : memref<128x128xf32, #tpu.memory_space<vmem_shared>> -> memref<128x128xf32, #tpu.memory_space<vmem_shared>>
      tpu.enqueue_indirect_dma source(%arg20 : memref<80x128xf32, #tpu.memory_space<vmem>>) target(%dma_start3A_375 : memref<128x128xf32, #tpu.memory_space<vmem_shared>>) offsets(%arg10 : memref<80xi32, #tpu.memory_space<vmem>>) semaphore(%run_scoped3A : memref<!tpu.dma_semaphore, #tpu.memory_space<semaphore_mem>>) {add = true}
      %dma_wait3A_376 = arith.constant 0 : i32
      %dma_wait3A_377 = arith.constant 0 : i32
      %dma_wait3A_378 = tpu.memref_slice %arg22[%dma_wait3A_376, %dma_wait3A_377] : memref<128x128xf32, #tpu.memory_space<vmem_shared>> -> memref<128x128xf32, #tpu.memory_space<vmem_shared>>
      tpu.wait_indirect_dma semaphore(%run_scoped3A : memref<!tpu.dma_semaphore, #tpu.memory_space<semaphore_mem>>) src(%arg20 : memref<80x128xf32, #tpu.memory_space<vmem>>) dst(%dma_wait3A_378 : memref<128x128xf32, #tpu.memory_space<vmem_shared>>)
      tpu.yield
    }) : () -> ()
    "tpu.region"() ({
      %run_scoped3A = tpu.sem_alloc : memref<!tpu.dma_semaphore, #tpu.memory_space<semaphore_mem>>
      %dma_start3A_373 = arith.constant 80 : i32
      %dma_start3A_374 = arith.constant 0 : i32
      %dma_start3A_375 = tpu.memref_slice %arg8[%dma_start3A_373, %dma_start3A_374] : memref<400x128xf32, #tpu.memory_space<vmem>> -> memref<80x128xf32, #tpu.memory_space<vmem>>
      %dma_start3A_376 = arith.constant 0 : i32
      %dma_start3A_377 = arith.constant 0 : i32
      %dma_start3A_378 = tpu.memref_slice %arg21[%dma_start3A_376, %dma_start3A_377] : memref<128x128xf32, #tpu.memory_space<vmem_shared>> -> memref<128x128xf32, #tpu.memory_space<vmem_shared>>
      tpu.enqueue_indirect_dma source(%dma_start3A_375 : memref<80x128xf32, #tpu.memory_space<vmem>>) target(%dma_start3A_378 : memref<128x128xf32, #tpu.memory_space<vmem_shared>>) offsets(%arg11 : memref<80xi32, #tpu.memory_space<vmem>>) semaphore(%run_scoped3A : memref<!tpu.dma_semaphore, #tpu.memory_space<semaphore_mem>>) {add = true}
      %dma_wait3A_379 = arith.constant 80 : i32
      %dma_wait3A_380 = arith.constant 0 : i32
      %dma_wait3A_381 = tpu.memref_slice %arg8[%dma_wait3A_379, %dma_wait3A_380] : memref<400x128xf32, #tpu.memory_space<vmem>> -> memref<80x128xf32, #tpu.memory_space<vmem>>
      %dma_wait3A_382 = arith.constant 0 : i32
      %dma_wait3A_383 = arith.constant 0 : i32
      %dma_wait3A_384 = tpu.memref_slice %arg21[%dma_wait3A_382, %dma_wait3A_383] : memref<128x128xf32, #tpu.memory_space<vmem_shared>> -> memref<128x128xf32, #tpu.memory_space<vmem_shared>>
      tpu.wait_indirect_dma semaphore(%run_scoped3A : memref<!tpu.dma_semaphore, #tpu.memory_space<semaphore_mem>>) src(%dma_wait3A_381 : memref<80x128xf32, #tpu.memory_space<vmem>>) dst(%dma_wait3A_384 : memref<128x128xf32, #tpu.memory_space<vmem_shared>>)
      tpu.yield
    }) : () -> ()
    "tpu.region"() ({
      %run_scoped3A = tpu.sem_alloc : memref<!tpu.dma_semaphore, #tpu.memory_space<semaphore_mem>>
      %dma_start3A_373 = arith.constant 0 : i32
      %dma_start3A_374 = arith.constant 0 : i32
      %dma_start3A_375 = tpu.memref_slice %arg22[%dma_start3A_373, %dma_start3A_374] : memref<128x128xf32, #tpu.memory_space<vmem_shared>> -> memref<128x128xf32, #tpu.memory_space<vmem_shared>>
      tpu.enqueue_indirect_dma source(%arg20 : memref<80x128xf32, #tpu.memory_space<vmem>>) target(%dma_start3A_375 : memref<128x128xf32, #tpu.memory_space<vmem_shared>>) offsets(%arg11 : memref<80xi32, #tpu.memory_space<vmem>>) semaphore(%run_scoped3A : memref<!tpu.dma_semaphore, #tpu.memory_space<semaphore_mem>>) {add = true}
      %dma_wait3A_376 = arith.constant 0 : i32
      %dma_wait3A_377 = arith.constant 0 : i32
      %dma_wait3A_378 = tpu.memref_slice %arg22[%dma_wait3A_376, %dma_wait3A_377] : memref<128x128xf32, #tpu.memory_space<vmem_shared>> -> memref<128x128xf32, #tpu.memory_space<vmem_shared>>
      tpu.wait_indirect_dma semaphore(%run_scoped3A : memref<!tpu.dma_semaphore, #tpu.memory_space<semaphore_mem>>) src(%arg20 : memref<80x128xf32, #tpu.memory_space<vmem>>) dst(%dma_wait3A_378 : memref<128x128xf32, #tpu.memory_space<vmem_shared>>)
      tpu.yield
    }) : () -> ()
    "tpu.region"() ({
      %run_scoped3A = tpu.sem_alloc : memref<!tpu.dma_semaphore, #tpu.memory_space<semaphore_mem>>
      %dma_start3A_373 = arith.constant 160 : i32
      %dma_start3A_374 = arith.constant 0 : i32
      %dma_start3A_375 = tpu.memref_slice %arg8[%dma_start3A_373, %dma_start3A_374] : memref<400x128xf32, #tpu.memory_space<vmem>> -> memref<80x128xf32, #tpu.memory_space<vmem>>
      %dma_start3A_376 = arith.constant 0 : i32
      %dma_start3A_377 = arith.constant 0 : i32
      %dma_start3A_378 = tpu.memref_slice %arg21[%dma_start3A_376, %dma_start3A_377] : memref<128x128xf32, #tpu.memory_space<vmem_shared>> -> memref<128x128xf32, #tpu.memory_space<vmem_shared>>
      tpu.enqueue_indirect_dma source(%dma_start3A_375 : memref<80x128xf32, #tpu.memory_space<vmem>>) target(%dma_start3A_378 : memref<128x128xf32, #tpu.memory_space<vmem_shared>>) offsets(%arg12 : memref<80xi32, #tpu.memory_space<vmem>>) semaphore(%run_scoped3A : memref<!tpu.dma_semaphore, #tpu.memory_space<semaphore_mem>>) {add = true}
      %dma_wait3A_379 = arith.constant 160 : i32
      %dma_wait3A_380 = arith.constant 0 : i32
      %dma_wait3A_381 = tpu.memref_slice %arg8[%dma_wait3A_379, %dma_wait3A_380] : memref<400x128xf32, #tpu.memory_space<vmem>> -> memref<80x128xf32, #tpu.memory_space<vmem>>
      %dma_wait3A_382 = arith.constant 0 : i32
      %dma_wait3A_383 = arith.constant 0 : i32
      %dma_wait3A_384 = tpu.memref_slice %arg21[%dma_wait3A_382, %dma_wait3A_383] : memref<128x128xf32, #tpu.memory_space<vmem_shared>> -> memref<128x128xf32, #tpu.memory_space<vmem_shared>>
      tpu.wait_indirect_dma semaphore(%run_scoped3A : memref<!tpu.dma_semaphore, #tpu.memory_space<semaphore_mem>>) src(%dma_wait3A_381 : memref<80x128xf32, #tpu.memory_space<vmem>>) dst(%dma_wait3A_384 : memref<128x128xf32, #tpu.memory_space<vmem_shared>>)
      tpu.yield
    }) : () -> ()
    "tpu.region"() ({
      %run_scoped3A = tpu.sem_alloc : memref<!tpu.dma_semaphore, #tpu.memory_space<semaphore_mem>>
      %dma_start3A_373 = arith.constant 0 : i32
      %dma_start3A_374 = arith.constant 0 : i32
      %dma_start3A_375 = tpu.memref_slice %arg22[%dma_start3A_373, %dma_start3A_374] : memref<128x128xf32, #tpu.memory_space<vmem_shared>> -> memref<128x128xf32, #tpu.memory_space<vmem_shared>>
      tpu.enqueue_indirect_dma source(%arg20 : memref<80x128xf32, #tpu.memory_space<vmem>>) target(%dma_start3A_375 : memref<128x128xf32, #tpu.memory_space<vmem_shared>>) offsets(%arg12 : memref<80xi32, #tpu.memory_space<vmem>>) semaphore(%run_scoped3A : memref<!tpu.dma_semaphore, #tpu.memory_space<semaphore_mem>>) {add = true}
      %dma_wait3A_376 = arith.constant 0 : i32
      %dma_wait3A_377 = arith.constant 0 : i32
      %dma_wait3A_378 = tpu.memref_slice %arg22[%dma_wait3A_376, %dma_wait3A_377] : memref<128x128xf32, #tpu.memory_space<vmem_shared>> -> memref<128x128xf32, #tpu.memory_space<vmem_shared>>
      tpu.wait_indirect_dma semaphore(%run_scoped3A : memref<!tpu.dma_semaphore, #tpu.memory_space<semaphore_mem>>) src(%arg20 : memref<80x128xf32, #tpu.memory_space<vmem>>) dst(%dma_wait3A_378 : memref<128x128xf32, #tpu.memory_space<vmem_shared>>)
      tpu.yield
    }) : () -> ()
    "tpu.region"() ({
      %run_scoped3A = tpu.sem_alloc : memref<!tpu.dma_semaphore, #tpu.memory_space<semaphore_mem>>
      %dma_start3A_373 = arith.constant 240 : i32
      %dma_start3A_374 = arith.constant 0 : i32
      %dma_start3A_375 = tpu.memref_slice %arg8[%dma_start3A_373, %dma_start3A_374] : memref<400x128xf32, #tpu.memory_space<vmem>> -> memref<80x128xf32, #tpu.memory_space<vmem>>
      %dma_start3A_376 = arith.constant 0 : i32
      %dma_start3A_377 = arith.constant 0 : i32
      %dma_start3A_378 = tpu.memref_slice %arg21[%dma_start3A_376, %dma_start3A_377] : memref<128x128xf32, #tpu.memory_space<vmem_shared>> -> memref<128x128xf32, #tpu.memory_space<vmem_shared>>
      tpu.enqueue_indirect_dma source(%dma_start3A_375 : memref<80x128xf32, #tpu.memory_space<vmem>>) target(%dma_start3A_378 : memref<128x128xf32, #tpu.memory_space<vmem_shared>>) offsets(%arg13 : memref<80xi32, #tpu.memory_space<vmem>>) semaphore(%run_scoped3A : memref<!tpu.dma_semaphore, #tpu.memory_space<semaphore_mem>>) {add = true}
      %dma_wait3A_379 = arith.constant 240 : i32
      %dma_wait3A_380 = arith.constant 0 : i32
      %dma_wait3A_381 = tpu.memref_slice %arg8[%dma_wait3A_379, %dma_wait3A_380] : memref<400x128xf32, #tpu.memory_space<vmem>> -> memref<80x128xf32, #tpu.memory_space<vmem>>
      %dma_wait3A_382 = arith.constant 0 : i32
      %dma_wait3A_383 = arith.constant 0 : i32
      %dma_wait3A_384 = tpu.memref_slice %arg21[%dma_wait3A_382, %dma_wait3A_383] : memref<128x128xf32, #tpu.memory_space<vmem_shared>> -> memref<128x128xf32, #tpu.memory_space<vmem_shared>>
      tpu.wait_indirect_dma semaphore(%run_scoped3A : memref<!tpu.dma_semaphore, #tpu.memory_space<semaphore_mem>>) src(%dma_wait3A_381 : memref<80x128xf32, #tpu.memory_space<vmem>>) dst(%dma_wait3A_384 : memref<128x128xf32, #tpu.memory_space<vmem_shared>>)
      tpu.yield
    }) : () -> ()
    "tpu.region"() ({
      %run_scoped3A = tpu.sem_alloc : memref<!tpu.dma_semaphore, #tpu.memory_space<semaphore_mem>>
      %dma_start3A_373 = arith.constant 0 : i32
      %dma_start3A_374 = arith.constant 0 : i32
      %dma_start3A_375 = tpu.memref_slice %arg22[%dma_start3A_373, %dma_start3A_374] : memref<128x128xf32, #tpu.memory_space<vmem_shared>> -> memref<128x128xf32, #tpu.memory_space<vmem_shared>>
      tpu.enqueue_indirect_dma source(%arg20 : memref<80x128xf32, #tpu.memory_space<vmem>>) target(%dma_start3A_375 : memref<128x128xf32, #tpu.memory_space<vmem_shared>>) offsets(%arg13 : memref<80xi32, #tpu.memory_space<vmem>>) semaphore(%run_scoped3A : memref<!tpu.dma_semaphore, #tpu.memory_space<semaphore_mem>>) {add = true}
      %dma_wait3A_376 = arith.constant 0 : i32
      %dma_wait3A_377 = arith.constant 0 : i32
      %dma_wait3A_378 = tpu.memref_slice %arg22[%dma_wait3A_376, %dma_wait3A_377] : memref<128x128xf32, #tpu.memory_space<vmem_shared>> -> memref<128x128xf32, #tpu.memory_space<vmem_shared>>
      tpu.wait_indirect_dma semaphore(%run_scoped3A : memref<!tpu.dma_semaphore, #tpu.memory_space<semaphore_mem>>) src(%arg20 : memref<80x128xf32, #tpu.memory_space<vmem>>) dst(%dma_wait3A_378 : memref<128x128xf32, #tpu.memory_space<vmem_shared>>)
      tpu.yield
    }) : () -> ()
    "tpu.region"() ({
      %run_scoped3A = tpu.sem_alloc : memref<!tpu.dma_semaphore, #tpu.memory_space<semaphore_mem>>
      %dma_start3A_373 = arith.constant 320 : i32
      %dma_start3A_374 = arith.constant 0 : i32
      %dma_start3A_375 = tpu.memref_slice %arg8[%dma_start3A_373, %dma_start3A_374] : memref<400x128xf32, #tpu.memory_space<vmem>> -> memref<80x128xf32, #tpu.memory_space<vmem>>
      %dma_start3A_376 = arith.constant 0 : i32
      %dma_start3A_377 = arith.constant 0 : i32
      %dma_start3A_378 = tpu.memref_slice %arg21[%dma_start3A_376, %dma_start3A_377] : memref<128x128xf32, #tpu.memory_space<vmem_shared>> -> memref<128x128xf32, #tpu.memory_space<vmem_shared>>
      tpu.enqueue_indirect_dma source(%dma_start3A_375 : memref<80x128xf32, #tpu.memory_space<vmem>>) target(%dma_start3A_378 : memref<128x128xf32, #tpu.memory_space<vmem_shared>>) offsets(%arg14 : memref<80xi32, #tpu.memory_space<vmem>>) semaphore(%run_scoped3A : memref<!tpu.dma_semaphore, #tpu.memory_space<semaphore_mem>>) {add = true}
      %dma_wait3A_379 = arith.constant 320 : i32
      %dma_wait3A_380 = arith.constant 0 : i32
      %dma_wait3A_381 = tpu.memref_slice %arg8[%dma_wait3A_379, %dma_wait3A_380] : memref<400x128xf32, #tpu.memory_space<vmem>> -> memref<80x128xf32, #tpu.memory_space<vmem>>
      %dma_wait3A_382 = arith.constant 0 : i32
      %dma_wait3A_383 = arith.constant 0 : i32
      %dma_wait3A_384 = tpu.memref_slice %arg21[%dma_wait3A_382, %dma_wait3A_383] : memref<128x128xf32, #tpu.memory_space<vmem_shared>> -> memref<128x128xf32, #tpu.memory_space<vmem_shared>>
      tpu.wait_indirect_dma semaphore(%run_scoped3A : memref<!tpu.dma_semaphore, #tpu.memory_space<semaphore_mem>>) src(%dma_wait3A_381 : memref<80x128xf32, #tpu.memory_space<vmem>>) dst(%dma_wait3A_384 : memref<128x128xf32, #tpu.memory_space<vmem_shared>>)
      tpu.yield
    }) : () -> ()
    "tpu.region"() ({
      %run_scoped3A = tpu.sem_alloc : memref<!tpu.dma_semaphore, #tpu.memory_space<semaphore_mem>>
      %dma_start3A_373 = arith.constant 0 : i32
      %dma_start3A_374 = arith.constant 0 : i32
      %dma_start3A_375 = tpu.memref_slice %arg22[%dma_start3A_373, %dma_start3A_374] : memref<128x128xf32, #tpu.memory_space<vmem_shared>> -> memref<128x128xf32, #tpu.memory_space<vmem_shared>>
      tpu.enqueue_indirect_dma source(%arg20 : memref<80x128xf32, #tpu.memory_space<vmem>>) target(%dma_start3A_375 : memref<128x128xf32, #tpu.memory_space<vmem_shared>>) offsets(%arg14 : memref<80xi32, #tpu.memory_space<vmem>>) semaphore(%run_scoped3A : memref<!tpu.dma_semaphore, #tpu.memory_space<semaphore_mem>>) {add = true}
      %dma_wait3A_376 = arith.constant 0 : i32
      %dma_wait3A_377 = arith.constant 0 : i32
      %dma_wait3A_378 = tpu.memref_slice %arg22[%dma_wait3A_376, %dma_wait3A_377] : memref<128x128xf32, #tpu.memory_space<vmem_shared>> -> memref<128x128xf32, #tpu.memory_space<vmem_shared>>
      tpu.wait_indirect_dma semaphore(%run_scoped3A : memref<!tpu.dma_semaphore, #tpu.memory_space<semaphore_mem>>) src(%arg20 : memref<80x128xf32, #tpu.memory_space<vmem>>) dst(%dma_wait3A_378 : memref<128x128xf32, #tpu.memory_space<vmem_shared>>)
      tpu.yield
    }) : () -> ()
    %add3A_297 = arith.constant 192 : i32
    %add3A_298 = arith.addi %add3A_297, %add3A : i32
    %mul3A_299 = arith.constant 400 : i32
    %mul3A_300 = arith.muli %add3A_298, %mul3A_299 : i32
    %mul3A_301 = arith.constant 400 : i32
    %mul3A_302 = arith.muli %add3A_298, %mul3A_301 : i32
    %add3A_303 = arith.constant 0 : i32
    %add3A_304 = arith.addi %mul3A_302, %add3A_303 : i32
    %mul3A_305 = arith.constant 400 : i32
    %mul3A_306 = arith.muli %add3A_298, %mul3A_305 : i32
    %add3A_307 = arith.constant 80 : i32
    %add3A_308 = arith.addi %mul3A_306, %add3A_307 : i32
    %mul3A_309 = arith.constant 400 : i32
    %mul3A_310 = arith.muli %add3A_298, %mul3A_309 : i32
    %add3A_311 = arith.constant 160 : i32
    %add3A_312 = arith.addi %mul3A_310, %add3A_311 : i32
    %mul3A_313 = arith.constant 400 : i32
    %mul3A_314 = arith.muli %add3A_298, %mul3A_313 : i32
    %add3A_315 = arith.constant 240 : i32
    %add3A_316 = arith.addi %mul3A_314, %add3A_315 : i32
    %mul3A_317 = arith.constant 400 : i32
    %mul3A_318 = arith.muli %add3A_298, %mul3A_317 : i32
    %add3A_319 = arith.constant 320 : i32
    %add3A_320 = arith.addi %mul3A_318, %add3A_319 : i32
    %dma_start3A_321 = arith.constant 0 : i32
    %dma_start3A_322 = tpu.memref_slice %arg2[%mul3A_300, %dma_start3A_321] : memref<100000x128xf32, #tpu.memory_space<hbm>> -> memref<400x128xf32, #tpu.memory_space<hbm>>
    %dma_start3A_323 = arith.constant 0 : i32
    %dma_start3A_324 = tpu.memref_slice %arg2[%mul3A_300, %dma_start3A_323] : memref<100000x128xf32, #tpu.memory_space<hbm>> -> memref<400x128xf32, #tpu.memory_space<hbm>>
    tpu.enqueue_dma source(%dma_start3A_324 : memref<400x128xf32, #tpu.memory_space<hbm>>) target(%arg8 : memref<400x128xf32, #tpu.memory_space<vmem>>) target_semaphore(%arg23 : memref<!tpu.dma_semaphore, #tpu.memory_space<semaphore_mem>>)
    %dma_start3A_325 = tpu.memref_slice %arg3[%add3A_304] : memref<100000xi32, #tpu.memory_space<hbm>> -> memref<80xi32, #tpu.memory_space<hbm>>
    %dma_start3A_326 = tpu.memref_slice %arg3[%add3A_304] : memref<100000xi32, #tpu.memory_space<hbm>> -> memref<80xi32, #tpu.memory_space<hbm>>
    tpu.enqueue_dma source(%dma_start3A_326 : memref<80xi32, #tpu.memory_space<hbm>>) target(%arg10 : memref<80xi32, #tpu.memory_space<vmem>>) target_semaphore(%arg23 : memref<!tpu.dma_semaphore, #tpu.memory_space<semaphore_mem>>)
    %dma_start3A_327 = tpu.memref_slice %arg3[%add3A_308] : memref<100000xi32, #tpu.memory_space<hbm>> -> memref<80xi32, #tpu.memory_space<hbm>>
    %dma_start3A_328 = tpu.memref_slice %arg3[%add3A_308] : memref<100000xi32, #tpu.memory_space<hbm>> -> memref<80xi32, #tpu.memory_space<hbm>>
    tpu.enqueue_dma source(%dma_start3A_328 : memref<80xi32, #tpu.memory_space<hbm>>) target(%arg11 : memref<80xi32, #tpu.memory_space<vmem>>) target_semaphore(%arg23 : memref<!tpu.dma_semaphore, #tpu.memory_space<semaphore_mem>>)
    %dma_start3A_329 = tpu.memref_slice %arg3[%add3A_312] : memref<100000xi32, #tpu.memory_space<hbm>> -> memref<80xi32, #tpu.memory_space<hbm>>
    %dma_start3A_330 = tpu.memref_slice %arg3[%add3A_312] : memref<100000xi32, #tpu.memory_space<hbm>> -> memref<80xi32, #tpu.memory_space<hbm>>
    tpu.enqueue_dma source(%dma_start3A_330 : memref<80xi32, #tpu.memory_space<hbm>>) target(%arg12 : memref<80xi32, #tpu.memory_space<vmem>>) target_semaphore(%arg23 : memref<!tpu.dma_semaphore, #tpu.memory_space<semaphore_mem>>)
    %dma_start3A_331 = tpu.memref_slice %arg3[%add3A_316] : memref<100000xi32, #tpu.memory_space<hbm>> -> memref<80xi32, #tpu.memory_space<hbm>>
    %dma_start3A_332 = tpu.memref_slice %arg3[%add3A_316] : memref<100000xi32, #tpu.memory_space<hbm>> -> memref<80xi32, #tpu.memory_space<hbm>>
    tpu.enqueue_dma source(%dma_start3A_332 : memref<80xi32, #tpu.memory_space<hbm>>) target(%arg13 : memref<80xi32, #tpu.memory_space<vmem>>) target_semaphore(%arg23 : memref<!tpu.dma_semaphore, #tpu.memory_space<semaphore_mem>>)
    %dma_start3A_333 = tpu.memref_slice %arg3[%add3A_320] : memref<100000xi32, #tpu.memory_space<hbm>> -> memref<80xi32, #tpu.memory_space<hbm>>
    %dma_start3A_334 = tpu.memref_slice %arg3[%add3A_320] : memref<100000xi32, #tpu.memory_space<hbm>> -> memref<80xi32, #tpu.memory_space<hbm>>
    tpu.enqueue_dma source(%dma_start3A_334 : memref<80xi32, #tpu.memory_space<hbm>>) target(%arg14 : memref<80xi32, #tpu.memory_space<vmem>>) target_semaphore(%arg23 : memref<!tpu.dma_semaphore, #tpu.memory_space<semaphore_mem>>)
    %dma_wait3A_335 = arith.constant 0 : i32
    %dma_wait3A_336 = tpu.memref_slice %arg2[%mul3A_248, %dma_wait3A_335] : memref<100000x128xf32, #tpu.memory_space<hbm>> -> memref<400x128xf32, #tpu.memory_space<hbm>>
    %dma_wait3A_337 = arith.constant 0 : i32
    %dma_wait3A_338 = tpu.memref_slice %arg2[%mul3A_248, %dma_wait3A_337] : memref<100000x128xf32, #tpu.memory_space<hbm>> -> memref<400x128xf32, #tpu.memory_space<hbm>>
    tpu.wait_dma2 semaphore(%arg24 : memref<!tpu.dma_semaphore, #tpu.memory_space<semaphore_mem>>) src(%dma_wait3A_338 : memref<400x128xf32, #tpu.memory_space<hbm>>) dst(%arg9 : memref<400x128xf32, #tpu.memory_space<vmem>>)
    %dma_wait3A_339 = tpu.memref_slice %arg3[%add3A_252] : memref<100000xi32, #tpu.memory_space<hbm>> -> memref<80xi32, #tpu.memory_space<hbm>>
    %dma_wait3A_340 = tpu.memref_slice %arg3[%add3A_252] : memref<100000xi32, #tpu.memory_space<hbm>> -> memref<80xi32, #tpu.memory_space<hbm>>
    tpu.wait_dma2 semaphore(%arg24 : memref<!tpu.dma_semaphore, #tpu.memory_space<semaphore_mem>>) src(%dma_wait3A_340 : memref<80xi32, #tpu.memory_space<hbm>>) dst(%arg15 : memref<80xi32, #tpu.memory_space<vmem>>)
    %dma_wait3A_341 = tpu.memref_slice %arg3[%add3A_256] : memref<100000xi32, #tpu.memory_space<hbm>> -> memref<80xi32, #tpu.memory_space<hbm>>
    %dma_wait3A_342 = tpu.memref_slice %arg3[%add3A_256] : memref<100000xi32, #tpu.memory_space<hbm>> -> memref<80xi32, #tpu.memory_space<hbm>>
    tpu.wait_dma2 semaphore(%arg24 : memref<!tpu.dma_semaphore, #tpu.memory_space<semaphore_mem>>) src(%dma_wait3A_342 : memref<80xi32, #tpu.memory_space<hbm>>) dst(%arg16 : memref<80xi32, #tpu.memory_space<vmem>>)
    %dma_wait3A_343 = tpu.memref_slice %arg3[%add3A_260] : memref<100000xi32, #tpu.memory_space<hbm>> -> memref<80xi32, #tpu.memory_space<hbm>>
    %dma_wait3A_344 = tpu.memref_slice %arg3[%add3A_260] : memref<100000xi32, #tpu.memory_space<hbm>> -> memref<80xi32, #tpu.memory_space<hbm>>
    tpu.wait_dma2 semaphore(%arg24 : memref<!tpu.dma_semaphore, #tpu.memory_space<semaphore_mem>>) src(%dma_wait3A_344 : memref<80xi32, #tpu.memory_space<hbm>>) dst(%arg17 : memref<80xi32, #tpu.memory_space<vmem>>)
    %dma_wait3A_345 = tpu.memref_slice %arg3[%add3A_264] : memref<100000xi32, #tpu.memory_space<hbm>> -> memref<80xi32, #tpu.memory_space<hbm>>
    %dma_wait3A_346 = tpu.memref_slice %arg3[%add3A_264] : memref<100000xi32, #tpu.memory_space<hbm>> -> memref<80xi32, #tpu.memory_space<hbm>>
    tpu.wait_dma2 semaphore(%arg24 : memref<!tpu.dma_semaphore, #tpu.memory_space<semaphore_mem>>) src(%dma_wait3A_346 : memref<80xi32, #tpu.memory_space<hbm>>) dst(%arg18 : memref<80xi32, #tpu.memory_space<vmem>>)
    %dma_wait3A_347 = tpu.memref_slice %arg3[%add3A_268] : memref<100000xi32, #tpu.memory_space<hbm>> -> memref<80xi32, #tpu.memory_space<hbm>>
    %dma_wait3A_348 = tpu.memref_slice %arg3[%add3A_268] : memref<100000xi32, #tpu.memory_space<hbm>> -> memref<80xi32, #tpu.memory_space<hbm>>
    tpu.wait_dma2 semaphore(%arg24 : memref<!tpu.dma_semaphore, #tpu.memory_space<semaphore_mem>>) src(%dma_wait3A_348 : memref<80xi32, #tpu.memory_space<hbm>>) dst(%arg19 : memref<80xi32, #tpu.memory_space<vmem>>)
    "tpu.region"() ({
      %run_scoped3A = tpu.sem_alloc : memref<!tpu.dma_semaphore, #tpu.memory_space<semaphore_mem>>
      %dma_start3A_373 = arith.constant 0 : i32
      %dma_start3A_374 = arith.constant 0 : i32
      %dma_start3A_375 = tpu.memref_slice %arg9[%dma_start3A_373, %dma_start3A_374] : memref<400x128xf32, #tpu.memory_space<vmem>> -> memref<80x128xf32, #tpu.memory_space<vmem>>
      %dma_start3A_376 = arith.constant 0 : i32
      %dma_start3A_377 = arith.constant 0 : i32
      %dma_start3A_378 = tpu.memref_slice %arg21[%dma_start3A_376, %dma_start3A_377] : memref<128x128xf32, #tpu.memory_space<vmem_shared>> -> memref<128x128xf32, #tpu.memory_space<vmem_shared>>
      tpu.enqueue_indirect_dma source(%dma_start3A_375 : memref<80x128xf32, #tpu.memory_space<vmem>>) target(%dma_start3A_378 : memref<128x128xf32, #tpu.memory_space<vmem_shared>>) offsets(%arg15 : memref<80xi32, #tpu.memory_space<vmem>>) semaphore(%run_scoped3A : memref<!tpu.dma_semaphore, #tpu.memory_space<semaphore_mem>>) {add = true}
      %dma_wait3A_379 = arith.constant 0 : i32
      %dma_wait3A_380 = arith.constant 0 : i32
      %dma_wait3A_381 = tpu.memref_slice %arg9[%dma_wait3A_379, %dma_wait3A_380] : memref<400x128xf32, #tpu.memory_space<vmem>> -> memref<80x128xf32, #tpu.memory_space<vmem>>
      %dma_wait3A_382 = arith.constant 0 : i32
      %dma_wait3A_383 = arith.constant 0 : i32
      %dma_wait3A_384 = tpu.memref_slice %arg21[%dma_wait3A_382, %dma_wait3A_383] : memref<128x128xf32, #tpu.memory_space<vmem_shared>> -> memref<128x128xf32, #tpu.memory_space<vmem_shared>>
      tpu.wait_indirect_dma semaphore(%run_scoped3A : memref<!tpu.dma_semaphore, #tpu.memory_space<semaphore_mem>>) src(%dma_wait3A_381 : memref<80x128xf32, #tpu.memory_space<vmem>>) dst(%dma_wait3A_384 : memref<128x128xf32, #tpu.memory_space<vmem_shared>>)
      tpu.yield
    }) : () -> ()
    "tpu.region"() ({
      %run_scoped3A = tpu.sem_alloc : memref<!tpu.dma_semaphore, #tpu.memory_space<semaphore_mem>>
      %dma_start3A_373 = arith.constant 0 : i32
      %dma_start3A_374 = arith.constant 0 : i32
      %dma_start3A_375 = tpu.memref_slice %arg22[%dma_start3A_373, %dma_start3A_374] : memref<128x128xf32, #tpu.memory_space<vmem_shared>> -> memref<128x128xf32, #tpu.memory_space<vmem_shared>>
      tpu.enqueue_indirect_dma source(%arg20 : memref<80x128xf32, #tpu.memory_space<vmem>>) target(%dma_start3A_375 : memref<128x128xf32, #tpu.memory_space<vmem_shared>>) offsets(%arg15 : memref<80xi32, #tpu.memory_space<vmem>>) semaphore(%run_scoped3A : memref<!tpu.dma_semaphore, #tpu.memory_space<semaphore_mem>>) {add = true}
      %dma_wait3A_376 = arith.constant 0 : i32
      %dma_wait3A_377 = arith.constant 0 : i32
      %dma_wait3A_378 = tpu.memref_slice %arg22[%dma_wait3A_376, %dma_wait3A_377] : memref<128x128xf32, #tpu.memory_space<vmem_shared>> -> memref<128x128xf32, #tpu.memory_space<vmem_shared>>
      tpu.wait_indirect_dma semaphore(%run_scoped3A : memref<!tpu.dma_semaphore, #tpu.memory_space<semaphore_mem>>) src(%arg20 : memref<80x128xf32, #tpu.memory_space<vmem>>) dst(%dma_wait3A_378 : memref<128x128xf32, #tpu.memory_space<vmem_shared>>)
      tpu.yield
    }) : () -> ()
    "tpu.region"() ({
      %run_scoped3A = tpu.sem_alloc : memref<!tpu.dma_semaphore, #tpu.memory_space<semaphore_mem>>
      %dma_start3A_373 = arith.constant 80 : i32
      %dma_start3A_374 = arith.constant 0 : i32
      %dma_start3A_375 = tpu.memref_slice %arg9[%dma_start3A_373, %dma_start3A_374] : memref<400x128xf32, #tpu.memory_space<vmem>> -> memref<80x128xf32, #tpu.memory_space<vmem>>
      %dma_start3A_376 = arith.constant 0 : i32
      %dma_start3A_377 = arith.constant 0 : i32
      %dma_start3A_378 = tpu.memref_slice %arg21[%dma_start3A_376, %dma_start3A_377] : memref<128x128xf32, #tpu.memory_space<vmem_shared>> -> memref<128x128xf32, #tpu.memory_space<vmem_shared>>
      tpu.enqueue_indirect_dma source(%dma_start3A_375 : memref<80x128xf32, #tpu.memory_space<vmem>>) target(%dma_start3A_378 : memref<128x128xf32, #tpu.memory_space<vmem_shared>>) offsets(%arg16 : memref<80xi32, #tpu.memory_space<vmem>>) semaphore(%run_scoped3A : memref<!tpu.dma_semaphore, #tpu.memory_space<semaphore_mem>>) {add = true}
      %dma_wait3A_379 = arith.constant 80 : i32
      %dma_wait3A_380 = arith.constant 0 : i32
      %dma_wait3A_381 = tpu.memref_slice %arg9[%dma_wait3A_379, %dma_wait3A_380] : memref<400x128xf32, #tpu.memory_space<vmem>> -> memref<80x128xf32, #tpu.memory_space<vmem>>
      %dma_wait3A_382 = arith.constant 0 : i32
      %dma_wait3A_383 = arith.constant 0 : i32
      %dma_wait3A_384 = tpu.memref_slice %arg21[%dma_wait3A_382, %dma_wait3A_383] : memref<128x128xf32, #tpu.memory_space<vmem_shared>> -> memref<128x128xf32, #tpu.memory_space<vmem_shared>>
      tpu.wait_indirect_dma semaphore(%run_scoped3A : memref<!tpu.dma_semaphore, #tpu.memory_space<semaphore_mem>>) src(%dma_wait3A_381 : memref<80x128xf32, #tpu.memory_space<vmem>>) dst(%dma_wait3A_384 : memref<128x128xf32, #tpu.memory_space<vmem_shared>>)
      tpu.yield
    }) : () -> ()
    "tpu.region"() ({
      %run_scoped3A = tpu.sem_alloc : memref<!tpu.dma_semaphore, #tpu.memory_space<semaphore_mem>>
      %dma_start3A_373 = arith.constant 0 : i32
      %dma_start3A_374 = arith.constant 0 : i32
      %dma_start3A_375 = tpu.memref_slice %arg22[%dma_start3A_373, %dma_start3A_374] : memref<128x128xf32, #tpu.memory_space<vmem_shared>> -> memref<128x128xf32, #tpu.memory_space<vmem_shared>>
      tpu.enqueue_indirect_dma source(%arg20 : memref<80x128xf32, #tpu.memory_space<vmem>>) target(%dma_start3A_375 : memref<128x128xf32, #tpu.memory_space<vmem_shared>>) offsets(%arg16 : memref<80xi32, #tpu.memory_space<vmem>>) semaphore(%run_scoped3A : memref<!tpu.dma_semaphore, #tpu.memory_space<semaphore_mem>>) {add = true}
      %dma_wait3A_376 = arith.constant 0 : i32
      %dma_wait3A_377 = arith.constant 0 : i32
      %dma_wait3A_378 = tpu.memref_slice %arg22[%dma_wait3A_376, %dma_wait3A_377] : memref<128x128xf32, #tpu.memory_space<vmem_shared>> -> memref<128x128xf32, #tpu.memory_space<vmem_shared>>
      tpu.wait_indirect_dma semaphore(%run_scoped3A : memref<!tpu.dma_semaphore, #tpu.memory_space<semaphore_mem>>) src(%arg20 : memref<80x128xf32, #tpu.memory_space<vmem>>) dst(%dma_wait3A_378 : memref<128x128xf32, #tpu.memory_space<vmem_shared>>)
      tpu.yield
    }) : () -> ()
    "tpu.region"() ({
      %run_scoped3A = tpu.sem_alloc : memref<!tpu.dma_semaphore, #tpu.memory_space<semaphore_mem>>
      %dma_start3A_373 = arith.constant 160 : i32
      %dma_start3A_374 = arith.constant 0 : i32
      %dma_start3A_375 = tpu.memref_slice %arg9[%dma_start3A_373, %dma_start3A_374] : memref<400x128xf32, #tpu.memory_space<vmem>> -> memref<80x128xf32, #tpu.memory_space<vmem>>
      %dma_start3A_376 = arith.constant 0 : i32
      %dma_start3A_377 = arith.constant 0 : i32
      %dma_start3A_378 = tpu.memref_slice %arg21[%dma_start3A_376, %dma_start3A_377] : memref<128x128xf32, #tpu.memory_space<vmem_shared>> -> memref<128x128xf32, #tpu.memory_space<vmem_shared>>
      tpu.enqueue_indirect_dma source(%dma_start3A_375 : memref<80x128xf32, #tpu.memory_space<vmem>>) target(%dma_start3A_378 : memref<128x128xf32, #tpu.memory_space<vmem_shared>>) offsets(%arg17 : memref<80xi32, #tpu.memory_space<vmem>>) semaphore(%run_scoped3A : memref<!tpu.dma_semaphore, #tpu.memory_space<semaphore_mem>>) {add = true}
      %dma_wait3A_379 = arith.constant 160 : i32
      %dma_wait3A_380 = arith.constant 0 : i32
      %dma_wait3A_381 = tpu.memref_slice %arg9[%dma_wait3A_379, %dma_wait3A_380] : memref<400x128xf32, #tpu.memory_space<vmem>> -> memref<80x128xf32, #tpu.memory_space<vmem>>
      %dma_wait3A_382 = arith.constant 0 : i32
      %dma_wait3A_383 = arith.constant 0 : i32
      %dma_wait3A_384 = tpu.memref_slice %arg21[%dma_wait3A_382, %dma_wait3A_383] : memref<128x128xf32, #tpu.memory_space<vmem_shared>> -> memref<128x128xf32, #tpu.memory_space<vmem_shared>>
      tpu.wait_indirect_dma semaphore(%run_scoped3A : memref<!tpu.dma_semaphore, #tpu.memory_space<semaphore_mem>>) src(%dma_wait3A_381 : memref<80x128xf32, #tpu.memory_space<vmem>>) dst(%dma_wait3A_384 : memref<128x128xf32, #tpu.memory_space<vmem_shared>>)
      tpu.yield
    }) : () -> ()
    "tpu.region"() ({
      %run_scoped3A = tpu.sem_alloc : memref<!tpu.dma_semaphore, #tpu.memory_space<semaphore_mem>>
      %dma_start3A_373 = arith.constant 0 : i32
      %dma_start3A_374 = arith.constant 0 : i32
      %dma_start3A_375 = tpu.memref_slice %arg22[%dma_start3A_373, %dma_start3A_374] : memref<128x128xf32, #tpu.memory_space<vmem_shared>> -> memref<128x128xf32, #tpu.memory_space<vmem_shared>>
      tpu.enqueue_indirect_dma source(%arg20 : memref<80x128xf32, #tpu.memory_space<vmem>>) target(%dma_start3A_375 : memref<128x128xf32, #tpu.memory_space<vmem_shared>>) offsets(%arg17 : memref<80xi32, #tpu.memory_space<vmem>>) semaphore(%run_scoped3A : memref<!tpu.dma_semaphore, #tpu.memory_space<semaphore_mem>>) {add = true}
      %dma_wait3A_376 = arith.constant 0 : i32
      %dma_wait3A_377 = arith.constant 0 : i32
      %dma_wait3A_378 = tpu.memref_slice %arg22[%dma_wait3A_376, %dma_wait3A_377] : memref<128x128xf32, #tpu.memory_space<vmem_shared>> -> memref<128x128xf32, #tpu.memory_space<vmem_shared>>
      tpu.wait_indirect_dma semaphore(%run_scoped3A : memref<!tpu.dma_semaphore, #tpu.memory_space<semaphore_mem>>) src(%arg20 : memref<80x128xf32, #tpu.memory_space<vmem>>) dst(%dma_wait3A_378 : memref<128x128xf32, #tpu.memory_space<vmem_shared>>)
      tpu.yield
    }) : () -> ()
    "tpu.region"() ({
      %run_scoped3A = tpu.sem_alloc : memref<!tpu.dma_semaphore, #tpu.memory_space<semaphore_mem>>
      %dma_start3A_373 = arith.constant 240 : i32
      %dma_start3A_374 = arith.constant 0 : i32
      %dma_start3A_375 = tpu.memref_slice %arg9[%dma_start3A_373, %dma_start3A_374] : memref<400x128xf32, #tpu.memory_space<vmem>> -> memref<80x128xf32, #tpu.memory_space<vmem>>
      %dma_start3A_376 = arith.constant 0 : i32
      %dma_start3A_377 = arith.constant 0 : i32
      %dma_start3A_378 = tpu.memref_slice %arg21[%dma_start3A_376, %dma_start3A_377] : memref<128x128xf32, #tpu.memory_space<vmem_shared>> -> memref<128x128xf32, #tpu.memory_space<vmem_shared>>
      tpu.enqueue_indirect_dma source(%dma_start3A_375 : memref<80x128xf32, #tpu.memory_space<vmem>>) target(%dma_start3A_378 : memref<128x128xf32, #tpu.memory_space<vmem_shared>>) offsets(%arg18 : memref<80xi32, #tpu.memory_space<vmem>>) semaphore(%run_scoped3A : memref<!tpu.dma_semaphore, #tpu.memory_space<semaphore_mem>>) {add = true}
      %dma_wait3A_379 = arith.constant 240 : i32
      %dma_wait3A_380 = arith.constant 0 : i32
      %dma_wait3A_381 = tpu.memref_slice %arg9[%dma_wait3A_379, %dma_wait3A_380] : memref<400x128xf32, #tpu.memory_space<vmem>> -> memref<80x128xf32, #tpu.memory_space<vmem>>
      %dma_wait3A_382 = arith.constant 0 : i32
      %dma_wait3A_383 = arith.constant 0 : i32
      %dma_wait3A_384 = tpu.memref_slice %arg21[%dma_wait3A_382, %dma_wait3A_383] : memref<128x128xf32, #tpu.memory_space<vmem_shared>> -> memref<128x128xf32, #tpu.memory_space<vmem_shared>>
      tpu.wait_indirect_dma semaphore(%run_scoped3A : memref<!tpu.dma_semaphore, #tpu.memory_space<semaphore_mem>>) src(%dma_wait3A_381 : memref<80x128xf32, #tpu.memory_space<vmem>>) dst(%dma_wait3A_384 : memref<128x128xf32, #tpu.memory_space<vmem_shared>>)
      tpu.yield
    }) : () -> ()
    "tpu.region"() ({
      %run_scoped3A = tpu.sem_alloc : memref<!tpu.dma_semaphore, #tpu.memory_space<semaphore_mem>>
      %dma_start3A_373 = arith.constant 0 : i32
      %dma_start3A_374 = arith.constant 0 : i32
      %dma_start3A_375 = tpu.memref_slice %arg22[%dma_start3A_373, %dma_start3A_374] : memref<128x128xf32, #tpu.memory_space<vmem_shared>> -> memref<128x128xf32, #tpu.memory_space<vmem_shared>>
      tpu.enqueue_indirect_dma source(%arg20 : memref<80x128xf32, #tpu.memory_space<vmem>>) target(%dma_start3A_375 : memref<128x128xf32, #tpu.memory_space<vmem_shared>>) offsets(%arg18 : memref<80xi32, #tpu.memory_space<vmem>>) semaphore(%run_scoped3A : memref<!tpu.dma_semaphore, #tpu.memory_space<semaphore_mem>>) {add = true}
      %dma_wait3A_376 = arith.constant 0 : i32
      %dma_wait3A_377 = arith.constant 0 : i32
      %dma_wait3A_378 = tpu.memref_slice %arg22[%dma_wait3A_376, %dma_wait3A_377] : memref<128x128xf32, #tpu.memory_space<vmem_shared>> -> memref<128x128xf32, #tpu.memory_space<vmem_shared>>
      tpu.wait_indirect_dma semaphore(%run_scoped3A : memref<!tpu.dma_semaphore, #tpu.memory_space<semaphore_mem>>) src(%arg20 : memref<80x128xf32, #tpu.memory_space<vmem>>) dst(%dma_wait3A_378 : memref<128x128xf32, #tpu.memory_space<vmem_shared>>)
      tpu.yield
    }) : () -> ()
    "tpu.region"() ({
      %run_scoped3A = tpu.sem_alloc : memref<!tpu.dma_semaphore, #tpu.memory_space<semaphore_mem>>
      %dma_start3A_373 = arith.constant 320 : i32
      %dma_start3A_374 = arith.constant 0 : i32
      %dma_start3A_375 = tpu.memref_slice %arg9[%dma_start3A_373, %dma_start3A_374] : memref<400x128xf32, #tpu.memory_space<vmem>> -> memref<80x128xf32, #tpu.memory_space<vmem>>
      %dma_start3A_376 = arith.constant 0 : i32
      %dma_start3A_377 = arith.constant 0 : i32
      %dma_start3A_378 = tpu.memref_slice %arg21[%dma_start3A_376, %dma_start3A_377] : memref<128x128xf32, #tpu.memory_space<vmem_shared>> -> memref<128x128xf32, #tpu.memory_space<vmem_shared>>
      tpu.enqueue_indirect_dma source(%dma_start3A_375 : memref<80x128xf32, #tpu.memory_space<vmem>>) target(%dma_start3A_378 : memref<128x128xf32, #tpu.memory_space<vmem_shared>>) offsets(%arg19 : memref<80xi32, #tpu.memory_space<vmem>>) semaphore(%run_scoped3A : memref<!tpu.dma_semaphore, #tpu.memory_space<semaphore_mem>>) {add = true}
      %dma_wait3A_379 = arith.constant 320 : i32
      %dma_wait3A_380 = arith.constant 0 : i32
      %dma_wait3A_381 = tpu.memref_slice %arg9[%dma_wait3A_379, %dma_wait3A_380] : memref<400x128xf32, #tpu.memory_space<vmem>> -> memref<80x128xf32, #tpu.memory_space<vmem>>
      %dma_wait3A_382 = arith.constant 0 : i32
      %dma_wait3A_383 = arith.constant 0 : i32
      %dma_wait3A_384 = tpu.memref_slice %arg21[%dma_wait3A_382, %dma_wait3A_383] : memref<128x128xf32, #tpu.memory_space<vmem_shared>> -> memref<128x128xf32, #tpu.memory_space<vmem_shared>>
      tpu.wait_indirect_dma semaphore(%run_scoped3A : memref<!tpu.dma_semaphore, #tpu.memory_space<semaphore_mem>>) src(%dma_wait3A_381 : memref<80x128xf32, #tpu.memory_space<vmem>>) dst(%dma_wait3A_384 : memref<128x128xf32, #tpu.memory_space<vmem_shared>>)
      tpu.yield
    }) : () -> ()
    "tpu.region"() ({
      %run_scoped3A = tpu.sem_alloc : memref<!tpu.dma_semaphore, #tpu.memory_space<semaphore_mem>>
      %dma_start3A_373 = arith.constant 0 : i32
      %dma_start3A_374 = arith.constant 0 : i32
      %dma_start3A_375 = tpu.memref_slice %arg22[%dma_start3A_373, %dma_start3A_374] : memref<128x128xf32, #tpu.memory_space<vmem_shared>> -> memref<128x128xf32, #tpu.memory_space<vmem_shared>>
      tpu.enqueue_indirect_dma source(%arg20 : memref<80x128xf32, #tpu.memory_space<vmem>>) target(%dma_start3A_375 : memref<128x128xf32, #tpu.memory_space<vmem_shared>>) offsets(%arg19 : memref<80xi32, #tpu.memory_space<vmem>>) semaphore(%run_scoped3A : memref<!tpu.dma_semaphore, #tpu.memory_space<semaphore_mem>>) {add = true}
      %dma_wait3A_376 = arith.constant 0 : i32
      %dma_wait3A_377 = arith.constant 0 : i32
      %dma_wait3A_378 = tpu.memref_slice %arg22[%dma_wait3A_376, %dma_wait3A_377] : memref<128x128xf32, #tpu.memory_space<vmem_shared>> -> memref<128x128xf32, #tpu.memory_space<vmem_shared>>
      tpu.wait_indirect_dma semaphore(%run_scoped3A : memref<!tpu.dma_semaphore, #tpu.memory_space<semaphore_mem>>) src(%arg20 : memref<80x128xf32, #tpu.memory_space<vmem>>) dst(%dma_wait3A_378 : memref<128x128xf32, #tpu.memory_space<vmem_shared>>)
      tpu.yield
    }) : () -> ()
    %dma_wait3A_349 = arith.constant 0 : i32
    %dma_wait3A_350 = tpu.memref_slice %arg2[%mul3A_300, %dma_wait3A_349] : memref<100000x128xf32, #tpu.memory_space<hbm>> -> memref<400x128xf32, #tpu.memory_space<hbm>>
    %dma_wait3A_351 = arith.constant 0 : i32
    %dma_wait3A_352 = tpu.memref_slice %arg2[%mul3A_300, %dma_wait3A_351] : memref<100000x128xf32, #tpu.memory_space<hbm>> -> memref<400x128xf32, #tpu.memory_space<hbm>>
    tpu.wait_dma2 semaphore(%arg23 : memref<!tpu.dma_semaphore, #tpu.memory_space<semaphore_mem>>) src(%dma_wait3A_352 : memref<400x128xf32, #tpu.memory_space<hbm>>) dst(%arg8 : memref<400x128xf32, #tpu.memory_space<vmem>>)
    %dma_wait3A_353 = tpu.memref_slice %arg3[%add3A_304] : memref<100000xi32, #tpu.memory_space<hbm>> -> memref<80xi32, #tpu.memory_space<hbm>>
    %dma_wait3A_354 = tpu.memref_slice %arg3[%add3A_304] : memref<100000xi32, #tpu.memory_space<hbm>> -> memref<80xi32, #tpu.memory_space<hbm>>
    tpu.wait_dma2 semaphore(%arg23 : memref<!tpu.dma_semaphore, #tpu.memory_space<semaphore_mem>>) src(%dma_wait3A_354 : memref<80xi32, #tpu.memory_space<hbm>>) dst(%arg10 : memref<80xi32, #tpu.memory_space<vmem>>)
    %dma_wait3A_355 = tpu.memref_slice %arg3[%add3A_308] : memref<100000xi32, #tpu.memory_space<hbm>> -> memref<80xi32, #tpu.memory_space<hbm>>
    %dma_wait3A_356 = tpu.memref_slice %arg3[%add3A_308] : memref<100000xi32, #tpu.memory_space<hbm>> -> memref<80xi32, #tpu.memory_space<hbm>>
    tpu.wait_dma2 semaphore(%arg23 : memref<!tpu.dma_semaphore, #tpu.memory_space<semaphore_mem>>) src(%dma_wait3A_356 : memref<80xi32, #tpu.memory_space<hbm>>) dst(%arg11 : memref<80xi32, #tpu.memory_space<vmem>>)
    %dma_wait3A_357 = tpu.memref_slice %arg3[%add3A_312] : memref<100000xi32, #tpu.memory_space<hbm>> -> memref<80xi32, #tpu.memory_space<hbm>>
    %dma_wait3A_358 = tpu.memref_slice %arg3[%add3A_312] : memref<100000xi32, #tpu.memory_space<hbm>> -> memref<80xi32, #tpu.memory_space<hbm>>
    tpu.wait_dma2 semaphore(%arg23 : memref<!tpu.dma_semaphore, #tpu.memory_space<semaphore_mem>>) src(%dma_wait3A_358 : memref<80xi32, #tpu.memory_space<hbm>>) dst(%arg12 : memref<80xi32, #tpu.memory_space<vmem>>)
    %dma_wait3A_359 = tpu.memref_slice %arg3[%add3A_316] : memref<100000xi32, #tpu.memory_space<hbm>> -> memref<80xi32, #tpu.memory_space<hbm>>
    %dma_wait3A_360 = tpu.memref_slice %arg3[%add3A_316] : memref<100000xi32, #tpu.memory_space<hbm>> -> memref<80xi32, #tpu.memory_space<hbm>>
    tpu.wait_dma2 semaphore(%arg23 : memref<!tpu.dma_semaphore, #tpu.memory_space<semaphore_mem>>) src(%dma_wait3A_360 : memref<80xi32, #tpu.memory_space<hbm>>) dst(%arg13 : memref<80xi32, #tpu.memory_space<vmem>>)
    %dma_wait3A_361 = tpu.memref_slice %arg3[%add3A_320] : memref<100000xi32, #tpu.memory_space<hbm>> -> memref<80xi32, #tpu.memory_space<hbm>>
    %dma_wait3A_362 = tpu.memref_slice %arg3[%add3A_320] : memref<100000xi32, #tpu.memory_space<hbm>> -> memref<80xi32, #tpu.memory_space<hbm>>
    tpu.wait_dma2 semaphore(%arg23 : memref<!tpu.dma_semaphore, #tpu.memory_space<semaphore_mem>>) src(%dma_wait3A_362 : memref<80xi32, #tpu.memory_space<hbm>>) dst(%arg14 : memref<80xi32, #tpu.memory_space<vmem>>)
    "tpu.region"() ({
      %run_scoped3A = tpu.sem_alloc : memref<!tpu.dma_semaphore, #tpu.memory_space<semaphore_mem>>
      %dma_start3A_373 = arith.constant 0 : i32
      %dma_start3A_374 = arith.constant 0 : i32
      %dma_start3A_375 = tpu.memref_slice %arg8[%dma_start3A_373, %dma_start3A_374] : memref<400x128xf32, #tpu.memory_space<vmem>> -> memref<80x128xf32, #tpu.memory_space<vmem>>
      %dma_start3A_376 = arith.constant 0 : i32
      %dma_start3A_377 = arith.constant 0 : i32
      %dma_start3A_378 = tpu.memref_slice %arg21[%dma_start3A_376, %dma_start3A_377] : memref<128x128xf32, #tpu.memory_space<vmem_shared>> -> memref<128x128xf32, #tpu.memory_space<vmem_shared>>
      tpu.enqueue_indirect_dma source(%dma_start3A_375 : memref<80x128xf32, #tpu.memory_space<vmem>>) target(%dma_start3A_378 : memref<128x128xf32, #tpu.memory_space<vmem_shared>>) offsets(%arg10 : memref<80xi32, #tpu.memory_space<vmem>>) semaphore(%run_scoped3A : memref<!tpu.dma_semaphore, #tpu.memory_space<semaphore_mem>>) {add = true}
      %dma_wait3A_379 = arith.constant 0 : i32
      %dma_wait3A_380 = arith.constant 0 : i32
      %dma_wait3A_381 = tpu.memref_slice %arg8[%dma_wait3A_379, %dma_wait3A_380] : memref<400x128xf32, #tpu.memory_space<vmem>> -> memref<80x128xf32, #tpu.memory_space<vmem>>
      %dma_wait3A_382 = arith.constant 0 : i32
      %dma_wait3A_383 = arith.constant 0 : i32
      %dma_wait3A_384 = tpu.memref_slice %arg21[%dma_wait3A_382, %dma_wait3A_383] : memref<128x128xf32, #tpu.memory_space<vmem_shared>> -> memref<128x128xf32, #tpu.memory_space<vmem_shared>>
      tpu.wait_indirect_dma semaphore(%run_scoped3A : memref<!tpu.dma_semaphore, #tpu.memory_space<semaphore_mem>>) src(%dma_wait3A_381 : memref<80x128xf32, #tpu.memory_space<vmem>>) dst(%dma_wait3A_384 : memref<128x128xf32, #tpu.memory_space<vmem_shared>>)
      tpu.yield
    }) : () -> ()
    "tpu.region"() ({
      %run_scoped3A = tpu.sem_alloc : memref<!tpu.dma_semaphore, #tpu.memory_space<semaphore_mem>>
      %dma_start3A_373 = arith.constant 0 : i32
      %dma_start3A_374 = arith.constant 0 : i32
      %dma_start3A_375 = tpu.memref_slice %arg22[%dma_start3A_373, %dma_start3A_374] : memref<128x128xf32, #tpu.memory_space<vmem_shared>> -> memref<128x128xf32, #tpu.memory_space<vmem_shared>>
      tpu.enqueue_indirect_dma source(%arg20 : memref<80x128xf32, #tpu.memory_space<vmem>>) target(%dma_start3A_375 : memref<128x128xf32, #tpu.memory_space<vmem_shared>>) offsets(%arg10 : memref<80xi32, #tpu.memory_space<vmem>>) semaphore(%run_scoped3A : memref<!tpu.dma_semaphore, #tpu.memory_space<semaphore_mem>>) {add = true}
      %dma_wait3A_376 = arith.constant 0 : i32
      %dma_wait3A_377 = arith.constant 0 : i32
      %dma_wait3A_378 = tpu.memref_slice %arg22[%dma_wait3A_376, %dma_wait3A_377] : memref<128x128xf32, #tpu.memory_space<vmem_shared>> -> memref<128x128xf32, #tpu.memory_space<vmem_shared>>
      tpu.wait_indirect_dma semaphore(%run_scoped3A : memref<!tpu.dma_semaphore, #tpu.memory_space<semaphore_mem>>) src(%arg20 : memref<80x128xf32, #tpu.memory_space<vmem>>) dst(%dma_wait3A_378 : memref<128x128xf32, #tpu.memory_space<vmem_shared>>)
      tpu.yield
    }) : () -> ()
    "tpu.region"() ({
      %run_scoped3A = tpu.sem_alloc : memref<!tpu.dma_semaphore, #tpu.memory_space<semaphore_mem>>
      %dma_start3A_373 = arith.constant 80 : i32
      %dma_start3A_374 = arith.constant 0 : i32
      %dma_start3A_375 = tpu.memref_slice %arg8[%dma_start3A_373, %dma_start3A_374] : memref<400x128xf32, #tpu.memory_space<vmem>> -> memref<80x128xf32, #tpu.memory_space<vmem>>
      %dma_start3A_376 = arith.constant 0 : i32
      %dma_start3A_377 = arith.constant 0 : i32
      %dma_start3A_378 = tpu.memref_slice %arg21[%dma_start3A_376, %dma_start3A_377] : memref<128x128xf32, #tpu.memory_space<vmem_shared>> -> memref<128x128xf32, #tpu.memory_space<vmem_shared>>
      tpu.enqueue_indirect_dma source(%dma_start3A_375 : memref<80x128xf32, #tpu.memory_space<vmem>>) target(%dma_start3A_378 : memref<128x128xf32, #tpu.memory_space<vmem_shared>>) offsets(%arg11 : memref<80xi32, #tpu.memory_space<vmem>>) semaphore(%run_scoped3A : memref<!tpu.dma_semaphore, #tpu.memory_space<semaphore_mem>>) {add = true}
      %dma_wait3A_379 = arith.constant 80 : i32
      %dma_wait3A_380 = arith.constant 0 : i32
      %dma_wait3A_381 = tpu.memref_slice %arg8[%dma_wait3A_379, %dma_wait3A_380] : memref<400x128xf32, #tpu.memory_space<vmem>> -> memref<80x128xf32, #tpu.memory_space<vmem>>
      %dma_wait3A_382 = arith.constant 0 : i32
      %dma_wait3A_383 = arith.constant 0 : i32
      %dma_wait3A_384 = tpu.memref_slice %arg21[%dma_wait3A_382, %dma_wait3A_383] : memref<128x128xf32, #tpu.memory_space<vmem_shared>> -> memref<128x128xf32, #tpu.memory_space<vmem_shared>>
      tpu.wait_indirect_dma semaphore(%run_scoped3A : memref<!tpu.dma_semaphore, #tpu.memory_space<semaphore_mem>>) src(%dma_wait3A_381 : memref<80x128xf32, #tpu.memory_space<vmem>>) dst(%dma_wait3A_384 : memref<128x128xf32, #tpu.memory_space<vmem_shared>>)
      tpu.yield
    }) : () -> ()
    "tpu.region"() ({
      %run_scoped3A = tpu.sem_alloc : memref<!tpu.dma_semaphore, #tpu.memory_space<semaphore_mem>>
      %dma_start3A_373 = arith.constant 0 : i32
      %dma_start3A_374 = arith.constant 0 : i32
      %dma_start3A_375 = tpu.memref_slice %arg22[%dma_start3A_373, %dma_start3A_374] : memref<128x128xf32, #tpu.memory_space<vmem_shared>> -> memref<128x128xf32, #tpu.memory_space<vmem_shared>>
      tpu.enqueue_indirect_dma source(%arg20 : memref<80x128xf32, #tpu.memory_space<vmem>>) target(%dma_start3A_375 : memref<128x128xf32, #tpu.memory_space<vmem_shared>>) offsets(%arg11 : memref<80xi32, #tpu.memory_space<vmem>>) semaphore(%run_scoped3A : memref<!tpu.dma_semaphore, #tpu.memory_space<semaphore_mem>>) {add = true}
      %dma_wait3A_376 = arith.constant 0 : i32
      %dma_wait3A_377 = arith.constant 0 : i32
      %dma_wait3A_378 = tpu.memref_slice %arg22[%dma_wait3A_376, %dma_wait3A_377] : memref<128x128xf32, #tpu.memory_space<vmem_shared>> -> memref<128x128xf32, #tpu.memory_space<vmem_shared>>
      tpu.wait_indirect_dma semaphore(%run_scoped3A : memref<!tpu.dma_semaphore, #tpu.memory_space<semaphore_mem>>) src(%arg20 : memref<80x128xf32, #tpu.memory_space<vmem>>) dst(%dma_wait3A_378 : memref<128x128xf32, #tpu.memory_space<vmem_shared>>)
      tpu.yield
    }) : () -> ()
    "tpu.region"() ({
      %run_scoped3A = tpu.sem_alloc : memref<!tpu.dma_semaphore, #tpu.memory_space<semaphore_mem>>
      %dma_start3A_373 = arith.constant 160 : i32
      %dma_start3A_374 = arith.constant 0 : i32
      %dma_start3A_375 = tpu.memref_slice %arg8[%dma_start3A_373, %dma_start3A_374] : memref<400x128xf32, #tpu.memory_space<vmem>> -> memref<80x128xf32, #tpu.memory_space<vmem>>
      %dma_start3A_376 = arith.constant 0 : i32
      %dma_start3A_377 = arith.constant 0 : i32
      %dma_start3A_378 = tpu.memref_slice %arg21[%dma_start3A_376, %dma_start3A_377] : memref<128x128xf32, #tpu.memory_space<vmem_shared>> -> memref<128x128xf32, #tpu.memory_space<vmem_shared>>
      tpu.enqueue_indirect_dma source(%dma_start3A_375 : memref<80x128xf32, #tpu.memory_space<vmem>>) target(%dma_start3A_378 : memref<128x128xf32, #tpu.memory_space<vmem_shared>>) offsets(%arg12 : memref<80xi32, #tpu.memory_space<vmem>>) semaphore(%run_scoped3A : memref<!tpu.dma_semaphore, #tpu.memory_space<semaphore_mem>>) {add = true}
      %dma_wait3A_379 = arith.constant 160 : i32
      %dma_wait3A_380 = arith.constant 0 : i32
      %dma_wait3A_381 = tpu.memref_slice %arg8[%dma_wait3A_379, %dma_wait3A_380] : memref<400x128xf32, #tpu.memory_space<vmem>> -> memref<80x128xf32, #tpu.memory_space<vmem>>
      %dma_wait3A_382 = arith.constant 0 : i32
      %dma_wait3A_383 = arith.constant 0 : i32
      %dma_wait3A_384 = tpu.memref_slice %arg21[%dma_wait3A_382, %dma_wait3A_383] : memref<128x128xf32, #tpu.memory_space<vmem_shared>> -> memref<128x128xf32, #tpu.memory_space<vmem_shared>>
      tpu.wait_indirect_dma semaphore(%run_scoped3A : memref<!tpu.dma_semaphore, #tpu.memory_space<semaphore_mem>>) src(%dma_wait3A_381 : memref<80x128xf32, #tpu.memory_space<vmem>>) dst(%dma_wait3A_384 : memref<128x128xf32, #tpu.memory_space<vmem_shared>>)
      tpu.yield
    }) : () -> ()
    "tpu.region"() ({
      %run_scoped3A = tpu.sem_alloc : memref<!tpu.dma_semaphore, #tpu.memory_space<semaphore_mem>>
      %dma_start3A_373 = arith.constant 0 : i32
      %dma_start3A_374 = arith.constant 0 : i32
      %dma_start3A_375 = tpu.memref_slice %arg22[%dma_start3A_373, %dma_start3A_374] : memref<128x128xf32, #tpu.memory_space<vmem_shared>> -> memref<128x128xf32, #tpu.memory_space<vmem_shared>>
      tpu.enqueue_indirect_dma source(%arg20 : memref<80x128xf32, #tpu.memory_space<vmem>>) target(%dma_start3A_375 : memref<128x128xf32, #tpu.memory_space<vmem_shared>>) offsets(%arg12 : memref<80xi32, #tpu.memory_space<vmem>>) semaphore(%run_scoped3A : memref<!tpu.dma_semaphore, #tpu.memory_space<semaphore_mem>>) {add = true}
      %dma_wait3A_376 = arith.constant 0 : i32
      %dma_wait3A_377 = arith.constant 0 : i32
      %dma_wait3A_378 = tpu.memref_slice %arg22[%dma_wait3A_376, %dma_wait3A_377] : memref<128x128xf32, #tpu.memory_space<vmem_shared>> -> memref<128x128xf32, #tpu.memory_space<vmem_shared>>
      tpu.wait_indirect_dma semaphore(%run_scoped3A : memref<!tpu.dma_semaphore, #tpu.memory_space<semaphore_mem>>) src(%arg20 : memref<80x128xf32, #tpu.memory_space<vmem>>) dst(%dma_wait3A_378 : memref<128x128xf32, #tpu.memory_space<vmem_shared>>)
      tpu.yield
    }) : () -> ()
    "tpu.region"() ({
      %run_scoped3A = tpu.sem_alloc : memref<!tpu.dma_semaphore, #tpu.memory_space<semaphore_mem>>
      %dma_start3A_373 = arith.constant 240 : i32
      %dma_start3A_374 = arith.constant 0 : i32
      %dma_start3A_375 = tpu.memref_slice %arg8[%dma_start3A_373, %dma_start3A_374] : memref<400x128xf32, #tpu.memory_space<vmem>> -> memref<80x128xf32, #tpu.memory_space<vmem>>
      %dma_start3A_376 = arith.constant 0 : i32
      %dma_start3A_377 = arith.constant 0 : i32
      %dma_start3A_378 = tpu.memref_slice %arg21[%dma_start3A_376, %dma_start3A_377] : memref<128x128xf32, #tpu.memory_space<vmem_shared>> -> memref<128x128xf32, #tpu.memory_space<vmem_shared>>
      tpu.enqueue_indirect_dma source(%dma_start3A_375 : memref<80x128xf32, #tpu.memory_space<vmem>>) target(%dma_start3A_378 : memref<128x128xf32, #tpu.memory_space<vmem_shared>>) offsets(%arg13 : memref<80xi32, #tpu.memory_space<vmem>>) semaphore(%run_scoped3A : memref<!tpu.dma_semaphore, #tpu.memory_space<semaphore_mem>>) {add = true}
      %dma_wait3A_379 = arith.constant 240 : i32
      %dma_wait3A_380 = arith.constant 0 : i32
      %dma_wait3A_381 = tpu.memref_slice %arg8[%dma_wait3A_379, %dma_wait3A_380] : memref<400x128xf32, #tpu.memory_space<vmem>> -> memref<80x128xf32, #tpu.memory_space<vmem>>
      %dma_wait3A_382 = arith.constant 0 : i32
      %dma_wait3A_383 = arith.constant 0 : i32
      %dma_wait3A_384 = tpu.memref_slice %arg21[%dma_wait3A_382, %dma_wait3A_383] : memref<128x128xf32, #tpu.memory_space<vmem_shared>> -> memref<128x128xf32, #tpu.memory_space<vmem_shared>>
      tpu.wait_indirect_dma semaphore(%run_scoped3A : memref<!tpu.dma_semaphore, #tpu.memory_space<semaphore_mem>>) src(%dma_wait3A_381 : memref<80x128xf32, #tpu.memory_space<vmem>>) dst(%dma_wait3A_384 : memref<128x128xf32, #tpu.memory_space<vmem_shared>>)
      tpu.yield
    }) : () -> ()
    "tpu.region"() ({
      %run_scoped3A = tpu.sem_alloc : memref<!tpu.dma_semaphore, #tpu.memory_space<semaphore_mem>>
      %dma_start3A_373 = arith.constant 0 : i32
      %dma_start3A_374 = arith.constant 0 : i32
      %dma_start3A_375 = tpu.memref_slice %arg22[%dma_start3A_373, %dma_start3A_374] : memref<128x128xf32, #tpu.memory_space<vmem_shared>> -> memref<128x128xf32, #tpu.memory_space<vmem_shared>>
      tpu.enqueue_indirect_dma source(%arg20 : memref<80x128xf32, #tpu.memory_space<vmem>>) target(%dma_start3A_375 : memref<128x128xf32, #tpu.memory_space<vmem_shared>>) offsets(%arg13 : memref<80xi32, #tpu.memory_space<vmem>>) semaphore(%run_scoped3A : memref<!tpu.dma_semaphore, #tpu.memory_space<semaphore_mem>>) {add = true}
      %dma_wait3A_376 = arith.constant 0 : i32
      %dma_wait3A_377 = arith.constant 0 : i32
      %dma_wait3A_378 = tpu.memref_slice %arg22[%dma_wait3A_376, %dma_wait3A_377] : memref<128x128xf32, #tpu.memory_space<vmem_shared>> -> memref<128x128xf32, #tpu.memory_space<vmem_shared>>
      tpu.wait_indirect_dma semaphore(%run_scoped3A : memref<!tpu.dma_semaphore, #tpu.memory_space<semaphore_mem>>) src(%arg20 : memref<80x128xf32, #tpu.memory_space<vmem>>) dst(%dma_wait3A_378 : memref<128x128xf32, #tpu.memory_space<vmem_shared>>)
      tpu.yield
    }) : () -> ()
    "tpu.region"() ({
      %run_scoped3A = tpu.sem_alloc : memref<!tpu.dma_semaphore, #tpu.memory_space<semaphore_mem>>
      %dma_start3A_373 = arith.constant 320 : i32
      %dma_start3A_374 = arith.constant 0 : i32
      %dma_start3A_375 = tpu.memref_slice %arg8[%dma_start3A_373, %dma_start3A_374] : memref<400x128xf32, #tpu.memory_space<vmem>> -> memref<80x128xf32, #tpu.memory_space<vmem>>
      %dma_start3A_376 = arith.constant 0 : i32
      %dma_start3A_377 = arith.constant 0 : i32
      %dma_start3A_378 = tpu.memref_slice %arg21[%dma_start3A_376, %dma_start3A_377] : memref<128x128xf32, #tpu.memory_space<vmem_shared>> -> memref<128x128xf32, #tpu.memory_space<vmem_shared>>
      tpu.enqueue_indirect_dma source(%dma_start3A_375 : memref<80x128xf32, #tpu.memory_space<vmem>>) target(%dma_start3A_378 : memref<128x128xf32, #tpu.memory_space<vmem_shared>>) offsets(%arg14 : memref<80xi32, #tpu.memory_space<vmem>>) semaphore(%run_scoped3A : memref<!tpu.dma_semaphore, #tpu.memory_space<semaphore_mem>>) {add = true}
      %dma_wait3A_379 = arith.constant 320 : i32
      %dma_wait3A_380 = arith.constant 0 : i32
      %dma_wait3A_381 = tpu.memref_slice %arg8[%dma_wait3A_379, %dma_wait3A_380] : memref<400x128xf32, #tpu.memory_space<vmem>> -> memref<80x128xf32, #tpu.memory_space<vmem>>
      %dma_wait3A_382 = arith.constant 0 : i32
      %dma_wait3A_383 = arith.constant 0 : i32
      %dma_wait3A_384 = tpu.memref_slice %arg21[%dma_wait3A_382, %dma_wait3A_383] : memref<128x128xf32, #tpu.memory_space<vmem_shared>> -> memref<128x128xf32, #tpu.memory_space<vmem_shared>>
      tpu.wait_indirect_dma semaphore(%run_scoped3A : memref<!tpu.dma_semaphore, #tpu.memory_space<semaphore_mem>>) src(%dma_wait3A_381 : memref<80x128xf32, #tpu.memory_space<vmem>>) dst(%dma_wait3A_384 : memref<128x128xf32, #tpu.memory_space<vmem_shared>>)
      tpu.yield
    }) : () -> ()
    "tpu.region"() ({
      %run_scoped3A = tpu.sem_alloc : memref<!tpu.dma_semaphore, #tpu.memory_space<semaphore_mem>>
      %dma_start3A_373 = arith.constant 0 : i32
      %dma_start3A_374 = arith.constant 0 : i32
      %dma_start3A_375 = tpu.memref_slice %arg22[%dma_start3A_373, %dma_start3A_374] : memref<128x128xf32, #tpu.memory_space<vmem_shared>> -> memref<128x128xf32, #tpu.memory_space<vmem_shared>>
      tpu.enqueue_indirect_dma source(%arg20 : memref<80x128xf32, #tpu.memory_space<vmem>>) target(%dma_start3A_375 : memref<128x128xf32, #tpu.memory_space<vmem_shared>>) offsets(%arg14 : memref<80xi32, #tpu.memory_space<vmem>>) semaphore(%run_scoped3A : memref<!tpu.dma_semaphore, #tpu.memory_space<semaphore_mem>>) {add = true}
      %dma_wait3A_376 = arith.constant 0 : i32
      %dma_wait3A_377 = arith.constant 0 : i32
      %dma_wait3A_378 = tpu.memref_slice %arg22[%dma_wait3A_376, %dma_wait3A_377] : memref<128x128xf32, #tpu.memory_space<vmem_shared>> -> memref<128x128xf32, #tpu.memory_space<vmem_shared>>
      tpu.wait_indirect_dma semaphore(%run_scoped3A : memref<!tpu.dma_semaphore, #tpu.memory_space<semaphore_mem>>) src(%arg20 : memref<80x128xf32, #tpu.memory_space<vmem>>) dst(%dma_wait3A_378 : memref<128x128xf32, #tpu.memory_space<vmem_shared>>)
      tpu.yield
    }) : () -> ()
    %lt3A = arith.constant 26 : i32
    %lt3A_363 = arith.cmpi slt, %add3A, %lt3A : i32
    %convert_element_type3A_364 = arith.extui %lt3A_363 : i1 to i32
    %cond3A_365 = arith.constant 0 : i32
    %cond3A_366 = arith.cmpi ne, %convert_element_type3A_364, %cond3A_365 : i32
    scf.if %cond3A_366 {
      %add3A_373 = arith.constant 224 : i32
      %add3A_374 = arith.addi %add3A_373, %add3A : i32
      %mul3A_375 = arith.constant 400 : i32
      %mul3A_376 = arith.muli %add3A_374, %mul3A_375 : i32
      "tpu.region"() ({
        %run_scoped3A = tpu.sem_alloc : memref<!tpu.dma_semaphore, #tpu.memory_space<semaphore_mem>>
        %dma_start3A_397 = arith.constant 0 : i32
        %dma_start3A_398 = tpu.memref_slice %arg2[%mul3A_376, %dma_start3A_397] : memref<100000x128xf32, #tpu.memory_space<hbm>> -> memref<400x128xf32, #tpu.memory_space<hbm>>
        %dma_start3A_399 = arith.constant 0 : i32
        %dma_start3A_400 = tpu.memref_slice %arg2[%mul3A_376, %dma_start3A_399] : memref<100000x128xf32, #tpu.memory_space<hbm>> -> memref<400x128xf32, #tpu.memory_space<hbm>>
        tpu.enqueue_dma source(%dma_start3A_400 : memref<400x128xf32, #tpu.memory_space<hbm>>) target(%arg8 : memref<400x128xf32, #tpu.memory_space<vmem>>) target_semaphore(%run_scoped3A : memref<!tpu.dma_semaphore, #tpu.memory_space<semaphore_mem>>)
        %dma_wait3A_401 = arith.constant 0 : i32
        %dma_wait3A_402 = tpu.memref_slice %arg2[%mul3A_376, %dma_wait3A_401] : memref<100000x128xf32, #tpu.memory_space<hbm>> -> memref<400x128xf32, #tpu.memory_space<hbm>>
        %dma_wait3A_403 = arith.constant 0 : i32
        %dma_wait3A_404 = tpu.memref_slice %arg2[%mul3A_376, %dma_wait3A_403] : memref<100000x128xf32, #tpu.memory_space<hbm>> -> memref<400x128xf32, #tpu.memory_space<hbm>>
        tpu.wait_dma2 semaphore(%run_scoped3A : memref<!tpu.dma_semaphore, #tpu.memory_space<semaphore_mem>>) src(%dma_wait3A_404 : memref<400x128xf32, #tpu.memory_space<hbm>>) dst(%arg8 : memref<400x128xf32, #tpu.memory_space<vmem>>)
        tpu.yield
      }) : () -> ()
      %mul3A_377 = arith.constant 400 : i32
      %mul3A_378 = arith.muli %add3A_374, %mul3A_377 : i32
      %add3A_379 = arith.constant 0 : i32
      %add3A_380 = arith.addi %mul3A_378, %add3A_379 : i32
      "tpu.region"() ({
        %run_scoped3A = tpu.sem_alloc : memref<!tpu.dma_semaphore, #tpu.memory_space<semaphore_mem>>
        %dma_start3A_397 = tpu.memref_slice %arg3[%add3A_380] : memref<100000xi32, #tpu.memory_space<hbm>> -> memref<80xi32, #tpu.memory_space<hbm>>
        %dma_start3A_398 = tpu.memref_slice %arg3[%add3A_380] : memref<100000xi32, #tpu.memory_space<hbm>> -> memref<80xi32, #tpu.memory_space<hbm>>
        tpu.enqueue_dma source(%dma_start3A_398 : memref<80xi32, #tpu.memory_space<hbm>>) target(%arg10 : memref<80xi32, #tpu.memory_space<vmem>>) target_semaphore(%run_scoped3A : memref<!tpu.dma_semaphore, #tpu.memory_space<semaphore_mem>>)
        %dma_wait3A_399 = tpu.memref_slice %arg3[%add3A_380] : memref<100000xi32, #tpu.memory_space<hbm>> -> memref<80xi32, #tpu.memory_space<hbm>>
        %dma_wait3A_400 = tpu.memref_slice %arg3[%add3A_380] : memref<100000xi32, #tpu.memory_space<hbm>> -> memref<80xi32, #tpu.memory_space<hbm>>
        tpu.wait_dma2 semaphore(%run_scoped3A : memref<!tpu.dma_semaphore, #tpu.memory_space<semaphore_mem>>) src(%dma_wait3A_400 : memref<80xi32, #tpu.memory_space<hbm>>) dst(%arg10 : memref<80xi32, #tpu.memory_space<vmem>>)
        tpu.yield
      }) : () -> ()
      %mul3A_381 = arith.constant 400 : i32
      %mul3A_382 = arith.muli %add3A_374, %mul3A_381 : i32
      %add3A_383 = arith.constant 80 : i32
      %add3A_384 = arith.addi %mul3A_382, %add3A_383 : i32
      "tpu.region"() ({
        %run_scoped3A = tpu.sem_alloc : memref<!tpu.dma_semaphore, #tpu.memory_space<semaphore_mem>>
        %dma_start3A_397 = tpu.memref_slice %arg3[%add3A_384] : memref<100000xi32, #tpu.memory_space<hbm>> -> memref<80xi32, #tpu.memory_space<hbm>>
        %dma_start3A_398 = tpu.memref_slice %arg3[%add3A_384] : memref<100000xi32, #tpu.memory_space<hbm>> -> memref<80xi32, #tpu.memory_space<hbm>>
        tpu.enqueue_dma source(%dma_start3A_398 : memref<80xi32, #tpu.memory_space<hbm>>) target(%arg11 : memref<80xi32, #tpu.memory_space<vmem>>) target_semaphore(%run_scoped3A : memref<!tpu.dma_semaphore, #tpu.memory_space<semaphore_mem>>)
        %dma_wait3A_399 = tpu.memref_slice %arg3[%add3A_384] : memref<100000xi32, #tpu.memory_space<hbm>> -> memref<80xi32, #tpu.memory_space<hbm>>
        %dma_wait3A_400 = tpu.memref_slice %arg3[%add3A_384] : memref<100000xi32, #tpu.memory_space<hbm>> -> memref<80xi32, #tpu.memory_space<hbm>>
        tpu.wait_dma2 semaphore(%run_scoped3A : memref<!tpu.dma_semaphore, #tpu.memory_space<semaphore_mem>>) src(%dma_wait3A_400 : memref<80xi32, #tpu.memory_space<hbm>>) dst(%arg11 : memref<80xi32, #tpu.memory_space<vmem>>)
        tpu.yield
      }) : () -> ()
      %mul3A_385 = arith.constant 400 : i32
      %mul3A_386 = arith.muli %add3A_374, %mul3A_385 : i32
      %add3A_387 = arith.constant 160 : i32
      %add3A_388 = arith.addi %mul3A_386, %add3A_387 : i32
      "tpu.region"() ({
        %run_scoped3A = tpu.sem_alloc : memref<!tpu.dma_semaphore, #tpu.memory_space<semaphore_mem>>
        %dma_start3A_397 = tpu.memref_slice %arg3[%add3A_388] : memref<100000xi32, #tpu.memory_space<hbm>> -> memref<80xi32, #tpu.memory_space<hbm>>
        %dma_start3A_398 = tpu.memref_slice %arg3[%add3A_388] : memref<100000xi32, #tpu.memory_space<hbm>> -> memref<80xi32, #tpu.memory_space<hbm>>
        tpu.enqueue_dma source(%dma_start3A_398 : memref<80xi32, #tpu.memory_space<hbm>>) target(%arg12 : memref<80xi32, #tpu.memory_space<vmem>>) target_semaphore(%run_scoped3A : memref<!tpu.dma_semaphore, #tpu.memory_space<semaphore_mem>>)
        %dma_wait3A_399 = tpu.memref_slice %arg3[%add3A_388] : memref<100000xi32, #tpu.memory_space<hbm>> -> memref<80xi32, #tpu.memory_space<hbm>>
        %dma_wait3A_400 = tpu.memref_slice %arg3[%add3A_388] : memref<100000xi32, #tpu.memory_space<hbm>> -> memref<80xi32, #tpu.memory_space<hbm>>
        tpu.wait_dma2 semaphore(%run_scoped3A : memref<!tpu.dma_semaphore, #tpu.memory_space<semaphore_mem>>) src(%dma_wait3A_400 : memref<80xi32, #tpu.memory_space<hbm>>) dst(%arg12 : memref<80xi32, #tpu.memory_space<vmem>>)
        tpu.yield
      }) : () -> ()
      %mul3A_389 = arith.constant 400 : i32
      %mul3A_390 = arith.muli %add3A_374, %mul3A_389 : i32
      %add3A_391 = arith.constant 240 : i32
      %add3A_392 = arith.addi %mul3A_390, %add3A_391 : i32
      "tpu.region"() ({
        %run_scoped3A = tpu.sem_alloc : memref<!tpu.dma_semaphore, #tpu.memory_space<semaphore_mem>>
        %dma_start3A_397 = tpu.memref_slice %arg3[%add3A_392] : memref<100000xi32, #tpu.memory_space<hbm>> -> memref<80xi32, #tpu.memory_space<hbm>>
        %dma_start3A_398 = tpu.memref_slice %arg3[%add3A_392] : memref<100000xi32, #tpu.memory_space<hbm>> -> memref<80xi32, #tpu.memory_space<hbm>>
        tpu.enqueue_dma source(%dma_start3A_398 : memref<80xi32, #tpu.memory_space<hbm>>) target(%arg13 : memref<80xi32, #tpu.memory_space<vmem>>) target_semaphore(%run_scoped3A : memref<!tpu.dma_semaphore, #tpu.memory_space<semaphore_mem>>)
        %dma_wait3A_399 = tpu.memref_slice %arg3[%add3A_392] : memref<100000xi32, #tpu.memory_space<hbm>> -> memref<80xi32, #tpu.memory_space<hbm>>
        %dma_wait3A_400 = tpu.memref_slice %arg3[%add3A_392] : memref<100000xi32, #tpu.memory_space<hbm>> -> memref<80xi32, #tpu.memory_space<hbm>>
        tpu.wait_dma2 semaphore(%run_scoped3A : memref<!tpu.dma_semaphore, #tpu.memory_space<semaphore_mem>>) src(%dma_wait3A_400 : memref<80xi32, #tpu.memory_space<hbm>>) dst(%arg13 : memref<80xi32, #tpu.memory_space<vmem>>)
        tpu.yield
      }) : () -> ()
      %mul3A_393 = arith.constant 400 : i32
      %mul3A_394 = arith.muli %add3A_374, %mul3A_393 : i32
      %add3A_395 = arith.constant 320 : i32
      %add3A_396 = arith.addi %mul3A_394, %add3A_395 : i32
      "tpu.region"() ({
        %run_scoped3A = tpu.sem_alloc : memref<!tpu.dma_semaphore, #tpu.memory_space<semaphore_mem>>
        %dma_start3A_397 = tpu.memref_slice %arg3[%add3A_396] : memref<100000xi32, #tpu.memory_space<hbm>> -> memref<80xi32, #tpu.memory_space<hbm>>
        %dma_start3A_398 = tpu.memref_slice %arg3[%add3A_396] : memref<100000xi32, #tpu.memory_space<hbm>> -> memref<80xi32, #tpu.memory_space<hbm>>
        tpu.enqueue_dma source(%dma_start3A_398 : memref<80xi32, #tpu.memory_space<hbm>>) target(%arg14 : memref<80xi32, #tpu.memory_space<vmem>>) target_semaphore(%run_scoped3A : memref<!tpu.dma_semaphore, #tpu.memory_space<semaphore_mem>>)
        %dma_wait3A_399 = tpu.memref_slice %arg3[%add3A_396] : memref<100000xi32, #tpu.memory_space<hbm>> -> memref<80xi32, #tpu.memory_space<hbm>>
        %dma_wait3A_400 = tpu.memref_slice %arg3[%add3A_396] : memref<100000xi32, #tpu.memory_space<hbm>> -> memref<80xi32, #tpu.memory_space<hbm>>
        tpu.wait_dma2 semaphore(%run_scoped3A : memref<!tpu.dma_semaphore, #tpu.memory_space<semaphore_mem>>) src(%dma_wait3A_400 : memref<80xi32, #tpu.memory_space<hbm>>) dst(%arg14 : memref<80xi32, #tpu.memory_space<vmem>>)
        tpu.yield
      }) : () -> ()
      "tpu.region"() ({
        %run_scoped3A = tpu.sem_alloc : memref<!tpu.dma_semaphore, #tpu.memory_space<semaphore_mem>>
        %dma_start3A_397 = arith.constant 0 : i32
        %dma_start3A_398 = arith.constant 0 : i32
        %dma_start3A_399 = tpu.memref_slice %arg8[%dma_start3A_397, %dma_start3A_398] : memref<400x128xf32, #tpu.memory_space<vmem>> -> memref<80x128xf32, #tpu.memory_space<vmem>>
        %dma_start3A_400 = arith.constant 0 : i32
        %dma_start3A_401 = arith.constant 0 : i32
        %dma_start3A_402 = tpu.memref_slice %arg21[%dma_start3A_400, %dma_start3A_401] : memref<128x128xf32, #tpu.memory_space<vmem_shared>> -> memref<128x128xf32, #tpu.memory_space<vmem_shared>>
        tpu.enqueue_indirect_dma source(%dma_start3A_399 : memref<80x128xf32, #tpu.memory_space<vmem>>) target(%dma_start3A_402 : memref<128x128xf32, #tpu.memory_space<vmem_shared>>) offsets(%arg10 : memref<80xi32, #tpu.memory_space<vmem>>) semaphore(%run_scoped3A : memref<!tpu.dma_semaphore, #tpu.memory_space<semaphore_mem>>) {add = true}
        %dma_wait3A_403 = arith.constant 0 : i32
        %dma_wait3A_404 = arith.constant 0 : i32
        %dma_wait3A_405 = tpu.memref_slice %arg8[%dma_wait3A_403, %dma_wait3A_404] : memref<400x128xf32, #tpu.memory_space<vmem>> -> memref<80x128xf32, #tpu.memory_space<vmem>>
        %dma_wait3A_406 = arith.constant 0 : i32
        %dma_wait3A_407 = arith.constant 0 : i32
        %dma_wait3A_408 = tpu.memref_slice %arg21[%dma_wait3A_406, %dma_wait3A_407] : memref<128x128xf32, #tpu.memory_space<vmem_shared>> -> memref<128x128xf32, #tpu.memory_space<vmem_shared>>
        tpu.wait_indirect_dma semaphore(%run_scoped3A : memref<!tpu.dma_semaphore, #tpu.memory_space<semaphore_mem>>) src(%dma_wait3A_405 : memref<80x128xf32, #tpu.memory_space<vmem>>) dst(%dma_wait3A_408 : memref<128x128xf32, #tpu.memory_space<vmem_shared>>)
        tpu.yield
      }) : () -> ()
      "tpu.region"() ({
        %run_scoped3A = tpu.sem_alloc : memref<!tpu.dma_semaphore, #tpu.memory_space<semaphore_mem>>
        %dma_start3A_397 = arith.constant 0 : i32
        %dma_start3A_398 = arith.constant 0 : i32
        %dma_start3A_399 = tpu.memref_slice %arg22[%dma_start3A_397, %dma_start3A_398] : memref<128x128xf32, #tpu.memory_space<vmem_shared>> -> memref<128x128xf32, #tpu.memory_space<vmem_shared>>
        tpu.enqueue_indirect_dma source(%arg20 : memref<80x128xf32, #tpu.memory_space<vmem>>) target(%dma_start3A_399 : memref<128x128xf32, #tpu.memory_space<vmem_shared>>) offsets(%arg10 : memref<80xi32, #tpu.memory_space<vmem>>) semaphore(%run_scoped3A : memref<!tpu.dma_semaphore, #tpu.memory_space<semaphore_mem>>) {add = true}
        %dma_wait3A_400 = arith.constant 0 : i32
        %dma_wait3A_401 = arith.constant 0 : i32
        %dma_wait3A_402 = tpu.memref_slice %arg22[%dma_wait3A_400, %dma_wait3A_401] : memref<128x128xf32, #tpu.memory_space<vmem_shared>> -> memref<128x128xf32, #tpu.memory_space<vmem_shared>>
        tpu.wait_indirect_dma semaphore(%run_scoped3A : memref<!tpu.dma_semaphore, #tpu.memory_space<semaphore_mem>>) src(%arg20 : memref<80x128xf32, #tpu.memory_space<vmem>>) dst(%dma_wait3A_402 : memref<128x128xf32, #tpu.memory_space<vmem_shared>>)
        tpu.yield
      }) : () -> ()
      "tpu.region"() ({
        %run_scoped3A = tpu.sem_alloc : memref<!tpu.dma_semaphore, #tpu.memory_space<semaphore_mem>>
        %dma_start3A_397 = arith.constant 80 : i32
        %dma_start3A_398 = arith.constant 0 : i32
        %dma_start3A_399 = tpu.memref_slice %arg8[%dma_start3A_397, %dma_start3A_398] : memref<400x128xf32, #tpu.memory_space<vmem>> -> memref<80x128xf32, #tpu.memory_space<vmem>>
        %dma_start3A_400 = arith.constant 0 : i32
        %dma_start3A_401 = arith.constant 0 : i32
        %dma_start3A_402 = tpu.memref_slice %arg21[%dma_start3A_400, %dma_start3A_401] : memref<128x128xf32, #tpu.memory_space<vmem_shared>> -> memref<128x128xf32, #tpu.memory_space<vmem_shared>>
        tpu.enqueue_indirect_dma source(%dma_start3A_399 : memref<80x128xf32, #tpu.memory_space<vmem>>) target(%dma_start3A_402 : memref<128x128xf32, #tpu.memory_space<vmem_shared>>) offsets(%arg11 : memref<80xi32, #tpu.memory_space<vmem>>) semaphore(%run_scoped3A : memref<!tpu.dma_semaphore, #tpu.memory_space<semaphore_mem>>) {add = true}
        %dma_wait3A_403 = arith.constant 80 : i32
        %dma_wait3A_404 = arith.constant 0 : i32
        %dma_wait3A_405 = tpu.memref_slice %arg8[%dma_wait3A_403, %dma_wait3A_404] : memref<400x128xf32, #tpu.memory_space<vmem>> -> memref<80x128xf32, #tpu.memory_space<vmem>>
        %dma_wait3A_406 = arith.constant 0 : i32
        %dma_wait3A_407 = arith.constant 0 : i32
        %dma_wait3A_408 = tpu.memref_slice %arg21[%dma_wait3A_406, %dma_wait3A_407] : memref<128x128xf32, #tpu.memory_space<vmem_shared>> -> memref<128x128xf32, #tpu.memory_space<vmem_shared>>
        tpu.wait_indirect_dma semaphore(%run_scoped3A : memref<!tpu.dma_semaphore, #tpu.memory_space<semaphore_mem>>) src(%dma_wait3A_405 : memref<80x128xf32, #tpu.memory_space<vmem>>) dst(%dma_wait3A_408 : memref<128x128xf32, #tpu.memory_space<vmem_shared>>)
        tpu.yield
      }) : () -> ()
      "tpu.region"() ({
        %run_scoped3A = tpu.sem_alloc : memref<!tpu.dma_semaphore, #tpu.memory_space<semaphore_mem>>
        %dma_start3A_397 = arith.constant 0 : i32
        %dma_start3A_398 = arith.constant 0 : i32
        %dma_start3A_399 = tpu.memref_slice %arg22[%dma_start3A_397, %dma_start3A_398] : memref<128x128xf32, #tpu.memory_space<vmem_shared>> -> memref<128x128xf32, #tpu.memory_space<vmem_shared>>
        tpu.enqueue_indirect_dma source(%arg20 : memref<80x128xf32, #tpu.memory_space<vmem>>) target(%dma_start3A_399 : memref<128x128xf32, #tpu.memory_space<vmem_shared>>) offsets(%arg11 : memref<80xi32, #tpu.memory_space<vmem>>) semaphore(%run_scoped3A : memref<!tpu.dma_semaphore, #tpu.memory_space<semaphore_mem>>) {add = true}
        %dma_wait3A_400 = arith.constant 0 : i32
        %dma_wait3A_401 = arith.constant 0 : i32
        %dma_wait3A_402 = tpu.memref_slice %arg22[%dma_wait3A_400, %dma_wait3A_401] : memref<128x128xf32, #tpu.memory_space<vmem_shared>> -> memref<128x128xf32, #tpu.memory_space<vmem_shared>>
        tpu.wait_indirect_dma semaphore(%run_scoped3A : memref<!tpu.dma_semaphore, #tpu.memory_space<semaphore_mem>>) src(%arg20 : memref<80x128xf32, #tpu.memory_space<vmem>>) dst(%dma_wait3A_402 : memref<128x128xf32, #tpu.memory_space<vmem_shared>>)
        tpu.yield
      }) : () -> ()
      "tpu.region"() ({
        %run_scoped3A = tpu.sem_alloc : memref<!tpu.dma_semaphore, #tpu.memory_space<semaphore_mem>>
        %dma_start3A_397 = arith.constant 160 : i32
        %dma_start3A_398 = arith.constant 0 : i32
        %dma_start3A_399 = tpu.memref_slice %arg8[%dma_start3A_397, %dma_start3A_398] : memref<400x128xf32, #tpu.memory_space<vmem>> -> memref<80x128xf32, #tpu.memory_space<vmem>>
        %dma_start3A_400 = arith.constant 0 : i32
        %dma_start3A_401 = arith.constant 0 : i32
        %dma_start3A_402 = tpu.memref_slice %arg21[%dma_start3A_400, %dma_start3A_401] : memref<128x128xf32, #tpu.memory_space<vmem_shared>> -> memref<128x128xf32, #tpu.memory_space<vmem_shared>>
        tpu.enqueue_indirect_dma source(%dma_start3A_399 : memref<80x128xf32, #tpu.memory_space<vmem>>) target(%dma_start3A_402 : memref<128x128xf32, #tpu.memory_space<vmem_shared>>) offsets(%arg12 : memref<80xi32, #tpu.memory_space<vmem>>) semaphore(%run_scoped3A : memref<!tpu.dma_semaphore, #tpu.memory_space<semaphore_mem>>) {add = true}
        %dma_wait3A_403 = arith.constant 160 : i32
        %dma_wait3A_404 = arith.constant 0 : i32
        %dma_wait3A_405 = tpu.memref_slice %arg8[%dma_wait3A_403, %dma_wait3A_404] : memref<400x128xf32, #tpu.memory_space<vmem>> -> memref<80x128xf32, #tpu.memory_space<vmem>>
        %dma_wait3A_406 = arith.constant 0 : i32
        %dma_wait3A_407 = arith.constant 0 : i32
        %dma_wait3A_408 = tpu.memref_slice %arg21[%dma_wait3A_406, %dma_wait3A_407] : memref<128x128xf32, #tpu.memory_space<vmem_shared>> -> memref<128x128xf32, #tpu.memory_space<vmem_shared>>
        tpu.wait_indirect_dma semaphore(%run_scoped3A : memref<!tpu.dma_semaphore, #tpu.memory_space<semaphore_mem>>) src(%dma_wait3A_405 : memref<80x128xf32, #tpu.memory_space<vmem>>) dst(%dma_wait3A_408 : memref<128x128xf32, #tpu.memory_space<vmem_shared>>)
        tpu.yield
      }) : () -> ()
      "tpu.region"() ({
        %run_scoped3A = tpu.sem_alloc : memref<!tpu.dma_semaphore, #tpu.memory_space<semaphore_mem>>
        %dma_start3A_397 = arith.constant 0 : i32
        %dma_start3A_398 = arith.constant 0 : i32
        %dma_start3A_399 = tpu.memref_slice %arg22[%dma_start3A_397, %dma_start3A_398] : memref<128x128xf32, #tpu.memory_space<vmem_shared>> -> memref<128x128xf32, #tpu.memory_space<vmem_shared>>
        tpu.enqueue_indirect_dma source(%arg20 : memref<80x128xf32, #tpu.memory_space<vmem>>) target(%dma_start3A_399 : memref<128x128xf32, #tpu.memory_space<vmem_shared>>) offsets(%arg12 : memref<80xi32, #tpu.memory_space<vmem>>) semaphore(%run_scoped3A : memref<!tpu.dma_semaphore, #tpu.memory_space<semaphore_mem>>) {add = true}
        %dma_wait3A_400 = arith.constant 0 : i32
        %dma_wait3A_401 = arith.constant 0 : i32
        %dma_wait3A_402 = tpu.memref_slice %arg22[%dma_wait3A_400, %dma_wait3A_401] : memref<128x128xf32, #tpu.memory_space<vmem_shared>> -> memref<128x128xf32, #tpu.memory_space<vmem_shared>>
        tpu.wait_indirect_dma semaphore(%run_scoped3A : memref<!tpu.dma_semaphore, #tpu.memory_space<semaphore_mem>>) src(%arg20 : memref<80x128xf32, #tpu.memory_space<vmem>>) dst(%dma_wait3A_402 : memref<128x128xf32, #tpu.memory_space<vmem_shared>>)
        tpu.yield
      }) : () -> ()
      "tpu.region"() ({
        %run_scoped3A = tpu.sem_alloc : memref<!tpu.dma_semaphore, #tpu.memory_space<semaphore_mem>>
        %dma_start3A_397 = arith.constant 240 : i32
        %dma_start3A_398 = arith.constant 0 : i32
        %dma_start3A_399 = tpu.memref_slice %arg8[%dma_start3A_397, %dma_start3A_398] : memref<400x128xf32, #tpu.memory_space<vmem>> -> memref<80x128xf32, #tpu.memory_space<vmem>>
        %dma_start3A_400 = arith.constant 0 : i32
        %dma_start3A_401 = arith.constant 0 : i32
        %dma_start3A_402 = tpu.memref_slice %arg21[%dma_start3A_400, %dma_start3A_401] : memref<128x128xf32, #tpu.memory_space<vmem_shared>> -> memref<128x128xf32, #tpu.memory_space<vmem_shared>>
        tpu.enqueue_indirect_dma source(%dma_start3A_399 : memref<80x128xf32, #tpu.memory_space<vmem>>) target(%dma_start3A_402 : memref<128x128xf32, #tpu.memory_space<vmem_shared>>) offsets(%arg13 : memref<80xi32, #tpu.memory_space<vmem>>) semaphore(%run_scoped3A : memref<!tpu.dma_semaphore, #tpu.memory_space<semaphore_mem>>) {add = true}
        %dma_wait3A_403 = arith.constant 240 : i32
        %dma_wait3A_404 = arith.constant 0 : i32
        %dma_wait3A_405 = tpu.memref_slice %arg8[%dma_wait3A_403, %dma_wait3A_404] : memref<400x128xf32, #tpu.memory_space<vmem>> -> memref<80x128xf32, #tpu.memory_space<vmem>>
        %dma_wait3A_406 = arith.constant 0 : i32
        %dma_wait3A_407 = arith.constant 0 : i32
        %dma_wait3A_408 = tpu.memref_slice %arg21[%dma_wait3A_406, %dma_wait3A_407] : memref<128x128xf32, #tpu.memory_space<vmem_shared>> -> memref<128x128xf32, #tpu.memory_space<vmem_shared>>
        tpu.wait_indirect_dma semaphore(%run_scoped3A : memref<!tpu.dma_semaphore, #tpu.memory_space<semaphore_mem>>) src(%dma_wait3A_405 : memref<80x128xf32, #tpu.memory_space<vmem>>) dst(%dma_wait3A_408 : memref<128x128xf32, #tpu.memory_space<vmem_shared>>)
        tpu.yield
      }) : () -> ()
      "tpu.region"() ({
        %run_scoped3A = tpu.sem_alloc : memref<!tpu.dma_semaphore, #tpu.memory_space<semaphore_mem>>
        %dma_start3A_397 = arith.constant 0 : i32
        %dma_start3A_398 = arith.constant 0 : i32
        %dma_start3A_399 = tpu.memref_slice %arg22[%dma_start3A_397, %dma_start3A_398] : memref<128x128xf32, #tpu.memory_space<vmem_shared>> -> memref<128x128xf32, #tpu.memory_space<vmem_shared>>
        tpu.enqueue_indirect_dma source(%arg20 : memref<80x128xf32, #tpu.memory_space<vmem>>) target(%dma_start3A_399 : memref<128x128xf32, #tpu.memory_space<vmem_shared>>) offsets(%arg13 : memref<80xi32, #tpu.memory_space<vmem>>) semaphore(%run_scoped3A : memref<!tpu.dma_semaphore, #tpu.memory_space<semaphore_mem>>) {add = true}
        %dma_wait3A_400 = arith.constant 0 : i32
        %dma_wait3A_401 = arith.constant 0 : i32
        %dma_wait3A_402 = tpu.memref_slice %arg22[%dma_wait3A_400, %dma_wait3A_401] : memref<128x128xf32, #tpu.memory_space<vmem_shared>> -> memref<128x128xf32, #tpu.memory_space<vmem_shared>>
        tpu.wait_indirect_dma semaphore(%run_scoped3A : memref<!tpu.dma_semaphore, #tpu.memory_space<semaphore_mem>>) src(%arg20 : memref<80x128xf32, #tpu.memory_space<vmem>>) dst(%dma_wait3A_402 : memref<128x128xf32, #tpu.memory_space<vmem_shared>>)
        tpu.yield
      }) : () -> ()
      "tpu.region"() ({
        %run_scoped3A = tpu.sem_alloc : memref<!tpu.dma_semaphore, #tpu.memory_space<semaphore_mem>>
        %dma_start3A_397 = arith.constant 320 : i32
        %dma_start3A_398 = arith.constant 0 : i32
        %dma_start3A_399 = tpu.memref_slice %arg8[%dma_start3A_397, %dma_start3A_398] : memref<400x128xf32, #tpu.memory_space<vmem>> -> memref<80x128xf32, #tpu.memory_space<vmem>>
        %dma_start3A_400 = arith.constant 0 : i32
        %dma_start3A_401 = arith.constant 0 : i32
        %dma_start3A_402 = tpu.memref_slice %arg21[%dma_start3A_400, %dma_start3A_401] : memref<128x128xf32, #tpu.memory_space<vmem_shared>> -> memref<128x128xf32, #tpu.memory_space<vmem_shared>>
        tpu.enqueue_indirect_dma source(%dma_start3A_399 : memref<80x128xf32, #tpu.memory_space<vmem>>) target(%dma_start3A_402 : memref<128x128xf32, #tpu.memory_space<vmem_shared>>) offsets(%arg14 : memref<80xi32, #tpu.memory_space<vmem>>) semaphore(%run_scoped3A : memref<!tpu.dma_semaphore, #tpu.memory_space<semaphore_mem>>) {add = true}
        %dma_wait3A_403 = arith.constant 320 : i32
        %dma_wait3A_404 = arith.constant 0 : i32
        %dma_wait3A_405 = tpu.memref_slice %arg8[%dma_wait3A_403, %dma_wait3A_404] : memref<400x128xf32, #tpu.memory_space<vmem>> -> memref<80x128xf32, #tpu.memory_space<vmem>>
        %dma_wait3A_406 = arith.constant 0 : i32
        %dma_wait3A_407 = arith.constant 0 : i32
        %dma_wait3A_408 = tpu.memref_slice %arg21[%dma_wait3A_406, %dma_wait3A_407] : memref<128x128xf32, #tpu.memory_space<vmem_shared>> -> memref<128x128xf32, #tpu.memory_space<vmem_shared>>
        tpu.wait_indirect_dma semaphore(%run_scoped3A : memref<!tpu.dma_semaphore, #tpu.memory_space<semaphore_mem>>) src(%dma_wait3A_405 : memref<80x128xf32, #tpu.memory_space<vmem>>) dst(%dma_wait3A_408 : memref<128x128xf32, #tpu.memory_space<vmem_shared>>)
        tpu.yield
      }) : () -> ()
      "tpu.region"() ({
        %run_scoped3A = tpu.sem_alloc : memref<!tpu.dma_semaphore, #tpu.memory_space<semaphore_mem>>
        %dma_start3A_397 = arith.constant 0 : i32
        %dma_start3A_398 = arith.constant 0 : i32
        %dma_start3A_399 = tpu.memref_slice %arg22[%dma_start3A_397, %dma_start3A_398] : memref<128x128xf32, #tpu.memory_space<vmem_shared>> -> memref<128x128xf32, #tpu.memory_space<vmem_shared>>
        tpu.enqueue_indirect_dma source(%arg20 : memref<80x128xf32, #tpu.memory_space<vmem>>) target(%dma_start3A_399 : memref<128x128xf32, #tpu.memory_space<vmem_shared>>) offsets(%arg14 : memref<80xi32, #tpu.memory_space<vmem>>) semaphore(%run_scoped3A : memref<!tpu.dma_semaphore, #tpu.memory_space<semaphore_mem>>) {add = true}
        %dma_wait3A_400 = arith.constant 0 : i32
        %dma_wait3A_401 = arith.constant 0 : i32
        %dma_wait3A_402 = tpu.memref_slice %arg22[%dma_wait3A_400, %dma_wait3A_401] : memref<128x128xf32, #tpu.memory_space<vmem_shared>> -> memref<128x128xf32, #tpu.memory_space<vmem_shared>>
        tpu.wait_indirect_dma semaphore(%run_scoped3A : memref<!tpu.dma_semaphore, #tpu.memory_space<semaphore_mem>>) src(%arg20 : memref<80x128xf32, #tpu.memory_space<vmem>>) dst(%dma_wait3A_402 : memref<128x128xf32, #tpu.memory_space<vmem_shared>>)
        tpu.yield
      }) : () -> ()
    } else {
    }
    %barrier3A_367 = arith.constant 0 : index
    tpu.barrier barrier_id(%barrier3A_367)
    %eq3A_368 = arith.constant 0 : i32
    %eq3A_369 = arith.cmpi eq, %arg1, %eq3A_368 : i32
    %convert_element_type3A_370 = arith.extui %eq3A_369 : i1 to i32
    %cond3A_371 = arith.constant 0 : i32
    %cond3A_372 = arith.cmpi ne, %convert_element_type3A_370, %cond3A_371 : i32
    scf.if %cond3A_372 {
      "tpu.region"() ({
        %run_scoped3A = tpu.sem_alloc : memref<!tpu.dma_semaphore, #tpu.memory_space<semaphore_mem>>
        %dma_start3A_373 = arith.constant 0 : i32
        %dma_start3A_374 = arith.constant 0 : i32
        %dma_start3A_375 = tpu.memref_slice %arg6[%arg0, %dma_start3A_373, %dma_start3A_374] : memref<2x128x128xf32, #tpu.memory_space<hbm>> -> memref<1x128x128xf32, #tpu.memory_space<hbm>>
        %dma_start3A_376 = tpu.memref_squeeze %dma_start3A_375 : memref<1x128x128xf32, #tpu.memory_space<hbm>> -> memref<128x128xf32, #tpu.memory_space<hbm>>
        tpu.enqueue_dma source(%arg21 : memref<128x128xf32, #tpu.memory_space<vmem_shared>>) target(%dma_start3A_376 : memref<128x128xf32, #tpu.memory_space<hbm>>) target_semaphore(%run_scoped3A : memref<!tpu.dma_semaphore, #tpu.memory_space<semaphore_mem>>)
        %dma_wait3A_377 = arith.constant 0 : i32
        %dma_wait3A_378 = arith.constant 0 : i32
        %dma_wait3A_379 = tpu.memref_slice %arg6[%arg0, %dma_wait3A_377, %dma_wait3A_378] : memref<2x128x128xf32, #tpu.memory_space<hbm>> -> memref<1x128x128xf32, #tpu.memory_space<hbm>>
        %dma_wait3A_380 = tpu.memref_squeeze %dma_wait3A_379 : memref<1x128x128xf32, #tpu.memory_space<hbm>> -> memref<128x128xf32, #tpu.memory_space<hbm>>
        tpu.wait_dma2 semaphore(%run_scoped3A : memref<!tpu.dma_semaphore, #tpu.memory_space<semaphore_mem>>) src(%arg21 : memref<128x128xf32, #tpu.memory_space<vmem_shared>>) dst(%dma_wait3A_380 : memref<128x128xf32, #tpu.memory_space<hbm>>)
        tpu.yield
      }) : () -> ()
      "tpu.region"() ({
        %run_scoped3A = tpu.sem_alloc : memref<!tpu.dma_semaphore, #tpu.memory_space<semaphore_mem>>
        %dma_start3A_373 = arith.constant 0 : i32
        %dma_start3A_374 = arith.constant 0 : i32
        %dma_start3A_375 = tpu.memref_slice %arg7[%arg0, %dma_start3A_373, %dma_start3A_374] : memref<2x128x128xf32, #tpu.memory_space<hbm>> -> memref<1x128x128xf32, #tpu.memory_space<hbm>>
        %dma_start3A_376 = tpu.memref_squeeze %dma_start3A_375 : memref<1x128x128xf32, #tpu.memory_space<hbm>> -> memref<128x128xf32, #tpu.memory_space<hbm>>
        tpu.enqueue_dma source(%arg22 : memref<128x128xf32, #tpu.memory_space<vmem_shared>>) target(%dma_start3A_376 : memref<128x128xf32, #tpu.memory_space<hbm>>) target_semaphore(%run_scoped3A : memref<!tpu.dma_semaphore, #tpu.memory_space<semaphore_mem>>)
        %dma_wait3A_377 = arith.constant 0 : i32
        %dma_wait3A_378 = arith.constant 0 : i32
        %dma_wait3A_379 = tpu.memref_slice %arg7[%arg0, %dma_wait3A_377, %dma_wait3A_378] : memref<2x128x128xf32, #tpu.memory_space<hbm>> -> memref<1x128x128xf32, #tpu.memory_space<hbm>>
        %dma_wait3A_380 = tpu.memref_squeeze %dma_wait3A_379 : memref<1x128x128xf32, #tpu.memory_space<hbm>> -> memref<128x128xf32, #tpu.memory_space<hbm>>
        tpu.wait_dma2 semaphore(%run_scoped3A : memref<!tpu.dma_semaphore, #tpu.memory_space<semaphore_mem>>) src(%arg22 : memref<128x128xf32, #tpu.memory_space<vmem_shared>>) dst(%dma_wait3A_380 : memref<128x128xf32, #tpu.memory_space<hbm>>)
        tpu.yield
      }) : () -> ()
    } else {
    }
    return
  }
}

module attributes {stable_mosaic.version = 14 : i64} {
  func.func @_mlp_body(%arg0: i32, %arg1: memref<10000x128xf32, #tpu.memory_space<vmem>>, %arg2: memref<10000x1xi32, #tpu.memory_space<vmem>>, %arg3: memref<128x128xf32, #tpu.memory_space<vmem>>, %arg4: memref<1x128xf32, #tpu.memory_space<vmem>>, %arg5: memref<128x128xf32, #tpu.memory_space<vmem>>, %arg6: memref<1x128xf32, #tpu.memory_space<vmem>>, %arg7: memref<1x128xf32, #tpu.memory_space<vmem>>, %arg8: memref<1x1xf32, #tpu.memory_space<vmem>>, %arg9: memref<10000x1xf32, #tpu.memory_space<vmem>>) attributes {dimension_semantics = [#tpu.dimension_semantics<arbitrary>], iteration_bounds = array<i64: 10>, scalar_prefetch = 0 : i64, scratch_operands = 0 : i64, tpu.core_type = #tpu.core_type<tc>, window_params = [{transform_indices = @transform_0, window_bounds = array<i64: 10000, 128>}, {transform_indices = @transform_1, window_bounds = array<i64: 10000, 1>}, {pipeline_mode = #tpu.pipeline_mode<synchronous>, transform_indices = @transform_2, window_bounds = array<i64: 128, 128>}, {pipeline_mode = #tpu.pipeline_mode<synchronous>, transform_indices = @transform_3, window_bounds = array<i64: 1, 128>}, {pipeline_mode = #tpu.pipeline_mode<synchronous>, transform_indices = @transform_4, window_bounds = array<i64: 128, 128>}, {pipeline_mode = #tpu.pipeline_mode<synchronous>, transform_indices = @transform_5, window_bounds = array<i64: 1, 128>}, {pipeline_mode = #tpu.pipeline_mode<synchronous>, transform_indices = @transform_6, window_bounds = array<i64: 1, 128>}, {pipeline_mode = #tpu.pipeline_mode<synchronous>, transform_indices = @transform_7, window_bounds = array<i64: 1, 1>}, {transform_indices = @transform_8, window_bounds = array<i64: 10000, 1>}]} {
    %get3A = arith.constant 0 : index
    %get3A_0 = arith.constant 0 : index
    %get3A_1 = vector.load %arg1[%get3A, %get3A_0] : memref<10000x128xf32, #tpu.memory_space<vmem>>, vector<10000x128xf32>
    %get3A_2 = arith.constant 0 : index
    %get3A_3 = arith.constant 0 : index
    %get3A_4 = vector.load %arg3[%get3A_2, %get3A_3] : memref<128x128xf32, #tpu.memory_space<vmem>>, vector<128x128xf32>
    %dot_general3A = arith.constant dense<0.000000e+00> : vector<10000x128xf32>
    %dot_general3A_5 = tpu.matmul %get3A_1, %get3A_4, %dot_general3A {dimension_numbers = #tpu.dot_dimension_numbers<[1], [1], [0], [0], [0, 0, 1, 0], [], []>, transpose_lhs_hint = false} : vector<10000x128xf32>, vector<128x128xf32>, vector<10000x128xf32> -> vector<10000x128xf32>
    %get3A_6 = arith.constant 0 : index
    %get3A_7 = arith.constant 0 : index
    %get3A_8 = vector.load %arg4[%get3A_6, %get3A_7] : memref<1x128xf32, #tpu.memory_space<vmem>>, vector<1x128xf32>
    %add3A = vector.broadcast %get3A_8 : vector<1x128xf32> to vector<10000x128xf32>
    %add3A_9 = arith.addf %dot_general3A_5, %add3A : vector<10000x128xf32>
    %max3A = arith.constant 0.000000e+00 : f32
    %max3A_10 = vector.broadcast %max3A : f32 to vector<10000x128xf32>
    %max3A_11 = arith.maximumf %add3A_9, %max3A_10 : vector<10000x128xf32>
    %get3A_12 = arith.constant 0 : index
    %get3A_13 = arith.constant 0 : index
    %get3A_14 = vector.load %arg5[%get3A_12, %get3A_13] : memref<128x128xf32, #tpu.memory_space<vmem>>, vector<128x128xf32>
    %dot_general3A_15 = arith.constant dense<0.000000e+00> : vector<10000x128xf32>
    %dot_general3A_16 = tpu.matmul %max3A_11, %get3A_14, %dot_general3A_15 {dimension_numbers = #tpu.dot_dimension_numbers<[1], [1], [0], [0], [0, 0, 1, 0], [], []>, transpose_lhs_hint = false} : vector<10000x128xf32>, vector<128x128xf32>, vector<10000x128xf32> -> vector<10000x128xf32>
    %get3A_17 = arith.constant 0 : index
    %get3A_18 = arith.constant 0 : index
    %get3A_19 = vector.load %arg6[%get3A_17, %get3A_18] : memref<1x128xf32, #tpu.memory_space<vmem>>, vector<1x128xf32>
    %add3A_20 = vector.broadcast %get3A_19 : vector<1x128xf32> to vector<10000x128xf32>
    %add3A_21 = arith.addf %dot_general3A_16, %add3A_20 : vector<10000x128xf32>
    %max3A_22 = arith.constant 0.000000e+00 : f32
    %max3A_23 = vector.broadcast %max3A_22 : f32 to vector<10000x128xf32>
    %max3A_24 = arith.maximumf %add3A_21, %max3A_23 : vector<10000x128xf32>
    %get3A_25 = arith.constant 0 : index
    %get3A_26 = arith.constant 0 : index
    %get3A_27 = vector.load %arg7[%get3A_25, %get3A_26] : memref<1x128xf32, #tpu.memory_space<vmem>>, vector<1x128xf32>
    %mul3A = vector.broadcast %get3A_27 : vector<1x128xf32> to vector<10000x128xf32>
    %mul3A_28 = arith.mulf %max3A_24, %mul3A : vector<10000x128xf32>
    %reduce_sum3A = arith.constant dense<0.000000e+00> : vector<10000xf32>
    %reduce_sum3A_29 = vector.multi_reduction <add>, %mul3A_28, %reduce_sum3A [1] : vector<10000x128xf32> to vector<10000xf32>
    %broadcast_in_dim3A = vector.shape_cast %reduce_sum3A_29 : vector<10000xf32> to vector<10000x1xf32>
    %get3A_30 = arith.constant 0 : index
    %get3A_31 = arith.constant 0 : index
    %get3A_32 = vector.load %arg8[%get3A_30, %get3A_31] : memref<1x1xf32, #tpu.memory_space<vmem>>, vector<1x1xf32>
    %add3A_33 = vector.broadcast %get3A_32 : vector<1x1xf32> to vector<10000x1xf32>
    %add3A_34 = arith.addf %broadcast_in_dim3A, %add3A_33 : vector<10000x1xf32>
    %get3A_35 = arith.constant 0 : index
    %get3A_36 = arith.constant 0 : index
    %get3A_37 = vector.load %arg2[%get3A_35, %get3A_36] : memref<10000x1xi32, #tpu.memory_space<vmem>>, vector<10000x1xi32>
    %ne3A = arith.constant 0 : i32
    %ne3A_38 = vector.broadcast %ne3A : i32 to vector<10000x1xi32>
    %ne3A_39 = arith.cmpi ne, %get3A_37, %ne3A_38 : vector<10000x1xi32>
    %jit3A = arith.constant 0xFF800000 : f32
    %broadcast_in_dim3A_40 = vector.broadcast %jit3A : f32 to vector<10000x1xf32>
    %select_n3A = arith.select %ne3A_39, %add3A_34, %broadcast_in_dim3A_40 : vector<10000x1xi1>, vector<10000x1xf32>
    %swap3A = arith.constant 0 : index
    %swap3A_41 = arith.constant 0 : index
    %swap3A_42 = vector.load %arg9[%swap3A, %swap3A_41] : memref<10000x1xf32, #tpu.memory_space<vmem>>, vector<10000x1xf32>
    tpu.vector_store %arg9[%swap3A, %swap3A_41], %select_n3A {strides = array<i32>} : memref<10000x1xf32, #tpu.memory_space<vmem>>, vector<10000x1xf32>,
    return
  }
  func.func @transform_0(%arg0: i32) -> (i32, i32) {
    %c0_i32 = arith.constant 0 : i32
    %c0_i32_0 = arith.constant 0 : i32
    return %arg0, %c0_i32 : i32, i32
  }
  func.func @transform_1(%arg0: i32) -> (i32, i32) {
    %c0_i32 = arith.constant 0 : i32
    %c0_i32_0 = arith.constant 0 : i32
    return %arg0, %c0_i32 : i32, i32
  }
  func.func @transform_2(%arg0: i32) -> (i32, i32) {
    %c0_i32 = arith.constant 0 : i32
    %c0_i32_0 = arith.constant 0 : i32
    %c0_i32_1 = arith.constant 0 : i32
    return %c0_i32, %c0_i32_0 : i32, i32
  }
  func.func @transform_3(%arg0: i32) -> (i32, i32) {
    %c0_i32 = arith.constant 0 : i32
    %c0_i32_0 = arith.constant 0 : i32
    %c0_i32_1 = arith.constant 0 : i32
    return %c0_i32, %c0_i32_0 : i32, i32
  }
  func.func @transform_4(%arg0: i32) -> (i32, i32) {
    %c0_i32 = arith.constant 0 : i32
    %c0_i32_0 = arith.constant 0 : i32
    %c0_i32_1 = arith.constant 0 : i32
    return %c0_i32, %c0_i32_0 : i32, i32
  }
  func.func @transform_5(%arg0: i32) -> (i32, i32) {
    %c0_i32 = arith.constant 0 : i32
    %c0_i32_0 = arith.constant 0 : i32
    %c0_i32_1 = arith.constant 0 : i32
    return %c0_i32, %c0_i32_0 : i32, i32
  }
  func.func @transform_6(%arg0: i32) -> (i32, i32) {
    %c0_i32 = arith.constant 0 : i32
    %c0_i32_0 = arith.constant 0 : i32
    %c0_i32_1 = arith.constant 0 : i32
    return %c0_i32, %c0_i32_0 : i32, i32
  }
  func.func @transform_7(%arg0: i32) -> (i32, i32) {
    %c0_i32 = arith.constant 0 : i32
    %c0_i32_0 = arith.constant 0 : i32
    %c0_i32_1 = arith.constant 0 : i32
    return %c0_i32, %c0_i32_0 : i32, i32
  }
  func.func @transform_8(%arg0: i32) -> (i32, i32) {
    %c0_i32 = arith.constant 0 : i32
    %c0_i32_0 = arith.constant 0 : i32
    return %arg0, %c0_i32 : i32, i32
  }
}

module attributes {stable_mosaic.version = 14 : i64} {
  func.func @_vf_body(%arg0: memref<2x128x128xf32, #tpu.memory_space<vmem>>, %arg1: memref<2x128x128xf32, #tpu.memory_space<vmem>>, %arg2: memref<128x128xf32, #tpu.memory_space<vmem>>, %arg3: memref<1x128xf32, #tpu.memory_space<vmem>>, %arg4: memref<128x128xf32, #tpu.memory_space<vmem>>, %arg5: memref<1x128xf32, #tpu.memory_space<vmem>>, %arg6: memref<1x128xf32, #tpu.memory_space<vmem>>, %arg7: memref<1x1xf32, #tpu.memory_space<vmem>>, %arg8: memref<128x1xf32, #tpu.memory_space<vmem>>) attributes {dimension_semantics = [], scalar_prefetch = 0 : i64, scratch_operands = 0 : i64, tpu.core_type = #tpu.core_type<tc>} {
    %get3A = arith.constant 0 : index
    %get3A_0 = arith.constant 0 : index
    %get3A_1 = arith.constant 0 : index
    %get3A_2 = vector.load %arg0[%get3A, %get3A_0, %get3A_1] : memref<2x128x128xf32, #tpu.memory_space<vmem>>, vector<1x128x128xf32>
    %get3A_3 = vector.shape_cast %get3A_2 : vector<1x128x128xf32> to vector<128x128xf32>
    %get3A_4 = arith.constant 1 : index
    %get3A_5 = arith.constant 0 : index
    %get3A_6 = arith.constant 0 : index
    %get3A_7 = vector.load %arg0[%get3A_4, %get3A_5, %get3A_6] : memref<2x128x128xf32, #tpu.memory_space<vmem>>, vector<1x128x128xf32>
    %get3A_8 = vector.shape_cast %get3A_7 : vector<1x128x128xf32> to vector<128x128xf32>
    %add3A = arith.addf %get3A_3, %get3A_8 : vector<128x128xf32>
    %get3A_9 = arith.constant 0 : index
    %get3A_10 = arith.constant 0 : index
    %get3A_11 = arith.constant 0 : index
    %get3A_12 = vector.load %arg1[%get3A_9, %get3A_10, %get3A_11] : memref<2x128x128xf32, #tpu.memory_space<vmem>>, vector<1x128x1xf32>
    %get3A_13 = vector.shape_cast %get3A_12 : vector<1x128x1xf32> to vector<128x1xf32>
    %get3A_14 = arith.constant 1 : index
    %get3A_15 = arith.constant 0 : index
    %get3A_16 = arith.constant 0 : index
    %get3A_17 = vector.load %arg1[%get3A_14, %get3A_15, %get3A_16] : memref<2x128x128xf32, #tpu.memory_space<vmem>>, vector<1x128x1xf32>
    %get3A_18 = vector.shape_cast %get3A_17 : vector<1x128x1xf32> to vector<128x1xf32>
    %add3A_19 = arith.addf %get3A_13, %get3A_18 : vector<128x1xf32>
    %max3A = arith.constant 1.000000e+00 : f32
    %max3A_20 = vector.broadcast %max3A : f32 to vector<128x1xf32>
    %max3A_21 = arith.maximumf %add3A_19, %max3A_20 : vector<128x1xf32>
    %div3A = vector.broadcast %max3A_21 : vector<128x1xf32> to vector<128x128xf32>
    %div3A_22 = arith.divf %add3A, %div3A : vector<128x128xf32>
    %get3A_23 = arith.constant 0 : index
    %get3A_24 = arith.constant 0 : index
    %get3A_25 = vector.load %arg2[%get3A_23, %get3A_24] : memref<128x128xf32, #tpu.memory_space<vmem>>, vector<128x128xf32>
    %dot_general3A = arith.constant dense<0.000000e+00> : vector<128x128xf32>
    %dot_general3A_26 = tpu.matmul %div3A_22, %get3A_25, %dot_general3A {dimension_numbers = #tpu.dot_dimension_numbers<[1], [1], [0], [0], [0, 0, 1, 0], [], []>, transpose_lhs_hint = false} : vector<128x128xf32>, vector<128x128xf32>, vector<128x128xf32> -> vector<128x128xf32>
    %get3A_27 = arith.constant 0 : index
    %get3A_28 = arith.constant 0 : index
    %get3A_29 = vector.load %arg3[%get3A_27, %get3A_28] : memref<1x128xf32, #tpu.memory_space<vmem>>, vector<1x128xf32>
    %add3A_30 = vector.broadcast %get3A_29 : vector<1x128xf32> to vector<128x128xf32>
    %add3A_31 = arith.addf %dot_general3A_26, %add3A_30 : vector<128x128xf32>
    %max3A_32 = arith.constant 0.000000e+00 : f32
    %max3A_33 = vector.broadcast %max3A_32 : f32 to vector<128x128xf32>
    %max3A_34 = arith.maximumf %add3A_31, %max3A_33 : vector<128x128xf32>
    %get3A_35 = arith.constant 0 : index
    %get3A_36 = arith.constant 0 : index
    %get3A_37 = vector.load %arg4[%get3A_35, %get3A_36] : memref<128x128xf32, #tpu.memory_space<vmem>>, vector<128x128xf32>
    %dot_general3A_38 = arith.constant dense<0.000000e+00> : vector<128x128xf32>
    %dot_general3A_39 = tpu.matmul %max3A_34, %get3A_37, %dot_general3A_38 {dimension_numbers = #tpu.dot_dimension_numbers<[1], [1], [0], [0], [0, 0, 1, 0], [], []>, transpose_lhs_hint = false} : vector<128x128xf32>, vector<128x128xf32>, vector<128x128xf32> -> vector<128x128xf32>
    %get3A_40 = arith.constant 0 : index
    %get3A_41 = arith.constant 0 : index
    %get3A_42 = vector.load %arg5[%get3A_40, %get3A_41] : memref<1x128xf32, #tpu.memory_space<vmem>>, vector<1x128xf32>
    %add3A_43 = vector.broadcast %get3A_42 : vector<1x128xf32> to vector<128x128xf32>
    %add3A_44 = arith.addf %dot_general3A_39, %add3A_43 : vector<128x128xf32>
    %max3A_45 = arith.constant 0.000000e+00 : f32
    %max3A_46 = vector.broadcast %max3A_45 : f32 to vector<128x128xf32>
    %max3A_47 = arith.maximumf %add3A_44, %max3A_46 : vector<128x128xf32>
    %get3A_48 = arith.constant 0 : index
    %get3A_49 = arith.constant 0 : index
    %get3A_50 = vector.load %arg6[%get3A_48, %get3A_49] : memref<1x128xf32, #tpu.memory_space<vmem>>, vector<1x128xf32>
    %mul3A = vector.broadcast %get3A_50 : vector<1x128xf32> to vector<128x128xf32>
    %mul3A_51 = arith.mulf %max3A_47, %mul3A : vector<128x128xf32>
    %reduce_sum3A = arith.constant dense<0.000000e+00> : vector<128xf32>
    %reduce_sum3A_52 = vector.multi_reduction <add>, %mul3A_51, %reduce_sum3A [1] : vector<128x128xf32> to vector<128xf32>
    %broadcast_in_dim3A = vector.shape_cast %reduce_sum3A_52 : vector<128xf32> to vector<128x1xf32>
    %get3A_53 = arith.constant 0 : index
    %get3A_54 = arith.constant 0 : index
    %get3A_55 = vector.load %arg7[%get3A_53, %get3A_54] : memref<1x1xf32, #tpu.memory_space<vmem>>, vector<1x1xf32>
    %add3A_56 = vector.broadcast %get3A_55 : vector<1x1xf32> to vector<128x1xf32>
    %add3A_57 = arith.addf %broadcast_in_dim3A, %add3A_56 : vector<128x1xf32>
    %swap3A = arith.constant 0 : index
    %swap3A_58 = arith.constant 0 : index
    %swap3A_59 = vector.load %arg8[%swap3A, %swap3A_58] : memref<128x1xf32, #tpu.memory_space<vmem>>, vector<128x1xf32>
    tpu.vector_store %arg8[%swap3A, %swap3A_58], %add3A_57 {strides = array<i32>} : memref<128x1xf32, #tpu.memory_space<vmem>>, vector<128x1xf32>,
    return
  }
}

</mosaic_0001>

<sc_bundles>
// kernel: kernel.5.cloned.1.call-start
scs
__scs_entry_jumppad:
0x0: {  	(pc) =	sbr.rel $0x88, $3  }
0x1: {  	(tag) =	ssettag $0x0;
	lr =	simm.s32 $0x1  }
0x2: {  	[smem:$0x3F92] =	sst lr;
	_ =	strace $0xD0000000  }
0x3: {  	_ = 	snop  }
0x4: {  	_ = 	snop  }
0x5: {  	_ = 	snop  }
0x6: {  	_ = 	snop  }
0x7: {  	_ = 	snop  }
__scs_overlays_trampoline_lowered:
0x8: {  	[smem:$0x3FA1] =	sst s0  }
0x9: {  	[smem:$0x3FA2] =	sst s1  }
0xa: {  	[smem:$0x3FA3] =	sst s2  }
0xb: {  	[smem:$0x3FA4] =	sst s3  }
0xc: {  	[smem:$0x3FA5] =	sst s4  }
0xd: {  	[smem:$0x3FA6] =	sst s5  }
0xe: {  	[smem:$0x3FA7] =	sst s6  }
0xf: {  	[smem:$0x3FA8] =	sst s7  }
0x10: {  	[smem:$0x3FA9] =	sst s8  }
0x11: {  	[smem:$0x3FAA] =	sst s9;
	s0 =	simm.s32 @!p0 $0x0  }
0x12: {  	s1 =	sld [smem:$0x3F90];
	s0 =	simm.s32 @p0 $0x1  }
0x13: {  	[smem:$0x3FAB] =	sst s0;
	s0 =	simm.s32 @!p1 $0x0  }
0x14: {  	s2 =	sld [smem:$0x3F8F];
	s0 =	simm.s32 @p1 $0x1  }
0x15: {  	[smem:$0x3FAC] =	sst s0;
	s0 =	simm.s32 @!p2 $0x0  }
0x16: {  	s3 =	sld [smem:$0x3FDB];
	s0 =	simm.s32 @p2 $0x1  }
0x17: {  	s4 =	simm.s32 $0x1BF5;
	[smem:$0x3FAE] =	sst s0  }
0x18: {  	s0 =	sld [smem:$0x3F91];
	_ =	swait.ge [sflag:s4], $0x0  }
0x19: {  	s7 =	sld [smem:$0x3F92]  }
0x1a: {  	s8 =	sadd.s32 $0xFFFFE003, lr  }
0x1b: {  	s9 =	sadd.s32 $0xFFFFFEF7, lr;
	s5 =	simm.s32 $0xFFFFFFFF;
	p2 =	slt.u32 s8, $0xFFFFF086  }
0x1c: {  	p1 =	slt.u32 s9, $0xF7A;
	s5 =	simm.s32 @!p2 $0x0  }
0x1d: {  	s5 =	simm.s32 @p1 $0x1;
	p0 =	seq.s32 s7, s2  }
0x1e: {  	s7 =	smul.u32 @!p0 $0xF7A, s2;
	p2 =	seq.s32 @!p0 s5, $0x0  }
0x1f: {  	s9 =	smul.u32 $0xF7A, s1;
	s8 =	simm.s32 @!p0 $0x1BF5;
	p2 =	por !p2, p0  }
0x20: {  	[sflag:s8] =	ssyncset.s32 @!p0 $0xFFFFF086;
	s6 =	sadd.s32 @!p0 s3, s7;
	s7 =	simm.s32 @!p0 $0x108  }
0x21: {  	s3 =	sadd.s32 s3, s9;
	s6 =	sadd.s32 @!p0 $0x88, s6;
	s7 =	simm.s32 @p2 $0x1082  }
0x22: {  	[simem:s7], [sflag:s8] =	dma.local @!p0 [hbm:s6], $0xF7A  }
0x23: {  	s9 =	sor.u32 $0xD0000000, s2;
	s6 =	simm.s32 $0x108;
	_ =	swait.ge @!p0 [sflag:s8], $0x0  }
0x24: {  	s3 =	sadd.s32 $0x88, s3;
	s6 =	simm.s32 @!p1 $0x1082;
	[sflag:s4] =	ssyncset.s32 $0xFFFFF086  }
0x25: {  	[simem:s6], [sflag:s4] =	dma.local [hbm:s3], $0xF7A  }
0x26: {  	[smem:$0x3F92] =	sst s1;
	(tag) =	ssettag s2;
	_ =	strace s9  }
0x27: {  	s1 =	sld [smem:$0x3FA2]  }
0x28: {  	s2 =	sld [smem:$0x3FA3]  }
0x29: {  	s4 =	sld [smem:$0x3FA5]  }
0x2a: {  	p0 =	seq.s32 s5, $0x0;
	s5 =	sld [smem:$0x3FA6]  }
0x2b: {  	s6 =	sld [smem:$0x3FA7]  }
0x2c: {  	s7 =	sld [smem:$0x3FA8]  }
0x2d: {  	s3 =	simm.s32 $0x108;
	s8 =	sld [smem:$0x3FA9]  }
0x2e: {  	s3 =	simm.s32 @!p0 $0x1082;
	s9 =	sld [smem:$0x3FAA]  }
0x2f: {  	lr =	sadd.s32 s0, s3;
	s0 =	sld [smem:$0x3FA1]  }
0x30: {  	s3 =	sld [smem:$0x3FA4]  }
0x31: {  	[smem:$0x3FAD] =	sst s10  }
0x32: {  	s10 =	sld [smem:$0x3FAB];
	_ =	sdelay $0x3  }
0x33: {  	p0 =	seq.s32 s10, $0x1;
	s10 =	sld [smem:$0x3FAD];
	_ =	sdelay $0x3  }
0x34: {  	[smem:$0x3FAD] =	sst s10  }
0x35: {  	s10 =	sld [smem:$0x3FAC];
	_ =	sdelay $0x3  }
0x36: {  	p1 =	seq.s32 s10, $0x1;
	s10 =	sld [smem:$0x3FAD];
	_ =	sdelay $0x3  }
0x37: {  	[smem:$0x3FAD] =	sst s10  }
0x38: {  	s10 =	sld [smem:$0x3FAE]  }
0x39: {  	_ = 	snop;
	(pc) =	sbr.ind lr, $3  }
0x3a: {  	_ = 	snop  }
0x3b: {  	_ = 	snop  }
0x3c: {  	p2 =	seq.s32 s10, $0x1;
	s10 =	sld [smem:$0x3FAD]  }
0x3d: {  	_ =	shalt  }
0x3e: {  	_ =	shalt  }
0x3f: {  	_ =	shalt  }
0x40: {  	_ =	shalt  }
0x41: {  	_ =	shalt  }
0x42: {  	_ =	shalt  }
0x43: {  	_ =	shalt  }
0x44: {  	_ =	shalt  }
0x45: {  	_ =	shalt  }
0x46: {  	_ =	shalt  }
0x47: {  	_ =	shalt  }
0x48: {  	_ =	shalt  }
0x49: {  	_ =	shalt  }
0x4a: {  	_ =	shalt  }
0x4b: {  	_ =	shalt  }
0x4c: {  	_ =	shalt  }
0x4d: {  	_ =	shalt  }
0x4e: {  	_ =	shalt  }
0x4f: {  	_ =	shalt  }
0x50: {  	_ =	shalt  }
0x51: {  	_ =	shalt  }
0x52: {  	_ =	shalt  }
0x53: {  	_ =	shalt  }
0x54: {  	_ =	shalt  }
0x55: {  	_ =	shalt  }
0x56: {  	_ =	shalt  }
0x57: {  	_ =	shalt  }
0x58: {  	_ =	shalt  }
0x59: {  	_ =	shalt  }
0x5a: {  	_ =	shalt  }
0x5b: {  	_ =	shalt  }
0x5c: {  	_ =	shalt  }
0x5d: {  	_ =	shalt  }
0x5e: {  	_ =	shalt  }
0x5f: {  	_ =	shalt  }
0x60: {  	_ =	shalt  }
0x61: {  	_ =	shalt  }
0x62: {  	_ =	shalt  }
0x63: {  	_ =	shalt  }
0x64: {  	_ =	shalt  }
0x65: {  	_ =	shalt  }
0x66: {  	_ =	shalt  }
0x67: {  	_ =	shalt  }
0x68: {  	_ =	shalt  }
0x69: {  	_ =	shalt  }
0x6a: {  	_ =	shalt  }
0x6b: {  	_ =	shalt  }
0x6c: {  	_ =	shalt  }
0x6d: {  	_ =	shalt  }
0x6e: {  	_ =	shalt  }
0x6f: {  	_ =	shalt  }
0x70: {  	_ =	shalt  }
0x71: {  	_ =	shalt  }
0x72: {  	_ =	shalt  }
0x73: {  	_ =	shalt  }
0x74: {  	_ =	shalt  }
0x75: {  	_ =	shalt  }
0x76: {  	_ =	shalt  }
0x77: {  	_ =	shalt  }
0x78: {  	_ =	shalt  }
0x79: {  	_ =	shalt  }
0x7a: {  	_ =	shalt  }
0x7b: {  	_ =	shalt  }
0x7c: {  	_ =	shalt  }
0x7d: {  	_ =	shalt  }
0x7e: {  	_ =	shalt  }
0x7f: {  	_ =	shalt  }
0x80: {  	_ =	shalt  }
0x81: {  	_ =	shalt  }
0x82: {  	_ =	shalt  }
0x83: {  	_ =	shalt  }
0x84: {  	_ =	shalt  }
0x85: {  	_ =	shalt  }
0x86: {  	_ =	shalt  }
0x87: {  	_ =	shalt  }
.Lfunc_end0:
.L_simem_size_0:
called_computation_lowered:
.L_overlay_start_0:
0x88: {  	s2 =	sld [smem:$0x3FD9]  }
0x89: {  	s3 =	sld [smem:$0x3FFE];
	_ =	sdelay $0x1  }
0x8a: {  	s1 =	srdreg.scid  }
0x8b: {  	s0 =	sand.u32 $0x1, s1  }
0x8c: {  	s17 =	sshll.u32 s0, $0xA;
	s2 =	sadd.s32 s3, s2  }
0x8d: {  	s2 =	sadd.s32 s2, s17  }
0x8e: {  	[smem:$0x3FB9] =	sst s2  }
0x8f: {  	_ = 	snop  }
0x90: {  	s2 =	sld [smem:$0x3FC9]  }
0x91: {  	s18 =	sld [smem:$0x3FC7];
	(tm) =	ssettm $0x1  }
0x92: {  	s4 =	sld [smem:$0x3FFB];
	_ =	sdelay $0x3  }
0x93: {  	_ =	strace s4  }
0x94: {  	s4 =	sld [smem:$0x3FFC];
	_ =	sdelay $0x3  }
0x95: {  	_ =	strace s4  }
0x96: {  	s4 =	sld [smem:$0x3FFD];
	_ =	sdelay $0x3  }
0x97: {  	_ =	strace s4  }
0x98: {  	_ =	strace $0x8FFFFFFF  }
0x99: {  	s19 =	sld [smem:$0x3FDB];
	_ =	sdelay $0x1  }
0x9a: {  	s5 =	simm.s32 $_scs_section_size  }
0x9b: {  	s6 =	simm.s32 $_size__tile_overlayer_lowered;
	s7 =	simm.s32 $_tile_overlayer_lowered  }
0x9c: {  	s22 =	simm.s32 $0x1BFF;
	s21 =	sshll.u32 s7, $0x1;
	s4 =	sadd.s32 s5, s19  }
0x9d: {  	s8 =	simm.s32 $0x0;
	s20 =	sshll.u32 s6, $0x1;
	s6 =	sadd.s32 s21, s4  }
0x9e: {  	[timem:s8], [sflag:s22] =	dma.local [hbm:s6], s20  }
0x9f: {  	_ =	swait.ge [sflag:s22], s20  }
0xa0: {  	s5 =	ssub.s32 $0x0, s20;
	[sflag:s22] =	ssyncset.done $0x0  }
0xa1: {  	[sflag:s22] =	ssyncadd.s32 s5;
	_ =	sdelay $0x1  }
0xa2: {  	s23 =	simm.s32 $0x1B8B  }
0xa3: {  	_ =	swait.ge [sflag:s23], $0x1  }
0xa4: {  	[sflag:s23] =	ssyncset.done $0x0  }
0xa5: {  	s25 =	simm.s32 $0x1B8E;
	s24 =	sld [smem:$0x3FFE];
	[sflag:s23] =	ssyncadd.s32 $0xFFFFFFFF  }
0xa6: {  	s26 =	simm.s32 $execute0_lowered;
	[smem:$0x3FD2] =	sst s25  }
0xa7: {  	s6 =	sshll.u32 s26, $0x1;
	_ =	strace $0x80000046;
	[dreg:$0x1] =	wrdreg $0xFFFFFFFF  }
0xa8: {  	s28 =	simm.s32 $_size_execute0_lowered;
	s4 =	sadd.s32 s4, s6;
	[dreg:$0x0] =	wrdreg $0x0  }
0xa9: {  	s6 =	sshll.u32 s28, $0x1;
	[dreg:$0x2] =	wrdreg s4  }
0xaa: {  	[dreg:$0x3] =	wrdreg s6  }
0xab: {  	[dreg:$0x4] =	wrdreg $0xC0  }
0xac: {  	_ =	task [dreg:s8], $0x5FFFF  }
0xad: {  	[dreg:$0x1] =	wrdreg $0xFFFFFFFF  }
0xae: {  	[dreg:$0x0] =	wrdreg $0x60  }
0xaf: {  	[dreg:$0x2] =	wrdreg s2  }
0xb0: {  	[dreg:$0x3] =	wrdreg s18  }
0xb1: {  	[dreg:$0x4] =	wrdreg s24  }
0xb2: {  	[dreg:$0x5] =	wrdreg $0x1BD000  }
0xb3: {  	[dreg:$0x6] =	wrdreg $0x1C1000  }
0xb4: {  	[dreg:$0x7] =	wrdreg $0x9  }
0xb5: {  	_ =	task.clear_ibuf [dreg:s8], $0x8FFFF;
	_ =	strace $0x90000046  }
0xb6: {  	s29 =	simm.s32 $0x9;
	_ =	strace $0x80000048  }
0xb7: {  	_ =	swait.ge [sflag:s29], $0x1  }
0xb8: {  	[sflag:s29] =	ssyncadd.s32 $0xFFFFFFFF  }
0xb9: {  	_ =	strace $0x90000048  }
0xba: {  	_ =	sfence  }
0xbb: {  	s30 =	sld [smem:$0x0];
	_ =	sdelay $0x2  }
0xbc: {  	s31 =	sshll.u32 s1, $0xD;
	s1 =	sshrl.u32 s1, $0x2  }
0xbd: {  	s3 =	sand.u32 $0x4000, s31;
	s1 =	sadd.s32 s1, s30  }
0xbe: {  	s0 =	sor.u32 s3, s0;
	s1 =	sshll.u32 s1, $0x11  }
0xbf: {  	s0 =	sor.u32 s1, s0  }
0xc0: {  	s0 =	sadd.s32 $0x8F2B, s0  }
0xc1: {  	[sflag:s0] =	ssyncadd.remote.s32 $0x1  }
0xc2: {  	_ =	sfence.sel $0xFFFF  }
0xc3: {  	[dreg:$0x0] =	wrdreg $0xFFFFFFFF;
	(pc) =	sbr.abs _section_cstart, $3  }
0xc4: {  	[dreg:$0x1] =	wrdreg $0xFFFFFFFF  }
0xc5: {  	_ =	task.clear_ibuf [dreg:s8], $0x2FFFF;
	_ =	strace $0x9FFFFFFF  }
0xc6: {  	(tm) =	ssettm $0x7FFFFFFF  }
0xc7: {  	_ =	shalt  }
tec
execute0_lowered:
.L_overlay_start_1:
0x0: {  	(tag) =	ssettag $0x1  }
0x1: {  	s1 =	rddreg [dreg:$0x0]  }
0x2: {  	s4 =	rddreg [dreg:$0x1]  }
0x3: {  	s5 =	rddreg [dreg:$0x2]  }
0x4: {  	s0 =	rddreg [dreg:$0x3];
	s3 =	srdreg.scid  }
0x5: {  	s6 =	stileid.u32;
	s2 =	rddreg [dreg:$0x4]  }
0x6: {  	s7 =	sand.u32 $0x1, s3;
	s8 =	sshll.u32 s6, $0x1;
	s3 =	simm.s32 $0x0  }
0x7: {  	s23 =	sadd.s32 $0x2200, s5;
	s8 =	sor.u32 s7, s8;
	[smem:$0x7FF] =	sst s3  }
0x8: {  	s10 =	ssub.s32 $0x2, s7;
	s7 =	sshll.u32 s7, $0xB;
	s9 =	smul.u32 $0x190, s8  }
0x9: {  	_ =	strace $0x80000047;
	s8 =	smul.u32 $0x1900, s8;
	s11 =	sshrl.u32 s10, $0x1  }
0xa: {  	[smem:$0x7E4] =	sst s23;
	s24 =	sadd.s32 s7, s5;
	s5 =	sadd.s32 $0x2A00, s5  }
0xb: {  	s10 =	ssub.s32 s10, s11;
	[dreg:$0xe] =	wrdreg s5  }
0xc: {  	s13 =	sadd.s32 $0x3200, s9;
	s8 =	sadd.s32 s1, s8;
	s11 =	sadd.s32 $0x9600, s9  }
0xd: {  	s15 =	sadd.s32 $0xC800, s9;
	s25 =	sshrl.u32 s9, $0x3;
	s16 =	sshll.u32 s13, $0x4  }
0xe: {  	[dreg:$0x6] =	wrdreg s8;
	s14 =	sshll.u32 s11, $0x4;
	s8 =	sadd.s32 s1, s16  }
0xf: {  	s26 =	sshrl.u32 s13, $0x3;
	s17 =	sadd.s32 s1, s14;
	[dreg:$0x7] =	wrdreg s8  }
0x10: {  	s28 =	sadd.s32 s4, s26;
	s8 =	sadd.s32 $0x6400, s9;
	[dreg:$0x9] =	wrdreg s17  }
0x11: {  	s17 =	sadd.s32 $0x12C00, s9;
	[dreg:$0xf] =	wrdreg s28;
	s12 =	sshll.u32 s8, $0x4  }
0x12: {  	s20 =	sshll.u32 s17, $0x4;
	s14 =	sshrl.u32 s17, $0x3;
	s17 =	sadd.s32 $0x3000, s24  }
0x13: {  	s18 =	sshll.u32 s15, $0x4;
	s12 =	sadd.s32 s1, s12;
	[dreg:$0x17] =	wrdreg s17  }
0x14: {  	s7 =	sshrl.u32 s8, $0x3;
	s21 =	sadd.s32 s1, s20;
	[dreg:$0x8] =	wrdreg s12  }
0x15: {  	s16 =	sadd.s32 $0xFA00, s9;
	s5 =	sadd.s32 s4, s7;
	[dreg:$0xc] =	wrdreg s21  }
0x16: {  	s8 =	sshrl.u32 s11, $0x3;
	s12 =	sadd.s32 s1, s18;
	[dreg:$0x10] =	wrdreg s5  }
0x17: {  	s19 =	sshll.u32 s16, $0x4;
	s5 =	sadd.s32 s4, s8;
	[dreg:$0xa] =	wrdreg s12  }
0x18: {  	s18 =	sadd.s32 $0x15E00, s9;
	s9 =	sadd.s32 s4, s25;
	[dreg:$0x11] =	wrdreg s5  }
0x19: {  	s13 =	sshrl.u32 s16, $0x3;
	s12 =	sadd.s32 s1, s19;
	[smem:$0x7FC] =	sst s9  }
0x1a: {  	s11 =	sshrl.u32 s15, $0x3;
	s5 =	sadd.s32 s4, s13;
	[dreg:$0xb] =	wrdreg s12  }
0x1b: {  	s22 =	sshll.u32 s18, $0x4;
	s16 =	sadd.s32 $0xA, s9;
	[dreg:$0x13] =	wrdreg s5  }
0x1c: {  	s15 =	sshrl.u32 s18, $0x3;
	s18 =	sadd.s32 $0x14, s9;
	[dreg:$0x16] =	wrdreg s16  }
0x1d: {  	s19 =	sadd.s32 $0x1E, s9;
	[dreg:$0x19] =	wrdreg s18  }
0x1e: {  	s20 =	sadd.s32 $0x28, s9;
	[dreg:$0x1a] =	wrdreg s19  }
0x1f: {  	s21 =	sadd.s32 $0x64A, s9;
	[dreg:$0x1b] =	wrdreg s20  }
0x20: {  	s23 =	sadd.s32 $0x65E, s9;
	[dreg:$0x1c] =	wrdreg s21  }
0x21: {  	s26 =	sadd.s32 $0xC8A, s9;
	[dreg:$0x1e] =	wrdreg s23  }
0x22: {  	p0 =	sne.s32 s6, $0x0;
	s28 =	sadd.s32 $0xC94, s9;
	[smem:$0x7E5] =	sst s26  }
0x23: {  	p1 =	slt.u32 s6, $0xD;
	s6 =	sadd.s32 $0x12CA, s9;
	[smem:$0x7E6] =	sst s28  }
0x24: {  	s7 =	sadd.s32 $0x12D4, s9;
	[smem:$0x7E9] =	sst s6  }
0x25: {  	s8 =	sadd.s32 $0x12DE, s9;
	[smem:$0x7EA] =	sst s7  }
0x26: {  	s25 =	smax.u32 s10, $0x1;
	s10 =	sadd.s32 $0x12E8, s9;
	[smem:$0x7EB] =	sst s8  }
0x27: {  	s13 =	sadd.s32 $0x191E, s9;
	[smem:$0x7EC] =	sst s10  }
0x28: {  	s17 =	sadd.s32 $0x1F5E, s9;
	[smem:$0x7EF] =	sst s13  }
0x29: {  	s1 =	sadd.s32 s1, s22;
	[smem:$0x7F3] =	sst s17  }
0x2a: {  	s12 =	sadd.s32 s4, s11;
	[dreg:$0xd] =	wrdreg s1  }
0x2b: {  	s5 =	sadd.s32 s4, s14;
	[dreg:$0x12] =	wrdreg s12  }
0x2c: {  	s4 =	sadd.s32 s4, s15;
	[dreg:$0x14] =	wrdreg s5  }
0x2d: {  	s22 =	sadd.s32 $0x654, s9;
	[dreg:$0x15] =	wrdreg s4  }
0x2e: {  	s11 =	sadd.s32 $0x190A, s9;
	[dreg:$0x1d] =	wrdreg s22  }
0x2f: {  	s14 =	sadd.s32 $0x1928, s9;
	[smem:$0x7ED] =	sst s11  }
0x30: {  	s29 =	simm.s32 $0x19500;
	s15 =	sadd.s32 $0x1F4A, s9;
	[smem:$0x7F0] =	sst s14  }
0x31: {  	s30 =	simm.s32 $0x3;
	s16 =	sadd.s32 $0x1F54, s9;
	[smem:$0x7F1] =	sst s15  }
0x32: {  	s31 =	simm.s32 $0x19000;
	s18 =	sadd.s32 $0x1F68, s9;
	[smem:$0x7F2] =	sst s16  }
0x33: {  	s19 =	sadd.s32 $0x258A, s9;
	s20 =	sadd.s32 $0x2594, s9;
	[smem:$0x7F4] =	sst s18  }
0x34: {  	s21 =	sadd.s32 $0x259E, s9;
	s23 =	sadd.s32 $0x2BCA, s9;
	[smem:$0x7F5] =	sst s19  }
0x35: {  	s26 =	sadd.s32 $0x2BDE, s9;
	s28 =	sadd.s32 $0x2BE8, s9;
	[smem:$0x7F6] =	sst s20  }
0x36: {  	s6 =	simm.s32 $0x19380;
	s7 =	simm.s32 $0x19400;
	[smem:$0x7F7] =	sst s21  }
0x37: {  	s8 =	simm.s32 $0x19480;
	s10 =	simm.s32 $0x50;
	[smem:$0x7F9] =	sst s23  }
0x38: {  	s13 =	simm.s32 $0x2800;
	s1 =	sadd.s32 $0x4000, s24;
	[smem:$0x7FB] =	sst s26  }
0x39: {  	s24 =	sadd.s32 $0x668, s9;
	s4 =	sadd.s32 $0xC9E, s9;
	[smem:$0x7FD] =	sst s28  }
0x3a: {  	s5 =	sadd.s32 $0xCA8, s9;
	s12 =	sadd.s32 $0x1914, s9;
	[dreg:$0x18] =	wrdreg s1  }
0x3b: {  	s22 =	sadd.s32 $0x25A8, s9;
	s11 =	simm.s32 $0x19100;
	[dreg:$0x1f] =	wrdreg s24  }
0x3c: {  	s21 =	simm.s32 $0x19180;
	s23 =	simm.s32 $0x19200;
	[smem:$0x7E7] =	sst s4  }
.Ltmp0:
0x3d: {  	s14 =	simm.s32 $0x5000;
	[smem:$0x7E8] =	sst s5;
	(pc) =	sbr.rel .LBB2_1-.Ltmp0, $4  }
0x3e: {  	s15 =	simm.s32 $0x7800;
	s16 =	simm.s32 $0xA000;
	[smem:$0x7EE] =	sst s12  }
0x3f: {  	s18 =	simm.s32 $0x2;
	[smem:$0x7F8] =	sst s22;
	s24 =	sadd.s32 $0x2BD4, s9  }
0x40: {  	s1 =	simm.s32 $0x19080;
	s4 =	simm.s32 $0x19280;
	s5 =	simm.s32 $0x19300  }
0x41: {  	s9 =	simm.s32 $0x1;
	[smem:$0x7FA] =	sst s24;
	s24 =	simm.s32 $0xC800  }
.LBB2_3:
0x42: {  	s26 =	rddreg [dreg:$0xd]  }
0x43: {  	[tilespmem:s3], [sflag:$0x3] =	stream.linear.gather [hbm4b:s26+s3], $0xC800, $0x38;
	[tilespmem:$0x1C500] =	vst v63  }
0x44: {  	_ =	swait.ge [sflag:s30], $0xC800  }
0x45: {  	[sflag:s30] =	ssyncset.done $0x0  }
0x46: {  	s20 =	rddreg [dreg:$0x15];
	[sflag:s30] =	ssyncadd.s32 $0xFFFF3800  }
0x47: {  	[tilespmem:s31], [sflag:$0x3] =	stream.linear.gather [hbm4b:s20+s3], $0x50, $0x38;
	[tilespmem:$0x1C500] =	vst v63  }
0x48: {  	_ =	swait.ge [sflag:s30], $0x50  }
0x49: {  	s12 =	sld [smem:$0x7F9]  }
0x4a: {  	[sflag:s30] =	ssyncset.done $0x0  }
0x4b: {  	[sflag:s30] =	ssyncadd.s32 $0xFFFFFFB0  }
0x4c: {  	[tilespmem:s1], [sflag:$0x3] =	stream.linear.gather [hbm4b:s12+s3], $0x50, $0x38;
	[tilespmem:$0x1C500] =	vst v63  }
0x4d: {  	_ =	swait.ge [sflag:s30], $0x50  }
0x4e: {  	s17 =	sld [smem:$0x7FA]  }
0x4f: {  	[sflag:s30] =	ssyncset.done $0x0  }
0x50: {  	[sflag:s30] =	ssyncadd.s32 $0xFFFFFFB0  }
0x51: {  	[tilespmem:s11], [sflag:$0x3] =	stream.linear.gather [hbm4b:s17+s3], $0x50, $0x38;
	[tilespmem:$0x1C500] =	vst v63  }
0x52: {  	_ =	swait.ge [sflag:s30], $0x50  }
0x53: {  	s19 =	sld [smem:$0x7FB]  }
0x54: {  	[sflag:s30] =	ssyncset.done $0x0  }
0x55: {  	[sflag:s30] =	ssyncadd.s32 $0xFFFFFFB0  }
0x56: {  	[tilespmem:s21], [sflag:$0x3] =	stream.linear.gather [hbm4b:s19+s3], $0x50, $0x38;
	[tilespmem:$0x1C500] =	vst v63  }
0x57: {  	_ =	swait.ge [sflag:s30], $0x50  }
0x58: {  	s20 =	sld [smem:$0x7FD]  }
0x59: {  	[sflag:s30] =	ssyncset.done $0x0  }
0x5a: {  	[sflag:s30] =	ssyncadd.s32 $0xFFFFFFB0  }
0x5b: {  	[tilespmem:s23], [sflag:$0x3] =	stream.linear.gather [hbm4b:s20+s3], $0x50, $0x38;
	[tilespmem:$0x1C500] =	vst v63  }
0x5c: {  	_ =	swait.ge [sflag:s30], $0x50  }
0x5d: {  	[sflag:s30] =	ssyncset.done $0x0  }
0x5e: {  	[sflag:s30] =	ssyncadd.s32 $0xFFFFFFB0  }
0x5f: {  	[spmem:s0] =	stream.indirect.scatter.add.f32 [tilespmem:s3], [sflag:$0x3], $0x80, s31, s10, $0xb8;
	[tilespmem:$0x1C500] =	vst v63  }
0x60: {  	_ =	swait.ge [sflag:s30], $0x2800  }
0x61: {  	[sflag:s30] =	ssyncset.done $0x0  }
0x62: {  	[sflag:s30] =	ssyncadd.s32 $0xFFFFD800  }
0x63: {  	[spmem:s2] =	stream.indirect.scatter.add.f32 [tilespmem:s29], [sflag:$0x3], $0x80, s31, s10, $0xb8;
	[tilespmem:$0x1C500] =	vst v63  }
0x64: {  	_ =	swait.ge [sflag:s30], $0x2800  }
0x65: {  	[sflag:s30] =	ssyncset.done $0x0  }
0x66: {  	[sflag:s30] =	ssyncadd.s32 $0xFFFFD800  }
0x67: {  	[spmem:s0] =	stream.indirect.scatter.add.f32 [tilespmem:s13], [sflag:$0x3], $0x80, s1, s10, $0xb8;
	[tilespmem:$0x1C500] =	vst v63  }
0x68: {  	_ =	swait.ge [sflag:s30], $0x2800  }
0x69: {  	[sflag:s30] =	ssyncset.done $0x0  }
0x6a: {  	[sflag:s30] =	ssyncadd.s32 $0xFFFFD800  }
0x6b: {  	[spmem:s2] =	stream.indirect.scatter.add.f32 [tilespmem:s29], [sflag:$0x3], $0x80, s1, s10, $0xb8;
	[tilespmem:$0x1C500] =	vst v63  }
0x6c: {  	_ =	swait.ge [sflag:s30], $0x2800  }
0x6d: {  	[sflag:s30] =	ssyncset.done $0x0  }
0x6e: {  	[sflag:s30] =	ssyncadd.s32 $0xFFFFD800  }
0x6f: {  	[spmem:s0] =	stream.indirect.scatter.add.f32 [tilespmem:s14], [sflag:$0x3], $0x80, s11, s10, $0xb8;
	[tilespmem:$0x1C500] =	vst v63  }
0x70: {  	_ =	swait.ge [sflag:s30], $0x2800  }
0x71: {  	[sflag:s30] =	ssyncset.done $0x0  }
0x72: {  	[sflag:s30] =	ssyncadd.s32 $0xFFFFD800  }
0x73: {  	[spmem:s2] =	stream.indirect.scatter.add.f32 [tilespmem:s29], [sflag:$0x3], $0x80, s11, s10, $0xb8;
	[tilespmem:$0x1C500] =	vst v63  }
0x74: {  	_ =	swait.ge [sflag:s30], $0x2800  }
0x75: {  	[sflag:s30] =	ssyncset.done $0x0  }
0x76: {  	[sflag:s30] =	ssyncadd.s32 $0xFFFFD800  }
0x77: {  	[spmem:s0] =	stream.indirect.scatter.add.f32 [tilespmem:s15], [sflag:$0x3], $0x80, s21, s10, $0xb8;
	[tilespmem:$0x1C500] =	vst v63  }
0x78: {  	_ =	swait.ge [sflag:s30], $0x2800  }
0x79: {  	[sflag:s30] =	ssyncset.done $0x0  }
0x7a: {  	[sflag:s30] =	ssyncadd.s32 $0xFFFFD800  }
0x7b: {  	[spmem:s2] =	stream.indirect.scatter.add.f32 [tilespmem:s29], [sflag:$0x3], $0x80, s21, s10, $0xb8;
	[tilespmem:$0x1C500] =	vst v63  }
0x7c: {  	_ =	swait.ge [sflag:s30], $0x2800  }
0x7d: {  	[sflag:s30] =	ssyncset.done $0x0  }
0x7e: {  	[sflag:s30] =	ssyncadd.s32 $0xFFFFD800  }
0x7f: {  	[spmem:s0] =	stream.indirect.scatter.add.f32 [tilespmem:s16], [sflag:$0x3], $0x80, s23, s10, $0xb8;
	[tilespmem:$0x1C500] =	vst v63  }
0x80: {  	_ =	swait.ge [sflag:s30], $0x2800  }
0x81: {  	[sflag:s30] =	ssyncset.done $0x0  }
0x82: {  	[sflag:s30] =	ssyncadd.s32 $0xFFFFD800  }
0x83: {  	[spmem:s2] =	stream.indirect.scatter.add.f32 [tilespmem:s29], [sflag:$0x3], $0x80, s23, s10, $0xb8;
	[tilespmem:$0x1C500] =	vst v63  }
0x84: {  	_ =	swait.ge [sflag:s30], $0x2800  }
0x85: {  	[sflag:s30] =	ssyncset.done $0x0  }
0x86: {  	[sflag:s30] =	ssyncadd.s32 $0xFFFFD800  }
0x87: {  	[bflag:$0x0] =	sbarrier.arrive $0xFFFF  }
0x88: {  	s17 =	sld [smem:$0x7E3];
	_ =	sdelay $0x1  }
0x89: {  	s12 =	simm.s32 @!p0 $0x1C03;
	s26 =	rddreg [dreg:$0x17]  }
0x8a: {  	[hbm:s26], [sflag:s12] =	dma.local @!p0 [spmem:s17], $0x800  }
0x8b: {  	_ =	swait.ge @!p0 [sflag:s28], $0x800  }
0x8c: {  	[sflag:s28] =	ssyncset.done @!p0 $0x0  }
0x8d: {  	s20 =	rddreg [dreg:$0x18];
	[sflag:s28] =	ssyncadd.s32 @!p0 $0xFFFFF800  }
0x8e: {  	[hbm:s20], [sflag:s12] =	dma.local @!p0 [spmem:s22], $0x800  }
0x8f: {  	_ =	swait.ge @!p0 [sflag:s28], $0x800  }
0x90: {  	[sflag:s28] =	ssyncset.done @!p0 $0x0  }
0x91: {  	[sflag:s28] =	ssyncadd.s32 @!p0 $0xFFFFF800  }
.LBB2_4:
0x92: {  	s25 =	sadd.s32 $0xFFFFFFFF, s25  }
0x93: {  	p2 =	sne.s32 s25, $0x0  }
.Ltmp1:
0x94: {  	_ = 	snop;
	(pc) =	sbr.rel @!p2 .LBB2_5-.Ltmp1, $1  }
0x95: {  	_ =	sdelay $0x3  }
.LBB2_1:
0x96: {  	s19 =	rddreg [dreg:$0xe]  }
0x97: {  	[tilespmem:s29], [sflag:$0x3] =	stream.linear.gather [hbm4b:s19+s3], $0x2800, $0x38;
	[tilespmem:$0x1C500] =	vst v63  }
0x98: {  	_ =	swait.ge [sflag:s30], $0x2800  }
0x99: {  	s12 =	sld [smem:$0x7E4]  }
0x9a: {  	s17 =	simm.s32 @!p0 $0x1C03;
	s19 =	sshrl.u32 @!p0 s0, $0x3;
	[sflag:s30] =	ssyncset.done $0x0  }
0x9b: {  	s28 =	simm.s32 @!p0 $0x3;
	[smem:$0x7E3] =	sst s19;
	[sflag:s30] =	ssyncadd.s32 $0xFFFFD800  }
0x9c: {  	[spmem:s19], [sflag:s17] =	dma.local @!p0 [hbm:s12], $0x800  }
0x9d: {  	_ =	swait.ge @!p0 [sflag:s28], $0x800  }
0x9e: {  	[sflag:s28] =	ssyncset.done @!p0 $0x0  }
0x9f: {  	s22 =	sshrl.u32 @!p0 s2, $0x3;
	[sflag:s28] =	ssyncadd.s32 @!p0 $0xFFFFF800  }
0xa0: {  	[spmem:s22], [sflag:s17] =	dma.local @!p0 [hbm:s12], $0x800  }
0xa1: {  	_ =	swait.ge @!p0 [sflag:s28], $0x800  }
0xa2: {  	[sflag:s28] =	ssyncset.done @!p0 $0x0  }
0xa3: {  	[sflag:s28] =	ssyncadd.s32 @!p0 $0xFFFFF800  }
0xa4: {  	[bflag:$0x0] =	sbarrier.arrive $0xFFFF  }
0xa5: {  	s26 =	rddreg [dreg:$0x6]  }
0xa6: {  	[tilespmem:s3], [sflag:$0x1] =	stream.linear.gather [hbm4b:s26+s3], $0xC800, $0x38;
	[tilespmem:$0x1C500] =	vst v63  }
0xa7: {  	s26 =	sld [smem:$0x7FC];
	_ =	sdelay $0x2  }
0xa8: {  	[tilespmem:s31], [sflag:$0x1] =	stream.linear.gather [hbm4b:s26+s3], $0x50, $0x38;
	[tilespmem:$0x1C500] =	vst v63  }
0xa9: {  	s17 =	rddreg [dreg:$0x16]  }
0xaa: {  	[tilespmem:s1], [sflag:$0x1] =	stream.linear.gather [hbm4b:s17+s3], $0x50, $0x38;
	[tilespmem:$0x1C500] =	vst v63  }
0xab: {  	s19 =	rddreg [dreg:$0x19]  }
0xac: {  	[tilespmem:s11], [sflag:$0x1] =	stream.linear.gather [hbm4b:s19+s3], $0x50, $0x38;
	[tilespmem:$0x1C500] =	vst v63  }
0xad: {  	s20 =	rddreg [dreg:$0x1a]  }
0xae: {  	[tilespmem:s21], [sflag:$0x1] =	stream.linear.gather [hbm4b:s20+s3], $0x50, $0x38;
	[tilespmem:$0x1C500] =	vst v63  }
0xaf: {  	s12 =	rddreg [dreg:$0x1b]  }
0xb0: {  	[tilespmem:s23], [sflag:$0x1] =	stream.linear.gather [hbm4b:s12+s3], $0x50, $0x38;
	[tilespmem:$0x1C500] =	vst v63  }
0xb1: {  	s17 =	rddreg [dreg:$0x7]  }
0xb2: {  	[tilespmem:s24], [sflag:$0x2] =	stream.linear.gather [hbm4b:s17+s3], $0xC800, $0x38;
	[tilespmem:$0x1C500] =	vst v63  }
0xb3: {  	s19 =	rddreg [dreg:$0xf]  }
0xb4: {  	[tilespmem:s4], [sflag:$0x2] =	stream.linear.gather [hbm4b:s19+s3], $0x50, $0x38;
	[tilespmem:$0x1C500] =	vst v63  }
0xb5: {  	s20 =	rddreg [dreg:$0x1c]  }
0xb6: {  	[tilespmem:s5], [sflag:$0x2] =	stream.linear.gather [hbm4b:s20+s3], $0x50, $0x38;
	[tilespmem:$0x1C500] =	vst v63  }
0xb7: {  	s12 =	rddreg [dreg:$0x1d]  }
0xb8: {  	[tilespmem:s6], [sflag:$0x2] =	stream.linear.gather [hbm4b:s12+s3], $0x50, $0x38;
	[tilespmem:$0x1C500] =	vst v63  }
0xb9: {  	s17 =	rddreg [dreg:$0x1e]  }
0xba: {  	[tilespmem:s7], [sflag:$0x2] =	stream.linear.gather [hbm4b:s17+s3], $0x50, $0x38;
	[tilespmem:$0x1C500] =	vst v63  }
0xbb: {  	s19 =	rddreg [dreg:$0x1f]  }
0xbc: {  	[tilespmem:s8], [sflag:$0x2] =	stream.linear.gather [hbm4b:s19+s3], $0x50, $0x38;
	[tilespmem:$0x1C500] =	vst v63  }
0xbd: {  	_ =	swait.ge [sflag:s9], $0xC800  }
0xbe: {  	[sflag:s9] =	ssyncset.done $0x0  }
0xbf: {  	[sflag:s9] =	ssyncadd.s32 $0xFFFF3800  }
0xc0: {  	_ =	swait.ge [sflag:s9], $0x50  }
0xc1: {  	[sflag:s9] =	ssyncset.done $0x0  }
0xc2: {  	[sflag:s9] =	ssyncadd.s32 $0xFFFFFFB0  }
0xc3: {  	_ =	swait.ge [sflag:s9], $0x50  }
0xc4: {  	[sflag:s9] =	ssyncset.done $0x0  }
0xc5: {  	[sflag:s9] =	ssyncadd.s32 $0xFFFFFFB0  }
0xc6: {  	_ =	swait.ge [sflag:s9], $0x50  }
0xc7: {  	[sflag:s9] =	ssyncset.done $0x0  }
0xc8: {  	[sflag:s9] =	ssyncadd.s32 $0xFFFFFFB0  }
0xc9: {  	_ =	swait.ge [sflag:s9], $0x50  }
0xca: {  	[sflag:s9] =	ssyncset.done $0x0  }
0xcb: {  	[sflag:s9] =	ssyncadd.s32 $0xFFFFFFB0  }
0xcc: {  	_ =	swait.ge [sflag:s9], $0x50  }
0xcd: {  	[sflag:s9] =	ssyncset.done $0x0  }
0xce: {  	[sflag:s9] =	ssyncadd.s32 $0xFFFFFFB0  }
0xcf: {  	[spmem:s0] =	stream.indirect.scatter.add.f32 [tilespmem:s3], [sflag:$0x3], $0x80, s31, s10, $0xb8;
	[tilespmem:$0x1C500] =	vst v63  }
0xd0: {  	_ =	swait.ge [sflag:s30], $0x2800  }
0xd1: {  	[sflag:s30] =	ssyncset.done $0x0  }
0xd2: {  	[sflag:s30] =	ssyncadd.s32 $0xFFFFD800  }
0xd3: {  	[spmem:s2] =	stream.indirect.scatter.add.f32 [tilespmem:s29], [sflag:$0x3], $0x80, s31, s10, $0xb8;
	[tilespmem:$0x1C500] =	vst v63  }
0xd4: {  	_ =	swait.ge [sflag:s30], $0x2800  }
0xd5: {  	[sflag:s30] =	ssyncset.done $0x0  }
0xd6: {  	[sflag:s30] =	ssyncadd.s32 $0xFFFFD800  }
0xd7: {  	[spmem:s0] =	stream.indirect.scatter.add.f32 [tilespmem:s13], [sflag:$0x3], $0x80, s1, s10, $0xb8;
	[tilespmem:$0x1C500] =	vst v63  }
0xd8: {  	_ =	swait.ge [sflag:s30], $0x2800  }
0xd9: {  	[sflag:s30] =	ssyncset.done $0x0  }
0xda: {  	[sflag:s30] =	ssyncadd.s32 $0xFFFFD800  }
0xdb: {  	[spmem:s2] =	stream.indirect.scatter.add.f32 [tilespmem:s29], [sflag:$0x3], $0x80, s1, s10, $0xb8;
	[tilespmem:$0x1C500] =	vst v63  }
0xdc: {  	_ =	swait.ge [sflag:s30], $0x2800  }
0xdd: {  	[sflag:s30] =	ssyncset.done $0x0  }
0xde: {  	[sflag:s30] =	ssyncadd.s32 $0xFFFFD800  }
0xdf: {  	[spmem:s0] =	stream.indirect.scatter.add.f32 [tilespmem:s14], [sflag:$0x3], $0x80, s11, s10, $0xb8;
	[tilespmem:$0x1C500] =	vst v63  }
0xe0: {  	_ =	swait.ge [sflag:s30], $0x2800  }
0xe1: {  	[sflag:s30] =	ssyncset.done $0x0  }
0xe2: {  	[sflag:s30] =	ssyncadd.s32 $0xFFFFD800  }
0xe3: {  	[spmem:s2] =	stream.indirect.scatter.add.f32 [tilespmem:s29], [sflag:$0x3], $0x80, s11, s10, $0xb8;
	[tilespmem:$0x1C500] =	vst v63  }
0xe4: {  	_ =	swait.ge [sflag:s30], $0x2800  }
0xe5: {  	[sflag:s30] =	ssyncset.done $0x0  }
0xe6: {  	[sflag:s30] =	ssyncadd.s32 $0xFFFFD800  }
0xe7: {  	[spmem:s0] =	stream.indirect.scatter.add.f32 [tilespmem:s15], [sflag:$0x3], $0x80, s21, s10, $0xb8;
	[tilespmem:$0x1C500] =	vst v63  }
0xe8: {  	_ =	swait.ge [sflag:s30], $0x2800  }
0xe9: {  	[sflag:s30] =	ssyncset.done $0x0  }
0xea: {  	[sflag:s30] =	ssyncadd.s32 $0xFFFFD800  }
0xeb: {  	[spmem:s2] =	stream.indirect.scatter.add.f32 [tilespmem:s29], [sflag:$0x3], $0x80, s21, s10, $0xb8;
	[tilespmem:$0x1C500] =	vst v63  }
0xec: {  	_ =	swait.ge [sflag:s30], $0x2800  }
0xed: {  	[sflag:s30] =	ssyncset.done $0x0  }
0xee: {  	[sflag:s30] =	ssyncadd.s32 $0xFFFFD800  }
0xef: {  	[spmem:s0] =	stream.indirect.scatter.add.f32 [tilespmem:s16], [sflag:$0x3], $0x80, s23, s10, $0xb8;
	[tilespmem:$0x1C500] =	vst v63  }
0xf0: {  	_ =	swait.ge [sflag:s30], $0x2800  }
0xf1: {  	[sflag:s30] =	ssyncset.done $0x0  }
0xf2: {  	[sflag:s30] =	ssyncadd.s32 $0xFFFFD800  }
0xf3: {  	[spmem:s2] =	stream.indirect.scatter.add.f32 [tilespmem:s29], [sflag:$0x3], $0x80, s23, s10, $0xb8;
	[tilespmem:$0x1C500] =	vst v63  }
0xf4: {  	_ =	swait.ge [sflag:s30], $0x2800  }
0xf5: {  	[sflag:s30] =	ssyncset.done $0x0;
	s20 =	rddreg [dreg:$0x8]  }
0xf6: {  	s12 =	rddreg [dreg:$0x10];
	[sflag:s30] =	ssyncadd.s32 $0xFFFFD800  }
0xf7: {  	[tilespmem:s3], [sflag:$0x1] =	stream.linear.gather [hbm4b:s20+s3], $0xC800, $0x38;
	[tilespmem:$0x1C500] =	vst v63  }
0xf8: {  	s13 =	sld [smem:$0x7E5]  }
0xf9: {  	[tilespmem:s31], [sflag:$0x1] =	stream.linear.gather [hbm4b:s12+s3], $0x50, $0x38;
	[tilespmem:$0x1C500] =	vst v63  }
0xfa: {  	s14 =	sld [smem:$0x7E6]  }
0xfb: {  	[tilespmem:s1], [sflag:$0x1] =	stream.linear.gather [hbm4b:s13+s3], $0x50, $0x38;
	[tilespmem:$0x1C500] =	vst v63  }
0xfc: {  	s15 =	sld [smem:$0x7E7]  }
0xfd: {  	[tilespmem:s11], [sflag:$0x1] =	stream.linear.gather [hbm4b:s14+s3], $0x50, $0x38;
	[tilespmem:$0x1C500] =	vst v63  }
0xfe: {  	s16 =	sld [smem:$0x7E8]  }
0xff: {  	[tilespmem:s21], [sflag:$0x1] =	stream.linear.gather [hbm4b:s15+s3], $0x50, $0x38;
	[tilespmem:$0x1C500] =	vst v63  }
0x100: {  	_ = 	snop  }
0x101: {  	[tilespmem:s23], [sflag:$0x1] =	stream.linear.gather [hbm4b:s16+s3], $0x50, $0x38;
	[tilespmem:$0x1C500] =	vst v63  }
0x102: {  	_ =	swait.ge [sflag:s18], $0xC800  }
0x103: {  	[sflag:s18] =	ssyncset.done $0x0  }
0x104: {  	[sflag:s18] =	ssyncadd.s32 $0xFFFF3800  }
0x105: {  	_ =	swait.ge [sflag:s18], $0x50  }
0x106: {  	[sflag:s18] =	ssyncset.done $0x0  }
0x107: {  	[sflag:s18] =	ssyncadd.s32 $0xFFFFFFB0  }
0x108: {  	_ =	swait.ge [sflag:s18], $0x50  }
0x109: {  	[sflag:s18] =	ssyncset.done $0x0  }
0x10a: {  	[sflag:s18] =	ssyncadd.s32 $0xFFFFFFB0  }
0x10b: {  	_ =	swait.ge [sflag:s18], $0x50  }
0x10c: {  	[sflag:s18] =	ssyncset.done $0x0  }
0x10d: {  	[sflag:s18] =	ssyncadd.s32 $0xFFFFFFB0  }
0x10e: {  	_ =	swait.ge [sflag:s18], $0x50  }
0x10f: {  	[sflag:s18] =	ssyncset.done $0x0  }
0x110: {  	[sflag:s18] =	ssyncadd.s32 $0xFFFFFFB0  }
0x111: {  	_ =	swait.ge [sflag:s18], $0x50  }
0x112: {  	[sflag:s18] =	ssyncset.done $0x0  }
0x113: {  	[sflag:s18] =	ssyncadd.s32 $0xFFFFFFB0  }
0x114: {  	[spmem:s0] =	stream.indirect.scatter.add.f32 [tilespmem:s24], [sflag:$0x3], $0x80, s4, s10, $0xb8;
	[tilespmem:$0x1C500] =	vst v63  }
0x115: {  	_ =	swait.ge [sflag:s30], $0x2800  }
0x116: {  	[sflag:s30] =	ssyncset.done $0x0  }
0x117: {  	[sflag:s30] =	ssyncadd.s32 $0xFFFFD800  }
0x118: {  	[spmem:s2] =	stream.indirect.scatter.add.f32 [tilespmem:s29], [sflag:$0x3], $0x80, s4, s10, $0xb8;
	[tilespmem:$0x1C500] =	vst v63  }
0x119: {  	_ =	swait.ge [sflag:s30], $0x2800  }
0x11a: {  	[sflag:s30] =	ssyncset.done $0x0  }
0x11b: {  	s12 =	simm.s32 $0xF000;
	[sflag:s30] =	ssyncadd.s32 $0xFFFFD800  }
0x11c: {  	[spmem:s0] =	stream.indirect.scatter.add.f32 [tilespmem:s12], [sflag:$0x3], $0x80, s5, s10, $0xb8;
	[tilespmem:$0x1C500] =	vst v63  }
0x11d: {  	_ =	swait.ge [sflag:s30], $0x2800  }
0x11e: {  	[sflag:s30] =	ssyncset.done $0x0  }
0x11f: {  	[sflag:s30] =	ssyncadd.s32 $0xFFFFD800  }
0x120: {  	[spmem:s2] =	stream.indirect.scatter.add.f32 [tilespmem:s29], [sflag:$0x3], $0x80, s5, s10, $0xb8;
	[tilespmem:$0x1C500] =	vst v63  }
0x121: {  	_ =	swait.ge [sflag:s30], $0x2800  }
0x122: {  	[sflag:s30] =	ssyncset.done $0x0  }
0x123: {  	s14 =	simm.s32 $0x11800;
	[sflag:s30] =	ssyncadd.s32 $0xFFFFD800  }
0x124: {  	[spmem:s0] =	stream.indirect.scatter.add.f32 [tilespmem:s14], [sflag:$0x3], $0x80, s6, s10, $0xb8;
	[tilespmem:$0x1C500] =	vst v63  }
0x125: {  	_ =	swait.ge [sflag:s30], $0x2800  }
0x126: {  	[sflag:s30] =	ssyncset.done $0x0  }
0x127: {  	[sflag:s30] =	ssyncadd.s32 $0xFFFFD800  }
0x128: {  	[spmem:s2] =	stream.indirect.scatter.add.f32 [tilespmem:s29], [sflag:$0x3], $0x80, s6, s10, $0xb8;
	[tilespmem:$0x1C500] =	vst v63  }
0x129: {  	_ =	swait.ge [sflag:s30], $0x2800  }
0x12a: {  	[sflag:s30] =	ssyncset.done $0x0  }
0x12b: {  	s19 =	simm.s32 $0x14000;
	[sflag:s30] =	ssyncadd.s32 $0xFFFFD800  }
0x12c: {  	[spmem:s0] =	stream.indirect.scatter.add.f32 [tilespmem:s19], [sflag:$0x3], $0x80, s7, s10, $0xb8;
	[tilespmem:$0x1C500] =	vst v63  }
0x12d: {  	_ =	swait.ge [sflag:s30], $0x2800  }
0x12e: {  	[sflag:s30] =	ssyncset.done $0x0  }
0x12f: {  	[sflag:s30] =	ssyncadd.s32 $0xFFFFD800  }
0x130: {  	[spmem:s2] =	stream.indirect.scatter.add.f32 [tilespmem:s29], [sflag:$0x3], $0x80, s7, s10, $0xb8;
	[tilespmem:$0x1C500] =	vst v63  }
0x131: {  	_ =	swait.ge [sflag:s30], $0x2800  }
0x132: {  	[sflag:s30] =	ssyncset.done $0x0  }
0x133: {  	s13 =	simm.s32 $0x16800;
	[sflag:s30] =	ssyncadd.s32 $0xFFFFD800  }
0x134: {  	[spmem:s0] =	stream.indirect.scatter.add.f32 [tilespmem:s13], [sflag:$0x3], $0x80, s8, s10, $0xb8;
	[tilespmem:$0x1C500] =	vst v63  }
0x135: {  	_ =	swait.ge [sflag:s30], $0x2800  }
0x136: {  	[sflag:s30] =	ssyncset.done $0x0  }
0x137: {  	[sflag:s30] =	ssyncadd.s32 $0xFFFFD800  }
0x138: {  	[spmem:s2] =	stream.indirect.scatter.add.f32 [tilespmem:s29], [sflag:$0x3], $0x80, s8, s10, $0xb8;
	[tilespmem:$0x1C500] =	vst v63  }
0x139: {  	_ =	swait.ge [sflag:s30], $0x2800  }
0x13a: {  	[sflag:s30] =	ssyncset.done $0x0  }
0x13b: {  	s26 =	rddreg [dreg:$0x9];
	[sflag:s30] =	ssyncadd.s32 $0xFFFFD800  }
0x13c: {  	[tilespmem:s24], [sflag:$0x2] =	stream.linear.gather [hbm4b:s26+s3], $0xC800, $0x38;
	[tilespmem:$0x1C500] =	vst v63  }
0x13d: {  	s26 =	rddreg [dreg:$0x11]  }
0x13e: {  	[tilespmem:s4], [sflag:$0x2] =	stream.linear.gather [hbm4b:s26+s3], $0x50, $0x38;
	[tilespmem:$0x1C500] =	vst v63  }
0x13f: {  	s26 =	sld [smem:$0x7E9];
	_ =	sdelay $0x2  }
0x140: {  	[tilespmem:s5], [sflag:$0x2] =	stream.linear.gather [hbm4b:s26+s3], $0x50, $0x38;
	[tilespmem:$0x1C500] =	vst v63  }
0x141: {  	s26 =	sld [smem:$0x7EA];
	_ =	sdelay $0x2  }
0x142: {  	[tilespmem:s6], [sflag:$0x2] =	stream.linear.gather [hbm4b:s26+s3], $0x50, $0x38;
	[tilespmem:$0x1C500] =	vst v63  }
0x143: {  	s26 =	sld [smem:$0x7EB];
	_ =	sdelay $0x2  }
0x144: {  	[tilespmem:s7], [sflag:$0x2] =	stream.linear.gather [hbm4b:s26+s3], $0x50, $0x38;
	[tilespmem:$0x1C500] =	vst v63  }
0x145: {  	s26 =	sld [smem:$0x7EC];
	_ =	sdelay $0x2  }
0x146: {  	[tilespmem:s8], [sflag:$0x2] =	stream.linear.gather [hbm4b:s26+s3], $0x50, $0x38;
	[tilespmem:$0x1C500] =	vst v63  }
0x147: {  	_ =	swait.ge [sflag:s9], $0xC800  }
0x148: {  	[sflag:s9] =	ssyncset.done $0x0  }
0x149: {  	[sflag:s9] =	ssyncadd.s32 $0xFFFF3800  }
0x14a: {  	_ =	swait.ge [sflag:s9], $0x50  }
0x14b: {  	[sflag:s9] =	ssyncset.done $0x0  }
0x14c: {  	[sflag:s9] =	ssyncadd.s32 $0xFFFFFFB0  }
0x14d: {  	_ =	swait.ge [sflag:s9], $0x50  }
0x14e: {  	[sflag:s9] =	ssyncset.done $0x0  }
0x14f: {  	[sflag:s9] =	ssyncadd.s32 $0xFFFFFFB0  }
0x150: {  	_ =	swait.ge [sflag:s9], $0x50  }
0x151: {  	[sflag:s9] =	ssyncset.done $0x0  }
0x152: {  	[sflag:s9] =	ssyncadd.s32 $0xFFFFFFB0  }
0x153: {  	_ =	swait.ge [sflag:s9], $0x50  }
0x154: {  	[sflag:s9] =	ssyncset.done $0x0  }
0x155: {  	[sflag:s9] =	ssyncadd.s32 $0xFFFFFFB0  }
0x156: {  	_ =	swait.ge [sflag:s9], $0x50  }
0x157: {  	[sflag:s9] =	ssyncset.done $0x0  }
0x158: {  	[sflag:s9] =	ssyncadd.s32 $0xFFFFFFB0  }
0x159: {  	[spmem:s0] =	stream.indirect.scatter.add.f32 [tilespmem:s3], [sflag:$0x3], $0x80, s31, s10, $0xb8;
	[tilespmem:$0x1C500] =	vst v63  }
0x15a: {  	_ =	swait.ge [sflag:s30], $0x2800  }
0x15b: {  	[sflag:s30] =	ssyncset.done $0x0  }
0x15c: {  	[sflag:s30] =	ssyncadd.s32 $0xFFFFD800  }
0x15d: {  	[spmem:s2] =	stream.indirect.scatter.add.f32 [tilespmem:s29], [sflag:$0x3], $0x80, s31, s10, $0xb8;
	[tilespmem:$0x1C500] =	vst v63  }
0x15e: {  	_ =	swait.ge [sflag:s30], $0x2800  }
0x15f: {  	[sflag:s30] =	ssyncset.done $0x0  }
0x160: {  	s15 =	simm.s32 $0x2800;
	[sflag:s30] =	ssyncadd.s32 $0xFFFFD800  }
0x161: {  	[spmem:s0] =	stream.indirect.scatter.add.f32 [tilespmem:s15], [sflag:$0x3], $0x80, s1, s10, $0xb8;
	[tilespmem:$0x1C500] =	vst v63  }
0x162: {  	_ =	swait.ge [sflag:s30], $0x2800  }
0x163: {  	[sflag:s30] =	ssyncset.done $0x0  }
0x164: {  	[sflag:s30] =	ssyncadd.s32 $0xFFFFD800  }
0x165: {  	[spmem:s2] =	stream.indirect.scatter.add.f32 [tilespmem:s29], [sflag:$0x3], $0x80, s1, s10, $0xb8;
	[tilespmem:$0x1C500] =	vst v63  }
0x166: {  	_ =	swait.ge [sflag:s30], $0x2800  }
0x167: {  	[sflag:s30] =	ssyncset.done $0x0  }
0x168: {  	s16 =	simm.s32 $0x5000;
	[sflag:s30] =	ssyncadd.s32 $0xFFFFD800  }
0x169: {  	[spmem:s0] =	stream.indirect.scatter.add.f32 [tilespmem:s16], [sflag:$0x3], $0x80, s11, s10, $0xb8;
	[tilespmem:$0x1C500] =	vst v63  }
0x16a: {  	_ =	swait.ge [sflag:s30], $0x2800  }
0x16b: {  	[sflag:s30] =	ssyncset.done $0x0  }
0x16c: {  	[sflag:s30] =	ssyncadd.s32 $0xFFFFD800  }
0x16d: {  	[spmem:s2] =	stream.indirect.scatter.add.f32 [tilespmem:s29], [sflag:$0x3], $0x80, s11, s10, $0xb8;
	[tilespmem:$0x1C500] =	vst v63  }
0x16e: {  	_ =	swait.ge [sflag:s30], $0x2800  }
0x16f: {  	[sflag:s30] =	ssyncset.done $0x0  }
0x170: {  	s17 =	simm.s32 $0x7800;
	[sflag:s30] =	ssyncadd.s32 $0xFFFFD800  }
0x171: {  	[spmem:s0] =	stream.indirect.scatter.add.f32 [tilespmem:s17], [sflag:$0x3], $0x80, s21, s10, $0xb8;
	[tilespmem:$0x1C500] =	vst v63  }
0x172: {  	_ =	swait.ge [sflag:s30], $0x2800  }
0x173: {  	[sflag:s30] =	ssyncset.done $0x0  }
0x174: {  	[sflag:s30] =	ssyncadd.s32 $0xFFFFD800  }
0x175: {  	[spmem:s2] =	stream.indirect.scatter.add.f32 [tilespmem:s29], [sflag:$0x3], $0x80, s21, s10, $0xb8;
	[tilespmem:$0x1C500] =	vst v63  }
0x176: {  	_ =	swait.ge [sflag:s30], $0x2800  }
0x177: {  	[sflag:s30] =	ssyncset.done $0x0  }
0x178: {  	s20 =	simm.s32 $0xA000;
	[sflag:s30] =	ssyncadd.s32 $0xFFFFD800  }
0x179: {  	[spmem:s0] =	stream.indirect.scatter.add.f32 [tilespmem:s20], [sflag:$0x3], $0x80, s23, s10, $0xb8;
	[tilespmem:$0x1C500] =	vst v63  }
0x17a: {  	_ =	swait.ge [sflag:s30], $0x2800  }
0x17b: {  	[sflag:s30] =	ssyncset.done $0x0  }
0x17c: {  	[sflag:s30] =	ssyncadd.s32 $0xFFFFD800  }
0x17d: {  	[spmem:s2] =	stream.indirect.scatter.add.f32 [tilespmem:s29], [sflag:$0x3], $0x80, s23, s10, $0xb8;
	[tilespmem:$0x1C500] =	vst v63  }
0x17e: {  	_ =	swait.ge [sflag:s30], $0x2800  }
0x17f: {  	[sflag:s30] =	ssyncset.done $0x0;
	s17 =	rddreg [dreg:$0xa]  }
0x180: {  	s20 =	rddreg [dreg:$0x12];
	[sflag:s30] =	ssyncadd.s32 $0xFFFFD800  }
0x181: {  	[tilespmem:s3], [sflag:$0x1] =	stream.linear.gather [hbm4b:s17+s3], $0xC800, $0x38;
	[tilespmem:$0x1C500] =	vst v63  }
0x182: {  	s17 =	sld [smem:$0x7ED]  }
0x183: {  	[tilespmem:s31], [sflag:$0x1] =	stream.linear.gather [hbm4b:s20+s3], $0x50, $0x38;
	[tilespmem:$0x1C500] =	vst v63  }
0x184: {  	s20 =	sld [smem:$0x7EE]  }
0x185: {  	[tilespmem:s1], [sflag:$0x1] =	stream.linear.gather [hbm4b:s17+s3], $0x50, $0x38;
	[tilespmem:$0x1C500] =	vst v63  }
0x186: {  	s17 =	sld [smem:$0x7EF]  }
0x187: {  	[tilespmem:s11], [sflag:$0x1] =	stream.linear.gather [hbm4b:s20+s3], $0x50, $0x38;
	[tilespmem:$0x1C500] =	vst v63  }
0x188: {  	s20 =	sld [smem:$0x7F0]  }
0x189: {  	[tilespmem:s21], [sflag:$0x1] =	stream.linear.gather [hbm4b:s17+s3], $0x50, $0x38;
	[tilespmem:$0x1C500] =	vst v63  }
0x18a: {  	_ = 	snop  }
0x18b: {  	[tilespmem:s23], [sflag:$0x1] =	stream.linear.gather [hbm4b:s20+s3], $0x50, $0x38;
	[tilespmem:$0x1C500] =	vst v63  }
0x18c: {  	_ =	swait.ge [sflag:s18], $0xC800  }
0x18d: {  	[sflag:s18] =	ssyncset.done $0x0  }
0x18e: {  	[sflag:s18] =	ssyncadd.s32 $0xFFFF3800  }
0x18f: {  	_ =	swait.ge [sflag:s18], $0x50  }
0x190: {  	[sflag:s18] =	ssyncset.done $0x0  }
0x191: {  	[sflag:s18] =	ssyncadd.s32 $0xFFFFFFB0  }
0x192: {  	_ =	swait.ge [sflag:s18], $0x50  }
0x193: {  	[sflag:s18] =	ssyncset.done $0x0  }
0x194: {  	[sflag:s18] =	ssyncadd.s32 $0xFFFFFFB0  }
0x195: {  	_ =	swait.ge [sflag:s18], $0x50  }
0x196: {  	[sflag:s18] =	ssyncset.done $0x0  }
0x197: {  	[sflag:s18] =	ssyncadd.s32 $0xFFFFFFB0  }
0x198: {  	_ =	swait.ge [sflag:s18], $0x50  }
0x199: {  	[sflag:s18] =	ssyncset.done $0x0  }
0x19a: {  	[sflag:s18] =	ssyncadd.s32 $0xFFFFFFB0  }
0x19b: {  	_ =	swait.ge [sflag:s18], $0x50  }
0x19c: {  	[sflag:s18] =	ssyncset.done $0x0  }
0x19d: {  	[sflag:s18] =	ssyncadd.s32 $0xFFFFFFB0  }
0x19e: {  	[spmem:s0] =	stream.indirect.scatter.add.f32 [tilespmem:s24], [sflag:$0x3], $0x80, s4, s10, $0xb8;
	[tilespmem:$0x1C500] =	vst v63  }
0x19f: {  	_ =	swait.ge [sflag:s30], $0x2800  }
0x1a0: {  	[sflag:s30] =	ssyncset.done $0x0  }
0x1a1: {  	[sflag:s30] =	ssyncadd.s32 $0xFFFFD800  }
0x1a2: {  	[spmem:s2] =	stream.indirect.scatter.add.f32 [tilespmem:s29], [sflag:$0x3], $0x80, s4, s10, $0xb8;
	[tilespmem:$0x1C500] =	vst v63  }
0x1a3: {  	_ =	swait.ge [sflag:s30], $0x2800  }
0x1a4: {  	[sflag:s30] =	ssyncset.done $0x0  }
0x1a5: {  	[sflag:s30] =	ssyncadd.s32 $0xFFFFD800  }
0x1a6: {  	[spmem:s0] =	stream.indirect.scatter.add.f32 [tilespmem:s12], [sflag:$0x3], $0x80, s5, s10, $0xb8;
	[tilespmem:$0x1C500] =	vst v63  }
0x1a7: {  	_ =	swait.ge [sflag:s30], $0x2800  }
0x1a8: {  	[sflag:s30] =	ssyncset.done $0x0  }
0x1a9: {  	[sflag:s30] =	ssyncadd.s32 $0xFFFFD800  }
0x1aa: {  	[spmem:s2] =	stream.indirect.scatter.add.f32 [tilespmem:s29], [sflag:$0x3], $0x80, s5, s10, $0xb8;
	[tilespmem:$0x1C500] =	vst v63  }
0x1ab: {  	_ =	swait.ge [sflag:s30], $0x2800  }
0x1ac: {  	[sflag:s30] =	ssyncset.done $0x0  }
0x1ad: {  	[sflag:s30] =	ssyncadd.s32 $0xFFFFD800  }
0x1ae: {  	[spmem:s0] =	stream.indirect.scatter.add.f32 [tilespmem:s14], [sflag:$0x3], $0x80, s6, s10, $0xb8;
	[tilespmem:$0x1C500] =	vst v63  }
0x1af: {  	_ =	swait.ge [sflag:s30], $0x2800  }
0x1b0: {  	[sflag:s30] =	ssyncset.done $0x0  }
0x1b1: {  	[sflag:s30] =	ssyncadd.s32 $0xFFFFD800  }
0x1b2: {  	[spmem:s2] =	stream.indirect.scatter.add.f32 [tilespmem:s29], [sflag:$0x3], $0x80, s6, s10, $0xb8;
	[tilespmem:$0x1C500] =	vst v63  }
0x1b3: {  	_ =	swait.ge [sflag:s30], $0x2800  }
0x1b4: {  	[sflag:s30] =	ssyncset.done $0x0  }
0x1b5: {  	[sflag:s30] =	ssyncadd.s32 $0xFFFFD800  }
0x1b6: {  	[spmem:s0] =	stream.indirect.scatter.add.f32 [tilespmem:s19], [sflag:$0x3], $0x80, s7, s10, $0xb8;
	[tilespmem:$0x1C500] =	vst v63  }
0x1b7: {  	_ =	swait.ge [sflag:s30], $0x2800  }
0x1b8: {  	[sflag:s30] =	ssyncset.done $0x0  }
0x1b9: {  	[sflag:s30] =	ssyncadd.s32 $0xFFFFD800  }
0x1ba: {  	[spmem:s2] =	stream.indirect.scatter.add.f32 [tilespmem:s29], [sflag:$0x3], $0x80, s7, s10, $0xb8;
	[tilespmem:$0x1C500] =	vst v63  }
0x1bb: {  	_ =	swait.ge [sflag:s30], $0x2800  }
0x1bc: {  	[sflag:s30] =	ssyncset.done $0x0  }
0x1bd: {  	[sflag:s30] =	ssyncadd.s32 $0xFFFFD800  }
0x1be: {  	[spmem:s0] =	stream.indirect.scatter.add.f32 [tilespmem:s13], [sflag:$0x3], $0x80, s8, s10, $0xb8;
	[tilespmem:$0x1C500] =	vst v63  }
0x1bf: {  	_ =	swait.ge [sflag:s30], $0x2800  }
0x1c0: {  	[sflag:s30] =	ssyncset.done $0x0  }
0x1c1: {  	[sflag:s30] =	ssyncadd.s32 $0xFFFFD800  }
0x1c2: {  	[spmem:s2] =	stream.indirect.scatter.add.f32 [tilespmem:s29], [sflag:$0x3], $0x80, s8, s10, $0xb8;
	[tilespmem:$0x1C500] =	vst v63  }
0x1c3: {  	_ =	swait.ge [sflag:s30], $0x2800  }
0x1c4: {  	[sflag:s30] =	ssyncset.done $0x0;
	s17 =	rddreg [dreg:$0xb]  }
0x1c5: {  	s20 =	rddreg [dreg:$0x13];
	[sflag:s30] =	ssyncadd.s32 $0xFFFFD800  }
0x1c6: {  	[tilespmem:s24], [sflag:$0x2] =	stream.linear.gather [hbm4b:s17+s3], $0xC800, $0x38;
	[tilespmem:$0x1C500] =	vst v63  }
0x1c7: {  	s17 =	sld [smem:$0x7F1]  }
0x1c8: {  	[tilespmem:s4], [sflag:$0x2] =	stream.linear.gather [hbm4b:s20+s3], $0x50, $0x38;
	[tilespmem:$0x1C500] =	vst v63  }
0x1c9: {  	s20 =	sld [smem:$0x7F2]  }
0x1ca: {  	[tilespmem:s5], [sflag:$0x2] =	stream.linear.gather [hbm4b:s17+s3], $0x50, $0x38;
	[tilespmem:$0x1C500] =	vst v63  }
0x1cb: {  	s17 =	sld [smem:$0x7F3]  }
0x1cc: {  	[tilespmem:s6], [sflag:$0x2] =	stream.linear.gather [hbm4b:s20+s3], $0x50, $0x38;
	[tilespmem:$0x1C500] =	vst v63  }
0x1cd: {  	s20 =	sld [smem:$0x7F4]  }
0x1ce: {  	[tilespmem:s7], [sflag:$0x2] =	stream.linear.gather [hbm4b:s17+s3], $0x50, $0x38;
	[tilespmem:$0x1C500] =	vst v63  }
0x1cf: {  	_ = 	snop  }
0x1d0: {  	[tilespmem:s8], [sflag:$0x2] =	stream.linear.gather [hbm4b:s20+s3], $0x50, $0x38;
	[tilespmem:$0x1C500] =	vst v63  }
0x1d1: {  	_ =	swait.ge [sflag:s9], $0xC800  }
0x1d2: {  	[sflag:s9] =	ssyncset.done $0x0  }
0x1d3: {  	[sflag:s9] =	ssyncadd.s32 $0xFFFF3800  }
0x1d4: {  	_ =	swait.ge [sflag:s9], $0x50  }
0x1d5: {  	[sflag:s9] =	ssyncset.done $0x0  }
0x1d6: {  	[sflag:s9] =	ssyncadd.s32 $0xFFFFFFB0  }
0x1d7: {  	_ =	swait.ge [sflag:s9], $0x50  }
0x1d8: {  	[sflag:s9] =	ssyncset.done $0x0  }
0x1d9: {  	[sflag:s9] =	ssyncadd.s32 $0xFFFFFFB0  }
0x1da: {  	_ =	swait.ge [sflag:s9], $0x50  }
0x1db: {  	[sflag:s9] =	ssyncset.done $0x0  }
0x1dc: {  	[sflag:s9] =	ssyncadd.s32 $0xFFFFFFB0  }
0x1dd: {  	_ =	swait.ge [sflag:s9], $0x50  }
0x1de: {  	[sflag:s9] =	ssyncset.done $0x0  }
0x1df: {  	[sflag:s9] =	ssyncadd.s32 $0xFFFFFFB0  }
0x1e0: {  	_ =	swait.ge [sflag:s9], $0x50  }
0x1e1: {  	[sflag:s9] =	ssyncset.done $0x0  }
0x1e2: {  	[sflag:s9] =	ssyncadd.s32 $0xFFFFFFB0  }
0x1e3: {  	[spmem:s0] =	stream.indirect.scatter.add.f32 [tilespmem:s3], [sflag:$0x3], $0x80, s31, s10, $0xb8;
	[tilespmem:$0x1C500] =	vst v63  }
0x1e4: {  	_ =	swait.ge [sflag:s30], $0x2800  }
0x1e5: {  	[sflag:s30] =	ssyncset.done $0x0  }
0x1e6: {  	[sflag:s30] =	ssyncadd.s32 $0xFFFFD800  }
0x1e7: {  	[spmem:s2] =	stream.indirect.scatter.add.f32 [tilespmem:s29], [sflag:$0x3], $0x80, s31, s10, $0xb8;
	[tilespmem:$0x1C500] =	vst v63  }
0x1e8: {  	_ =	swait.ge [sflag:s30], $0x2800  }
0x1e9: {  	[sflag:s30] =	ssyncset.done $0x0  }
0x1ea: {  	[sflag:s30] =	ssyncadd.s32 $0xFFFFD800  }
0x1eb: {  	[spmem:s0] =	stream.indirect.scatter.add.f32 [tilespmem:s15], [sflag:$0x3], $0x80, s1, s10, $0xb8;
	[tilespmem:$0x1C500] =	vst v63  }
0x1ec: {  	_ =	swait.ge [sflag:s30], $0x2800  }
0x1ed: {  	[sflag:s30] =	ssyncset.done $0x0  }
0x1ee: {  	[sflag:s30] =	ssyncadd.s32 $0xFFFFD800  }
0x1ef: {  	[spmem:s2] =	stream.indirect.scatter.add.f32 [tilespmem:s29], [sflag:$0x3], $0x80, s1, s10, $0xb8;
	[tilespmem:$0x1C500] =	vst v63  }
0x1f0: {  	_ =	swait.ge [sflag:s30], $0x2800  }
0x1f1: {  	[sflag:s30] =	ssyncset.done $0x0  }
0x1f2: {  	[sflag:s30] =	ssyncadd.s32 $0xFFFFD800  }
0x1f3: {  	[spmem:s0] =	stream.indirect.scatter.add.f32 [tilespmem:s16], [sflag:$0x3], $0x80, s11, s10, $0xb8;
	[tilespmem:$0x1C500] =	vst v63  }
0x1f4: {  	_ =	swait.ge [sflag:s30], $0x2800  }
0x1f5: {  	[sflag:s30] =	ssyncset.done $0x0  }
0x1f6: {  	[sflag:s30] =	ssyncadd.s32 $0xFFFFD800  }
0x1f7: {  	[spmem:s2] =	stream.indirect.scatter.add.f32 [tilespmem:s29], [sflag:$0x3], $0x80, s11, s10, $0xb8;
	[tilespmem:$0x1C500] =	vst v63  }
0x1f8: {  	_ =	swait.ge [sflag:s30], $0x2800  }
0x1f9: {  	[sflag:s30] =	ssyncset.done $0x0  }
0x1fa: {  	s15 =	simm.s32 $0x7800;
	[sflag:s30] =	ssyncadd.s32 $0xFFFFD800  }
0x1fb: {  	[spmem:s0] =	stream.indirect.scatter.add.f32 [tilespmem:s15], [sflag:$0x3], $0x80, s21, s10, $0xb8;
	[tilespmem:$0x1C500] =	vst v63  }
0x1fc: {  	_ =	swait.ge [sflag:s30], $0x2800  }
0x1fd: {  	[sflag:s30] =	ssyncset.done $0x0  }
0x1fe: {  	[sflag:s30] =	ssyncadd.s32 $0xFFFFD800  }
0x1ff: {  	[spmem:s2] =	stream.indirect.scatter.add.f32 [tilespmem:s29], [sflag:$0x3], $0x80, s21, s10, $0xb8;
	[tilespmem:$0x1C500] =	vst v63  }
0x200: {  	_ =	swait.ge [sflag:s30], $0x2800  }
0x201: {  	[sflag:s30] =	ssyncset.done $0x0  }
0x202: {  	s16 =	simm.s32 $0xA000;
	[sflag:s30] =	ssyncadd.s32 $0xFFFFD800  }
0x203: {  	[spmem:s0] =	stream.indirect.scatter.add.f32 [tilespmem:s16], [sflag:$0x3], $0x80, s23, s10, $0xb8;
	[tilespmem:$0x1C500] =	vst v63  }
0x204: {  	_ =	swait.ge [sflag:s30], $0x2800  }
0x205: {  	[sflag:s30] =	ssyncset.done $0x0  }
0x206: {  	[sflag:s30] =	ssyncadd.s32 $0xFFFFD800  }
0x207: {  	[spmem:s2] =	stream.indirect.scatter.add.f32 [tilespmem:s29], [sflag:$0x3], $0x80, s23, s10, $0xb8;
	[tilespmem:$0x1C500] =	vst v63  }
0x208: {  	_ =	swait.ge [sflag:s30], $0x2800  }
0x209: {  	[sflag:s30] =	ssyncset.done $0x0;
	s17 =	rddreg [dreg:$0xc]  }
0x20a: {  	s20 =	rddreg [dreg:$0x14];
	[sflag:s30] =	ssyncadd.s32 $0xFFFFD800  }
0x20b: {  	[tilespmem:s3], [sflag:$0x1] =	stream.linear.gather [hbm4b:s17+s3], $0xC800, $0x38;
	[tilespmem:$0x1C500] =	vst v63  }
0x20c: {  	s17 =	sld [smem:$0x7F5]  }
0x20d: {  	[tilespmem:s31], [sflag:$0x1] =	stream.linear.gather [hbm4b:s20+s3], $0x50, $0x38;
	[tilespmem:$0x1C500] =	vst v63  }
0x20e: {  	s20 =	sld [smem:$0x7F6]  }
0x20f: {  	[tilespmem:s1], [sflag:$0x1] =	stream.linear.gather [hbm4b:s17+s3], $0x50, $0x38;
	[tilespmem:$0x1C500] =	vst v63  }
0x210: {  	s17 =	sld [smem:$0x7F7]  }
0x211: {  	[tilespmem:s11], [sflag:$0x1] =	stream.linear.gather [hbm4b:s20+s3], $0x50, $0x38;
	[tilespmem:$0x1C500] =	vst v63  }
0x212: {  	s20 =	sld [smem:$0x7F8]  }
0x213: {  	[tilespmem:s21], [sflag:$0x1] =	stream.linear.gather [hbm4b:s17+s3], $0x50, $0x38;
	[tilespmem:$0x1C500] =	vst v63  }
0x214: {  	_ = 	snop  }
0x215: {  	[tilespmem:s23], [sflag:$0x1] =	stream.linear.gather [hbm4b:s20+s3], $0x50, $0x38;
	[tilespmem:$0x1C500] =	vst v63  }
0x216: {  	_ =	swait.ge [sflag:s18], $0xC800  }
0x217: {  	[sflag:s18] =	ssyncset.done $0x0  }
0x218: {  	[sflag:s18] =	ssyncadd.s32 $0xFFFF3800  }
0x219: {  	_ =	swait.ge [sflag:s18], $0x50  }
0x21a: {  	[sflag:s18] =	ssyncset.done $0x0  }
0x21b: {  	[sflag:s18] =	ssyncadd.s32 $0xFFFFFFB0  }
0x21c: {  	_ =	swait.ge [sflag:s18], $0x50  }
0x21d: {  	[sflag:s18] =	ssyncset.done $0x0  }
0x21e: {  	[sflag:s18] =	ssyncadd.s32 $0xFFFFFFB0  }
0x21f: {  	_ =	swait.ge [sflag:s18], $0x50  }
0x220: {  	[sflag:s18] =	ssyncset.done $0x0  }
0x221: {  	[sflag:s18] =	ssyncadd.s32 $0xFFFFFFB0  }
0x222: {  	_ =	swait.ge [sflag:s18], $0x50  }
0x223: {  	[sflag:s18] =	ssyncset.done $0x0  }
0x224: {  	[sflag:s18] =	ssyncadd.s32 $0xFFFFFFB0  }
0x225: {  	_ =	swait.ge [sflag:s18], $0x50  }
0x226: {  	[sflag:s18] =	ssyncset.done $0x0  }
0x227: {  	[sflag:s18] =	ssyncadd.s32 $0xFFFFFFB0  }
0x228: {  	[spmem:s0] =	stream.indirect.scatter.add.f32 [tilespmem:s24], [sflag:$0x3], $0x80, s4, s10, $0xb8;
	[tilespmem:$0x1C500] =	vst v63  }
0x229: {  	_ =	swait.ge [sflag:s30], $0x2800  }
0x22a: {  	[sflag:s30] =	ssyncset.done $0x0  }
0x22b: {  	[sflag:s30] =	ssyncadd.s32 $0xFFFFD800  }
0x22c: {  	[spmem:s2] =	stream.indirect.scatter.add.f32 [tilespmem:s29], [sflag:$0x3], $0x80, s4, s10, $0xb8;
	[tilespmem:$0x1C500] =	vst v63  }
0x22d: {  	_ =	swait.ge [sflag:s30], $0x2800  }
0x22e: {  	[sflag:s30] =	ssyncset.done $0x0  }
0x22f: {  	[sflag:s30] =	ssyncadd.s32 $0xFFFFD800  }
0x230: {  	[spmem:s0] =	stream.indirect.scatter.add.f32 [tilespmem:s12], [sflag:$0x3], $0x80, s5, s10, $0xb8;
	[tilespmem:$0x1C500] =	vst v63  }
0x231: {  	_ =	swait.ge [sflag:s30], $0x2800  }
0x232: {  	[sflag:s30] =	ssyncset.done $0x0  }
0x233: {  	[sflag:s30] =	ssyncadd.s32 $0xFFFFD800  }
0x234: {  	[spmem:s2] =	stream.indirect.scatter.add.f32 [tilespmem:s29], [sflag:$0x3], $0x80, s5, s10, $0xb8;
	[tilespmem:$0x1C500] =	vst v63  }
0x235: {  	_ =	swait.ge [sflag:s30], $0x2800  }
0x236: {  	[sflag:s30] =	ssyncset.done $0x0  }
0x237: {  	[sflag:s30] =	ssyncadd.s32 $0xFFFFD800  }
0x238: {  	[spmem:s0] =	stream.indirect.scatter.add.f32 [tilespmem:s14], [sflag:$0x3], $0x80, s6, s10, $0xb8;
	[tilespmem:$0x1C500] =	vst v63  }
0x239: {  	_ =	swait.ge [sflag:s30], $0x2800  }
0x23a: {  	[sflag:s30] =	ssyncset.done $0x0  }
0x23b: {  	[sflag:s30] =	ssyncadd.s32 $0xFFFFD800  }
0x23c: {  	[spmem:s2] =	stream.indirect.scatter.add.f32 [tilespmem:s29], [sflag:$0x3], $0x80, s6, s10, $0xb8;
	[tilespmem:$0x1C500] =	vst v63  }
0x23d: {  	_ =	swait.ge [sflag:s30], $0x2800  }
0x23e: {  	[sflag:s30] =	ssyncset.done $0x0  }
0x23f: {  	[sflag:s30] =	ssyncadd.s32 $0xFFFFD800  }
0x240: {  	[spmem:s0] =	stream.indirect.scatter.add.f32 [tilespmem:s19], [sflag:$0x3], $0x80, s7, s10, $0xb8;
	[tilespmem:$0x1C500] =	vst v63  }
0x241: {  	_ =	swait.ge [sflag:s30], $0x2800  }
0x242: {  	[sflag:s30] =	ssyncset.done $0x0  }
0x243: {  	[sflag:s30] =	ssyncadd.s32 $0xFFFFD800  }
0x244: {  	[spmem:s2] =	stream.indirect.scatter.add.f32 [tilespmem:s29], [sflag:$0x3], $0x80, s7, s10, $0xb8;
	[tilespmem:$0x1C500] =	vst v63  }
0x245: {  	_ =	swait.ge [sflag:s30], $0x2800  }
0x246: {  	[sflag:s30] =	ssyncset.done $0x0  }
0x247: {  	[sflag:s30] =	ssyncadd.s32 $0xFFFFD800  }
0x248: {  	[spmem:s0] =	stream.indirect.scatter.add.f32 [tilespmem:s13], [sflag:$0x3], $0x80, s8, s10, $0xb8;
	[tilespmem:$0x1C500] =	vst v63  }
0x249: {  	_ =	swait.ge [sflag:s30], $0x2800  }
0x24a: {  	[sflag:s30] =	ssyncset.done $0x0  }
0x24b: {  	[sflag:s30] =	ssyncadd.s32 $0xFFFFD800  }
0x24c: {  	[spmem:s2] =	stream.indirect.scatter.add.f32 [tilespmem:s29], [sflag:$0x3], $0x80, s8, s10, $0xb8;
	[tilespmem:$0x1C500] =	vst v63  }
0x24d: {  	_ =	swait.ge [sflag:s30], $0x2800  }
0x24e: {  	[sflag:s30] =	ssyncset.done $0x0  }
0x24f: {  	[sflag:s30] =	ssyncadd.s32 $0xFFFFD800  }
0x250: {  	_ =	swait.ge [sflag:s9], $0xC800  }
0x251: {  	[sflag:s9] =	ssyncset.done $0x0  }
0x252: {  	[sflag:s9] =	ssyncadd.s32 $0xFFFF3800  }
0x253: {  	_ =	swait.ge [sflag:s9], $0x50  }
0x254: {  	[sflag:s9] =	ssyncset.done $0x0  }
0x255: {  	[sflag:s9] =	ssyncadd.s32 $0xFFFFFFB0  }
0x256: {  	_ =	swait.ge [sflag:s9], $0x50  }
0x257: {  	[sflag:s9] =	ssyncset.done $0x0  }
0x258: {  	[sflag:s9] =	ssyncadd.s32 $0xFFFFFFB0  }
0x259: {  	_ =	swait.ge [sflag:s9], $0x50  }
0x25a: {  	[sflag:s9] =	ssyncset.done $0x0  }
0x25b: {  	[sflag:s9] =	ssyncadd.s32 $0xFFFFFFB0  }
0x25c: {  	_ =	swait.ge [sflag:s9], $0x50  }
0x25d: {  	[sflag:s9] =	ssyncset.done $0x0  }
0x25e: {  	[sflag:s9] =	ssyncadd.s32 $0xFFFFFFB0  }
0x25f: {  	_ =	swait.ge [sflag:s9], $0x50  }
0x260: {  	[sflag:s9] =	ssyncset.done $0x0  }
0x261: {  	[sflag:s9] =	ssyncadd.s32 $0xFFFFFFB0  }
0x262: {  	[spmem:s0] =	stream.indirect.scatter.add.f32 [tilespmem:s3], [sflag:$0x3], $0x80, s31, s10, $0xb8;
	[tilespmem:$0x1C500] =	vst v63  }
0x263: {  	_ =	swait.ge [sflag:s30], $0x2800  }
0x264: {  	[sflag:s30] =	ssyncset.done $0x0  }
0x265: {  	[sflag:s30] =	ssyncadd.s32 $0xFFFFD800  }
0x266: {  	[spmem:s2] =	stream.indirect.scatter.add.f32 [tilespmem:s29], [sflag:$0x3], $0x80, s31, s10, $0xb8;
	[tilespmem:$0x1C500] =	vst v63  }
0x267: {  	_ =	swait.ge [sflag:s30], $0x2800  }
0x268: {  	[sflag:s30] =	ssyncset.done $0x0  }
0x269: {  	s13 =	simm.s32 $0x2800;
	[sflag:s30] =	ssyncadd.s32 $0xFFFFD800  }
0x26a: {  	[spmem:s0] =	stream.indirect.scatter.add.f32 [tilespmem:s13], [sflag:$0x3], $0x80, s1, s10, $0xb8;
	[tilespmem:$0x1C500] =	vst v63  }
0x26b: {  	_ =	swait.ge [sflag:s30], $0x2800  }
0x26c: {  	[sflag:s30] =	ssyncset.done $0x0  }
0x26d: {  	[sflag:s30] =	ssyncadd.s32 $0xFFFFD800  }
0x26e: {  	[spmem:s2] =	stream.indirect.scatter.add.f32 [tilespmem:s29], [sflag:$0x3], $0x80, s1, s10, $0xb8;
	[tilespmem:$0x1C500] =	vst v63  }
0x26f: {  	_ =	swait.ge [sflag:s30], $0x2800  }
0x270: {  	[sflag:s30] =	ssyncset.done $0x0  }
0x271: {  	s14 =	simm.s32 $0x5000;
	[sflag:s30] =	ssyncadd.s32 $0xFFFFD800  }
0x272: {  	[spmem:s0] =	stream.indirect.scatter.add.f32 [tilespmem:s14], [sflag:$0x3], $0x80, s11, s10, $0xb8;
	[tilespmem:$0x1C500] =	vst v63  }
0x273: {  	_ =	swait.ge [sflag:s30], $0x2800  }
0x274: {  	[sflag:s30] =	ssyncset.done $0x0  }
0x275: {  	[sflag:s30] =	ssyncadd.s32 $0xFFFFD800  }
0x276: {  	[spmem:s2] =	stream.indirect.scatter.add.f32 [tilespmem:s29], [sflag:$0x3], $0x80, s11, s10, $0xb8;
	[tilespmem:$0x1C500] =	vst v63  }
0x277: {  	_ =	swait.ge [sflag:s30], $0x2800  }
0x278: {  	[sflag:s30] =	ssyncset.done $0x0  }
0x279: {  	[sflag:s30] =	ssyncadd.s32 $0xFFFFD800  }
0x27a: {  	[spmem:s0] =	stream.indirect.scatter.add.f32 [tilespmem:s15], [sflag:$0x3], $0x80, s21, s10, $0xb8;
	[tilespmem:$0x1C500] =	vst v63  }
0x27b: {  	_ =	swait.ge [sflag:s30], $0x2800  }
0x27c: {  	[sflag:s30] =	ssyncset.done $0x0  }
0x27d: {  	[sflag:s30] =	ssyncadd.s32 $0xFFFFD800  }
0x27e: {  	[spmem:s2] =	stream.indirect.scatter.add.f32 [tilespmem:s29], [sflag:$0x3], $0x80, s21, s10, $0xb8;
	[tilespmem:$0x1C500] =	vst v63  }
0x27f: {  	_ =	swait.ge [sflag:s30], $0x2800  }
0x280: {  	[sflag:s30] =	ssyncset.done $0x0  }
0x281: {  	[sflag:s30] =	ssyncadd.s32 $0xFFFFD800  }
0x282: {  	[spmem:s0] =	stream.indirect.scatter.add.f32 [tilespmem:s16], [sflag:$0x3], $0x80, s23, s10, $0xb8;
	[tilespmem:$0x1C500] =	vst v63  }
0x283: {  	_ =	swait.ge [sflag:s30], $0x2800  }
0x284: {  	[sflag:s30] =	ssyncset.done $0x0  }
.Ltmp2:
0x285: {  	[sflag:s30] =	ssyncadd.s32 $0xFFFFD800;
	(pc) =	sbr.rel @p1 .LBB2_3-.Ltmp2, $4  }
0x286: {  	[spmem:s2] =	stream.indirect.scatter.add.f32 [tilespmem:s29], [sflag:$0x3], $0x80, s23, s10, $0xb8;
	[tilespmem:$0x1C500] =	vst v63  }
0x287: {  	_ =	swait.ge [sflag:s30], $0x2800  }
0x288: {  	[sflag:s30] =	ssyncset.done $0x0  }
0x289: {  	[sflag:s30] =	ssyncadd.s32 $0xFFFFD800  }
.Ltmp3:
0x28a: {  	(pc) =	sbr.rel .LBB2_4-.Ltmp3, $2  }
0x28b: {  	_ =	sdelay $0x1  }
0x28c: {  	[bflag:$0x0] =	sbarrier.arrive $0xFFFF;
	_ =	sdelay $0x1  }
.LBB2_5:
0x28d: {  	_ =	sfence.sel $0x180000  }
0x28e: {  	[bflag:$0x0] =	sbarrier.arrive $0xFFFF  }
0x28f: {  	_ =	strace $0x90000047  }
0x290: {  	[bflag:$0x2] =	sbarrier.arrive $0xFFFF  }
0x291: {  	s0 =	rddreg [dreg:$0x5]  }
0x292: {  	s0 =	sadd.s32 @!p0 $0x100000, s0  }
0x293: {  	[sflag:s0] =	ssyncadd.tile.s32 @!p0 $0x1;
	_ =	shalt  }
.Lfunc_end2:
_tile_overlayer_lowered:
.L_overlay_start_2:
0x294: {  	(tag) =	ssettag $0x2  }
0x295: {  	s0 =	rddreg [dreg:$0x0];
	s2 =	stileid.u32  }
0x296: {  	s1 =	rddreg [dreg:$0x1];
	p0 =	sne.s32 s2, $0x0  }
0x297: {  	s3 =	rddreg [dreg:$0x2];
	[bflag:$0x3] =	sbarrier.arrive $0xFFFF;
	s2 =	simm.s32 @!p0 $0x1C03  }
0x298: {  	[timem:s3], [sflag:s2] =	dma.local @!p0 [hbm:s0], s1  }
0x299: {  	s0 =	simm.s32 @!p0 $0x3  }
0x29a: {  	_ =	swait.ge @!p0 [sflag:s0], s1  }
0x29b: {  	s1 =	ssub.s32 @!p0 $0x0, s1;
	[sflag:s0] =	ssyncset.done @!p0 $0x0  }
0x29c: {  	[sflag:s0] =	ssyncadd.s32 @!p0 s1  }
0x29d: {  	[bflag:$0x3] =	sbarrier.arrive $0xFFFF  }
0x29e: {  	_ =	shalt  }

</sc_bundles>
